<compile_context>
chip_gen: v7x
topology: tpu7x:2x2x1
jax: 0.10.2.dev20260603
libtpu: 0.0.44.dev20260713+nightly
codegen_flags: <defaults>
</compile_context>

<pallas_src>
import functools

import jax
import jax.numpy as jnp
from jax import lax
from jax.experimental import pallas as pl
from jax.experimental.pallas import tpu as pltpu
from jax.experimental.pallas import tpu_sc as plsc

_TM = 512


def _route_body(nt, tm, nb, cb, cap, x_ref, nw_ref, wr_ref,
                xn_ref, p0_ref, p1_ref, w0_ref, w1_ref,
                blke_ref, blkrow_ref, base_ref, ls_ref):
    i = pl.program_id(0)
    bt = x_ref.shape[0]
    e = wr_ref.shape[1]

    @pl.when(i == 0)
    def _():
        base_ref[...] = jnp.zeros_like(base_ref)
        ri = jax.lax.broadcasted_iota(jnp.int32, (bt, bt), 0)
        ci = jax.lax.broadcasted_iota(jnp.int32, (bt, bt), 1)
        ls_ref[...] = (ri > ci).astype(jnp.bfloat16)

    x = x_ref[...]
    xb = x.astype(jnp.bfloat16)
    ones = jnp.full((x.shape[1], 128), 1.0 / x.shape[1], jnp.bfloat16)
    ms = jnp.dot(xb * xb, ones, preferred_element_type=jnp.float32)[:, :1]
    xn = x * nw_ref[...] * jax.lax.rsqrt(ms + 1e-6)
    xn_ref[...] = xn

    aff = jnp.dot(xn, wr_ref[...], preferred_element_type=jnp.float32)
    iota = jax.lax.broadcasted_iota(jnp.int32, aff.shape, 1)
    m0 = jnp.max(aff, axis=-1, keepdims=True)
    i0 = jnp.min(jnp.where(aff == m0, iota, e), axis=-1, keepdims=True)
    aff1 = jnp.where(iota == i0, -jnp.inf, aff)
    m1 = jnp.max(aff1, axis=-1, keepdims=True)
    i1 = jnp.min(jnp.where(aff1 == m1, iota, e), axis=-1, keepdims=True)
    w0_ref[...] = m0
    w1_ref[...] = m1

    oh0 = (iota == i0).astype(jnp.float32)
    oh1 = (iota == i1).astype(jnp.float32)
    ohc = jnp.concatenate([oh0, oh1], axis=1).astype(jnp.bfloat16)
    cc = jnp.dot(ls_ref[...], ohc, preferred_element_type=jnp.float32)
    c0 = cc[:, :e]
    c1 = cc[:, e:]
    base = base_ref[...]
    s0 = jnp.sum(oh0, axis=0, keepdims=True)
    s1 = jnp.sum(oh1, axis=0, keepdims=True)
    r0 = jnp.sum(oh0 * (c0 + base), axis=-1, keepdims=True)
    r1 = jnp.sum(oh1 * (c1 + base + s0), axis=-1, keepdims=True)
    p0_ref[...] = (i0 * cap + r0.astype(jnp.int32))[:, 0]
    p1_ref[...] = (i1 * cap + r1.astype(jnp.int32))[:, 0]
    total = base + s0 + s1
    base_ref[...] = total

    nblk = jnp.floor((total + (tm - 1)) * (1.0 / tm))
    re = jax.lax.broadcasted_iota(jnp.int32, (e, e), 0)
    ce = jax.lax.broadcasted_iota(jnp.int32, (e, e), 1)
    lse = (re < ce).astype(jnp.float32)
    start = jnp.dot(nblk, lse, preferred_element_type=jnp.float32)
    ends = start + nblk
    ntot = jnp.sum(nblk, axis=-1, keepdims=True)
    bi = (jax.lax.broadcasted_iota(jnp.int32, (e, nb), 1)
          .astype(jnp.float32))
    eofb = jnp.sum((ends.reshape(e, 1) <= bi).astype(jnp.int32), axis=0,
                   keepdims=True)
    eofb = jnp.minimum(eofb, e - 1)
    ohb = (eofb == jax.lax.broadcasted_iota(jnp.int32, (e, nb), 0))
    startofb = jnp.sum(jnp.where(ohb, start.reshape(e, 1), 0.0), axis=0,
                       keepdims=True)
    bi0 = bi[0:1, :]
    row = (eofb * cb).astype(jnp.float32) + bi0 - startofb
    row = jnp.where(bi0 < ntot, row, float(e * cb))
    blke_ref[...] = eofb
    blkrow_ref[...] = row.astype(jnp.int32)


def _ffn_body(blke_ref, blkrow_ref, xg_ref, w1_ref, wg_ref, w2_ref,
              b1_ref, b2_ref, yg_ref):
    xb = xg_ref[...].astype(jnp.bfloat16)
    h = jnp.dot(xb, w1_ref[0], preferred_element_type=jnp.float32)
    h = h + b1_ref[0]
    g = jnp.dot(h.astype(jnp.bfloat16), wg_ref[...],
                preferred_element_type=jnp.float32)
    h = h * (g * (1.0 / (1.0 + jnp.exp(-g))))
    y = jnp.dot(h.astype(jnp.bfloat16), w2_ref[0],
                preferred_element_type=jnp.float32)
    yg_ref[...] = y + b2_ref[0]


def _combine_body(x_ref, nw_ref, r0_ref, r1_ref, w0_ref, w1_ref,
                  w1s_ref, wgs_ref, w2s_ref, b1s_ref, b2s_ref, out_ref):
    x = x_ref[...]
    xb = x.astype(jnp.bfloat16)
    ones = jnp.full((x.shape[1], 128), 1.0 / x.shape[1], jnp.bfloat16)
    ms = jnp.dot(xb * xb, ones, preferred_element_type=jnp.float32)[:, :1]
    xn = x * nw_ref[...] * jax.lax.rsqrt(ms + 1e-6)
    h = jnp.dot(xn.astype(jnp.bfloat16), w1s_ref[...],
                preferred_element_type=jnp.float32)
    h = h + b1s_ref[...]
    g = jnp.dot(h.astype(jnp.bfloat16), wgs_ref[...],
                preferred_element_type=jnp.float32)
    h = h * (g * (1.0 / (1.0 + jnp.exp(-g))))
    y = jnp.dot(h.astype(jnp.bfloat16), w2s_ref[...],
                preferred_element_type=jnp.float32)
    y = y + b2s_ref[...]
    out_ref[...] = (x + y
                    + w0_ref[...] * r0_ref[...] + w1_ref[...] * r1_ref[...])


def _sc_dims(T):
    info = plsc.get_sparse_core_info()
    nc, ns = info.num_cores, info.num_subcores
    return nc, ns, T // (nc * ns)


def _make_scatter(T, D, P2, C):
    nc, ns, chunk = _sc_dims(T)
    half = chunk // 2
    mesh = plsc.VectorSubcoreMesh(core_axis_name="c", subcore_axis_name="s")

    q = chunk // 4

    @functools.partial(
        pl.kernel, mesh=mesh,
        out_type=[jax.ShapeDtypeStruct((P2, D), jnp.float32)],
        scratch_types=[
            pltpu.VMEM((q, D), jnp.float32),
            pltpu.VMEM((q, D), jnp.float32),
            pltpu.VMEM((chunk,), jnp.int32),
            pltpu.VMEM((chunk,), jnp.int32),
            pltpu.VMEM((q,), jnp.int32),
            pltpu.VMEM((q,), jnp.int32),
            pltpu.VMEM((q,), jnp.int32),
            pltpu.VMEM((q,), jnp.int32),
            pltpu.SemaphoreType.DMA,
            pltpu.SemaphoreType.DMA,
            pltpu.SemaphoreType.DMA,
            pltpu.SemaphoreType.DMA,
            pltpu.SemaphoreType.DMA,
            pltpu.SemaphoreType.DMA,
        ],
    )
    def scatter_k(xn_hbm, p0_hbm, p1_hbm, xg_hbm,
                  rows_a, rows_b, p0_v, p1_v,
                  pa0, pa1, pb0, pb1, la, lb, sa0, sa1, sb0, sb1):
        wid = lax.axis_index("s") * nc + lax.axis_index("c")
        base = wid * chunk
        pltpu.sync_copy(p0_hbm.at[pl.ds(base, chunk)], p0_v)
        pltpu.sync_copy(p1_hbm.at[pl.ds(base, chunk)], p1_v)

        rows = (rows_a, rows_b)
        idx = ((pa0, pa1), (pb0, pb1))
        lsem = (la, lb)
        ssem = ((sa0, sa1), (sb0, sb1))

        def fill(pb, pv, t):
            for j in range(q // 16):
                pb[pl.ds(j * 16, 16)] = pv[pl.ds(t * q + j * 16, 16)]

        lds = [None, None]
        scs = [None, None]
        lds[0] = pltpu.async_copy(xn_hbm.at[pl.ds(base, q)], rows[0], la)
        lds[1] = pltpu.async_copy(xn_hbm.at[pl.ds(base + q, q)], rows[1], lb)
        for t in range(4):
            par = t % 2
            fill(idx[par][0], p0_v, t)
            fill(idx[par][1], p1_v, t)
            lds[par].wait()
            s0 = pltpu.async_copy(rows[par], xg_hbm.at[idx[par][0]],
                                  ssem[par][0])
            s1 = pltpu.async_copy(rows[par], xg_hbm.at[idx[par][1]],
                                  ssem[par][1])
            scs[par] = (s0, s1)
            if 1 <= t <= 2:
                opar = 1 - par
                scs[opar][0].wait()
                scs[opar][1].wait()
                lds[opar] = pltpu.async_copy(
                    xn_hbm.at[pl.ds(base + (t + 1) * q, q)], rows[opar],
                    lsem[opar])
        scs[0][0].wait()
        scs[0][1].wait()
        scs[1][0].wait()
        scs[1][1].wait()

    return scatter_k


def _make_gather(T, D, P2, C):
    nc, ns, chunk = _sc_dims(T)
    half = chunk // 2
    mesh = plsc.VectorSubcoreMesh(core_axis_name="c", subcore_axis_name="s")

    q = chunk // 4

    @functools.partial(
        pl.kernel, mesh=mesh,
        out_type=[
            jax.ShapeDtypeStruct((T, D), jnp.float32),
            jax.ShapeDtypeStruct((T, D), jnp.float32),
        ],
        scratch_types=[
            pltpu.VMEM((q, D), jnp.float32),
            pltpu.VMEM((q, D), jnp.float32),
            pltpu.VMEM((chunk,), jnp.int32),
            pltpu.VMEM((chunk,), jnp.int32),
            pltpu.SemaphoreType.DMA,
            pltpu.SemaphoreType.DMA,
            pltpu.SemaphoreType.DMA,
            pltpu.SemaphoreType.DMA,
        ],
    )
    def gather_k(yg_hbm, p0_hbm, p1_hbm,
                 r0out_hbm, r1out_hbm,
                 rows_a, rows_b, p0_v, p1_v,
                 ga, gb, wa, wb):
        wid = lax.axis_index("s") * nc + lax.axis_index("c")
        base = wid * chunk
        pltpu.sync_copy(p0_hbm.at[pl.ds(base, chunk)], p0_v)
        pltpu.sync_copy(p1_hbm.at[pl.ds(base, chunk)], p1_v)

        pw0 = pw1 = None
        for t in range(4):
            if pw0 is not None:
                pw0.wait()
                pw1.wait()
            g0 = pltpu.async_copy(yg_hbm.at[p0_v.at[pl.ds(t * q, q)]],
                                  rows_a, ga)
            g1 = pltpu.async_copy(yg_hbm.at[p1_v.at[pl.ds(t * q, q)]],
                                  rows_b, gb)
            g0.wait()
            pw0 = pltpu.async_copy(rows_a,
                                   r0out_hbm.at[pl.ds(base + t * q, q)], wa)
            g1.wait()
            pw1 = pltpu.async_copy(rows_b,
                                   r1out_hbm.at[pl.ds(base + t * q, q)], wb)
        pw0.wait()
        pw1.wait()

    return gather_k


def kernel(x, norm_w, Wr, W1s, b1s, W2s, b2s, Wgs, W1r, b1r, W2r, b2r, Wgr):
    B, S, D = x.shape
    E = Wr.shape[-1]
    H = W1r.shape[-1]
    T = B * S
    TM = _TM
    CAP = T
    CB = CAP // TM
    P2 = E * CAP + TM
    NB = (2 * T + E * TM) // TM
    BTA = min(1024, T)

    xf = x.reshape(T, D)
    nw = norm_w.reshape(1, D)
    bf = jnp.bfloat16

    nt = T // BTA
    outs = pl.pallas_call(
        functools.partial(_route_body, nt, TM, NB, CB, CAP),
        grid=(nt,),
        in_specs=[
            pl.BlockSpec((BTA, D), lambda i: (i, 0)),
            pl.BlockSpec((1, D), lambda i: (0, 0)),
            pl.BlockSpec((D, E), lambda i: (0, 0)),
        ],
        out_specs=[
            pl.BlockSpec((BTA, D), lambda i: (i, 0)),
            pl.BlockSpec((BTA,), lambda i: (i,)),
            pl.BlockSpec((BTA,), lambda i: (i,)),
            pl.BlockSpec((BTA, 1), lambda i: (i, 0)),
            pl.BlockSpec((BTA, 1), lambda i: (i, 0)),
            pl.BlockSpec((1, NB), lambda i: (0, 0)),
            pl.BlockSpec((1, NB), lambda i: (0, 0)),
        ],
        out_shape=[
            jax.ShapeDtypeStruct((T, D), jnp.float32),
            jax.ShapeDtypeStruct((T,), jnp.int32),
            jax.ShapeDtypeStruct((T,), jnp.int32),
            jax.ShapeDtypeStruct((T, 1), jnp.float32),
            jax.ShapeDtypeStruct((T, 1), jnp.float32),
            jax.ShapeDtypeStruct((1, NB), jnp.int32),
            jax.ShapeDtypeStruct((1, NB), jnp.int32),
        ],
        scratch_shapes=[pltpu.VMEM((1, E), jnp.float32),
                        pltpu.VMEM((BTA, BTA), jnp.bfloat16)],
    )(xf, nw, Wr)
    xn, pos0, pos1, w0, w1, blke, blkrow = outs

    (xg,) = _make_scatter(T, D, P2, CAP)(xn, pos0, pos1)

    w1r_b = W1r.astype(bf)
    w2r_b = W2r.astype(bf)
    wgr_b = Wgr.astype(bf)
    yg = pl.pallas_call(
        _ffn_body,
        grid_spec=pltpu.PrefetchScalarGridSpec(
            num_scalar_prefetch=2,
            grid=(NB,),
            in_specs=[
                pl.BlockSpec((TM, D), lambda b, be, br: (br[b], 0)),
                pl.BlockSpec((1, D, H), lambda b, be, br: (be[b], 0, 0)),
                pl.BlockSpec((H, H), lambda b, be, br: (0, 0)),
                pl.BlockSpec((1, H, D), lambda b, be, br: (be[b], 0, 0)),
                pl.BlockSpec((1, 1, H), lambda b, be, br: (be[b], 0, 0)),
                pl.BlockSpec((1, 1, D), lambda b, be, br: (be[b], 0, 0)),
            ],
            out_specs=pl.BlockSpec((TM, D), lambda b, be, br: (br[b], 0)),
        ),
        compiler_params=pltpu.CompilerParams(
            dimension_semantics=("parallel",)),
        out_shape=jax.ShapeDtypeStruct((P2, D), jnp.float32),
    )(blke.reshape(NB), blkrow.reshape(NB), xg, w1r_b, wgr_b, w2r_b,
      b1r, b2r)

    rg0, rg1 = _make_gather(T, D, P2, CAP)(yg, pos0, pos1)

    BTC = 512
    out = pl.pallas_call(
        _combine_body,
        grid=(T // BTC,),
        in_specs=[
            pl.BlockSpec((BTC, D), lambda i: (i, 0)),
            pl.BlockSpec((1, D), lambda i: (0, 0)),
            pl.BlockSpec((BTC, D), lambda i: (i, 0)),
            pl.BlockSpec((BTC, D), lambda i: (i, 0)),
            pl.BlockSpec((BTC, 1), lambda i: (i, 0)),
            pl.BlockSpec((BTC, 1), lambda i: (i, 0)),
            pl.BlockSpec((D, H), lambda i: (0, 0)),
            pl.BlockSpec((H, H), lambda i: (0, 0)),
            pl.BlockSpec((H, D), lambda i: (0, 0)),
            pl.BlockSpec((1, H), lambda i: (0, 0)),
            pl.BlockSpec((1, D), lambda i: (0, 0)),
        ],
        out_specs=pl.BlockSpec((BTC, D), lambda i: (i, 0)),
        compiler_params=pltpu.CompilerParams(
            dimension_semantics=("parallel",)),
        out_shape=jax.ShapeDtypeStruct((T, D), jnp.float32),
    )(xf, nw, rg0, rg1, w0, w1,
      W1s[0].astype(bf), Wgs.astype(bf), W2s[0].astype(bf),
      b1s[:, 0, :], b2s[:, 0, :])
    return out.reshape(B, S, D)

# --- scband reference (transcript-rebuilt; emitter-appended) ---
"""Pipeline reference for scband-deep-seek-mo-e-26199300505737 (READ-ONLY COPY).

The authoritative reference and input builder live on the scoring server;
editing this copy changes nothing except your own understanding.
"""

import jax, jax.numpy as jnp
import numpy as np
import math

B, S = 2, 2048
D_MODEL = 1024
D_HIDDEN = 512
N_SHARED = 1
N_ROUTED = 8
TOP_K = 2


def _swiglu(h, Wg):
    # SwiGLU module with learned gate projection (d_hidden -> d_hidden):
    # out = silu(h @ Wg) * h
    return jax.nn.silu(jnp.matmul(h, Wg)) * h


def _rmsnorm(x, w):
    return x * w / jnp.sqrt(jnp.mean(x * x, axis=-1, keepdims=True) + 1e-6)


def setup_inputs(seed: int = 0) -> dict:
    key = jax.random.key(seed)
    ks = jax.random.split(key, 12)
    bound1 = 1.0 / math.sqrt(D_MODEL)  # 1/sqrt(d_input)
    bound2 = 1.0 / math.sqrt(D_MODEL)  # 1/sqrt(d_output) = d_model
    boundg = 1.0 / math.sqrt(D_HIDDEN)
    inp = {}
    inp['x'] = jax.random.normal(ks[0], (B, S, D_MODEL), dtype=jnp.float32)
    inp['norm_w'] = jnp.ones((D_MODEL,), dtype=jnp.float32)
    inp['Wr'] = jax.random.uniform(ks[1], (D_MODEL, N_ROUTED), jnp.float32, -bound1, bound1)
    # shared experts
    inp['W1s'] = jax.random.uniform(ks[2], (N_SHARED, D_MODEL, D_HIDDEN), jnp.float32, -bound1, bound1)
    inp['b1s'] = jnp.zeros((N_SHARED, 1, D_HIDDEN), jnp.float32)
    inp['W2s'] = jax.random.uniform(ks[3], (N_SHARED, D_HIDDEN, D_MODEL), jnp.float32, -bound2, bound2)
    inp['b2s'] = jnp.zeros((N_SHARED, 1, D_MODEL), jnp.float32)
    inp['Wgs'] = jax.random.uniform(ks[4], (D_HIDDEN, D_HIDDEN), jnp.float32, -boundg, boundg)
    # routed experts
    inp['W1r'] = jax.random.uniform(ks[5], (N_ROUTED, D_MODEL, D_HIDDEN), jnp.float32, -bound1, bound1)
    inp['b1r'] = jnp.zeros((N_ROUTED, 1, D_HIDDEN), jnp.float32)
    inp['W2r'] = jax.random.uniform(ks[6], (N_ROUTED, D_HIDDEN, D_MODEL), jnp.float32, -bound2, bound2)
    inp['b2r'] = jnp.zeros((N_ROUTED, 1, D_MODEL), jnp.float32)
    inp['Wgr'] = jax.random.uniform(ks[7], (D_HIDDEN, D_HIDDEN), jnp.float32, -boundg, boundg)
    return inp


def reference(x, norm_w, Wr, W1s, b1s, W2s, b2s, Wgs, W1r, b1r, W2r, b2r, Wgr):
    Bm, Sm, D = x.shape
    inputs = _rmsnorm(x, norm_w)
    # ---- shared experts: (1, T, D) batched against (n_shared, D, H) ----
    xf = inputs.reshape(1, -1, D)
    hs = _swiglu(jnp.matmul(xf, W1s) + b1s, Wgs)          # (n_shared, T, H)
    so = jnp.matmul(hs, W2s) + b2s                         # (n_shared, T, D)
    shared_output = jnp.sum(so.reshape(N_SHARED, Bm, Sm, D), axis=0)
    # ---- router ----
    raw_affinity = jnp.matmul(inputs, Wr)                  # (B, S, E)
    affinity = raw_affinity  # expert_bias = False
    _, activated_indices = jax.lax.top_k(affinity, TOP_K)  # (B, S, k)
    # ---- routed experts: dense per-expert compute, then gather top-k outputs ----
    # Mathematically identical to gathering per-token weights W1[idx] as in torch,
    # but avoids materializing (B,S,k,D,H) gathered weight tensors.
    h_all = _swiglu(jnp.einsum('bsd,edh->bseh', inputs, W1r) + b1r[:, 0, :][None, None], Wgr)
    out_all = jnp.einsum('bseh,eho->bseo', h_all, W2r) + b2r[:, 0, :][None, None]  # (B,S,E,D)
    batched_routed_output = jnp.take_along_axis(out_all, activated_indices[..., None], axis=2)  # (B,S,k,D)
    activated_affinity = jnp.take_along_axis(raw_affinity, activated_indices, axis=-1)[..., None, :]  # (B,S,1,k)
    routed_output = jnp.matmul(activated_affinity, batched_routed_output)[..., 0, :]  # (B,S,D)
    return x + shared_output + routed_output

if __name__ == "__main__":
    import jax
    _d = setup_inputs()
    print(jax.jit(kernel)(*tuple(_d.values())))

</pallas_src>

<mosaic_0001>
#map = affine_map<(d0, d1) -> (0, 0)>
#map1 = affine_map<(d0, d1) -> (0)>
module attributes {stable_mosaic.version = 14 : i64} {
  func.func @scatter_k(%arg0: i32, %arg1: i32, %arg2: memref<4096x1024xf32, #tpu.memory_space<hbm>>, %arg3: memref<4096xi32, #tpu.memory_space<hbm>>, %arg4: memref<4096xi32, #tpu.memory_space<hbm>>, %arg5: memref<33280x1024xf32, #tpu.memory_space<hbm>>, %arg6: memref<32x1024xf32, #tpu.memory_space<vmem>>, %arg7: memref<32x1024xf32, #tpu.memory_space<vmem>>, %arg8: memref<128xi32, #tpu.memory_space<vmem>>, %arg9: memref<128xi32, #tpu.memory_space<vmem>>, %arg10: memref<32xi32, #tpu.memory_space<vmem>>, %arg11: memref<32xi32, #tpu.memory_space<vmem>>, %arg12: memref<32xi32, #tpu.memory_space<vmem>>, %arg13: memref<32xi32, #tpu.memory_space<vmem>>, %arg14: memref<!tpu.dma_semaphore, #tpu.memory_space<semaphore_mem>>, %arg15: memref<!tpu.dma_semaphore, #tpu.memory_space<semaphore_mem>>, %arg16: memref<!tpu.dma_semaphore, #tpu.memory_space<semaphore_mem>>, %arg17: memref<!tpu.dma_semaphore, #tpu.memory_space<semaphore_mem>>, %arg18: memref<!tpu.dma_semaphore, #tpu.memory_space<semaphore_mem>>, %arg19: memref<!tpu.dma_semaphore, #tpu.memory_space<semaphore_mem>>) attributes {dimension_semantics = [#tpu.dimension_semantics<core_parallel>, #tpu.dimension_semantics<subcore_parallel>], iteration_bounds = array<i64: 2, 16>, scalar_prefetch = 0 : i64, scratch_operands = 14 : i64, tpu.core_type = #tpu.core_type<sc_vector_subcore>, window_params = [{transform_indices = #map}, {transform_indices = #map1}, {transform_indices = #map1}, {transform_indices = #map}]} {
    %mul3A = arith.constant 2 : i32
    %mul3A_0 = arith.muli %arg1, %mul3A : i32
    %add3A = arith.addi %mul3A_0, %arg0 : i32
    %mul3A_1 = arith.constant 128 : i32
    %mul3A_2 = arith.muli %add3A, %mul3A_1 : i32
    "tpu.region"() ({
      %run_scoped3A = tpu.sem_alloc : memref<!tpu.dma_semaphore, #tpu.memory_space<semaphore_mem>>
      %dma_start3A_197 = tpu.memref_slice %arg3[%mul3A_2] : memref<4096xi32, #tpu.memory_space<hbm>> -> memref<128xi32, #tpu.memory_space<hbm>>
      %dma_start3A_198 = tpu.memref_slice %arg3[%mul3A_2] : memref<4096xi32, #tpu.memory_space<hbm>> -> memref<128xi32, #tpu.memory_space<hbm>>
      tpu.enqueue_dma source(%dma_start3A_198 : memref<128xi32, #tpu.memory_space<hbm>>) target(%arg8 : memref<128xi32, #tpu.memory_space<vmem>>) target_semaphore(%run_scoped3A : memref<!tpu.dma_semaphore, #tpu.memory_space<semaphore_mem>>)
      %dma_wait3A_199 = tpu.memref_slice %arg3[%mul3A_2] : memref<4096xi32, #tpu.memory_space<hbm>> -> memref<128xi32, #tpu.memory_space<hbm>>
      %dma_wait3A_200 = tpu.memref_slice %arg3[%mul3A_2] : memref<4096xi32, #tpu.memory_space<hbm>> -> memref<128xi32, #tpu.memory_space<hbm>>
      tpu.wait_dma2 semaphore(%run_scoped3A : memref<!tpu.dma_semaphore, #tpu.memory_space<semaphore_mem>>) src(%dma_wait3A_200 : memref<128xi32, #tpu.memory_space<hbm>>) dst(%arg8 : memref<128xi32, #tpu.memory_space<vmem>>)
      tpu.yield
    }) : () -> ()
    "tpu.region"() ({
      %run_scoped3A = tpu.sem_alloc : memref<!tpu.dma_semaphore, #tpu.memory_space<semaphore_mem>>
      %dma_start3A_197 = tpu.memref_slice %arg4[%mul3A_2] : memref<4096xi32, #tpu.memory_space<hbm>> -> memref<128xi32, #tpu.memory_space<hbm>>
      %dma_start3A_198 = tpu.memref_slice %arg4[%mul3A_2] : memref<4096xi32, #tpu.memory_space<hbm>> -> memref<128xi32, #tpu.memory_space<hbm>>
      tpu.enqueue_dma source(%dma_start3A_198 : memref<128xi32, #tpu.memory_space<hbm>>) target(%arg9 : memref<128xi32, #tpu.memory_space<vmem>>) target_semaphore(%run_scoped3A : memref<!tpu.dma_semaphore, #tpu.memory_space<semaphore_mem>>)
      %dma_wait3A_199 = tpu.memref_slice %arg4[%mul3A_2] : memref<4096xi32, #tpu.memory_space<hbm>> -> memref<128xi32, #tpu.memory_space<hbm>>
      %dma_wait3A_200 = tpu.memref_slice %arg4[%mul3A_2] : memref<4096xi32, #tpu.memory_space<hbm>> -> memref<128xi32, #tpu.memory_space<hbm>>
      tpu.wait_dma2 semaphore(%run_scoped3A : memref<!tpu.dma_semaphore, #tpu.memory_space<semaphore_mem>>) src(%dma_wait3A_200 : memref<128xi32, #tpu.memory_space<hbm>>) dst(%arg9 : memref<128xi32, #tpu.memory_space<vmem>>)
      tpu.yield
    }) : () -> ()
    %dma_start3A = arith.constant 0 : i32
    %dma_start3A_3 = tpu.memref_slice %arg2[%mul3A_2, %dma_start3A] : memref<4096x1024xf32, #tpu.memory_space<hbm>> -> memref<32x1024xf32, #tpu.memory_space<hbm>>
    %dma_start3A_4 = arith.constant 0 : i32
    %dma_start3A_5 = tpu.memref_slice %arg2[%mul3A_2, %dma_start3A_4] : memref<4096x1024xf32, #tpu.memory_space<hbm>> -> memref<32x1024xf32, #tpu.memory_space<hbm>>
    tpu.enqueue_dma source(%dma_start3A_5 : memref<32x1024xf32, #tpu.memory_space<hbm>>) target(%arg6 : memref<32x1024xf32, #tpu.memory_space<vmem>>) target_semaphore(%arg14 : memref<!tpu.dma_semaphore, #tpu.memory_space<semaphore_mem>>)
    %add3A_6 = arith.constant 32 : i32
    %add3A_7 = arith.addi %mul3A_2, %add3A_6 : i32
    %dma_start3A_8 = arith.constant 0 : i32
    %dma_start3A_9 = tpu.memref_slice %arg2[%add3A_7, %dma_start3A_8] : memref<4096x1024xf32, #tpu.memory_space<hbm>> -> memref<32x1024xf32, #tpu.memory_space<hbm>>
    %dma_start3A_10 = arith.constant 0 : i32
    %dma_start3A_11 = tpu.memref_slice %arg2[%add3A_7, %dma_start3A_10] : memref<4096x1024xf32, #tpu.memory_space<hbm>> -> memref<32x1024xf32, #tpu.memory_space<hbm>>
    tpu.enqueue_dma source(%dma_start3A_11 : memref<32x1024xf32, #tpu.memory_space<hbm>>) target(%arg7 : memref<32x1024xf32, #tpu.memory_space<vmem>>) target_semaphore(%arg15 : memref<!tpu.dma_semaphore, #tpu.memory_space<semaphore_mem>>)
    %get3A = arith.constant 0 : index
    %get3A_12 = tpu.vector_load %arg8[%get3A] {strides = array<i32>} : memref<128xi32, #tpu.memory_space<vmem>>, vector<16xi32>,
    %get3A_13 = vector.shape_cast %get3A_12 : vector<16xi32> to vector<16xi32>
    %swap3A = arith.constant 0 : index
    %swap3A_14 = tpu.vector_load %arg10[%swap3A] {strides = array<i32>} : memref<32xi32, #tpu.memory_space<vmem>>, vector<16xi32>,
    %swap3A_15 = vector.shape_cast %swap3A_14 : vector<16xi32> to vector<16xi32>
    %swap3A_16 = vector.shape_cast %get3A_13 : vector<16xi32> to vector<16xi32>
    tpu.vector_store %arg10[%swap3A], %swap3A_16 {strides = array<i32>} : memref<32xi32, #tpu.memory_space<vmem>>, vector<16xi32>,
    %get3A_17 = arith.constant 16 : index
    %get3A_18 = tpu.vector_load %arg8[%get3A_17] {strides = array<i32>} : memref<128xi32, #tpu.memory_space<vmem>>, vector<16xi32>,
    %get3A_19 = vector.shape_cast %get3A_18 : vector<16xi32> to vector<16xi32>
    %swap3A_20 = arith.constant 16 : index
    %swap3A_21 = tpu.vector_load %arg10[%swap3A_20] {strides = array<i32>} : memref<32xi32, #tpu.memory_space<vmem>>, vector<16xi32>,
    %swap3A_22 = vector.shape_cast %swap3A_21 : vector<16xi32> to vector<16xi32>
    %swap3A_23 = vector.shape_cast %get3A_19 : vector<16xi32> to vector<16xi32>
    tpu.vector_store %arg10[%swap3A_20], %swap3A_23 {strides = array<i32>} : memref<32xi32, #tpu.memory_space<vmem>>, vector<16xi32>,
    %get3A_24 = arith.constant 0 : index
    %get3A_25 = tpu.vector_load %arg9[%get3A_24] {strides = array<i32>} : memref<128xi32, #tpu.memory_space<vmem>>, vector<16xi32>,
    %get3A_26 = vector.shape_cast %get3A_25 : vector<16xi32> to vector<16xi32>
    %swap3A_27 = arith.constant 0 : index
    %swap3A_28 = tpu.vector_load %arg11[%swap3A_27] {strides = array<i32>} : memref<32xi32, #tpu.memory_space<vmem>>, vector<16xi32>,
    %swap3A_29 = vector.shape_cast %swap3A_28 : vector<16xi32> to vector<16xi32>
    %swap3A_30 = vector.shape_cast %get3A_26 : vector<16xi32> to vector<16xi32>
    tpu.vector_store %arg11[%swap3A_27], %swap3A_30 {strides = array<i32>} : memref<32xi32, #tpu.memory_space<vmem>>, vector<16xi32>,
    %get3A_31 = arith.constant 16 : index
    %get3A_32 = tpu.vector_load %arg9[%get3A_31] {strides = array<i32>} : memref<128xi32, #tpu.memory_space<vmem>>, vector<16xi32>,
    %get3A_33 = vector.shape_cast %get3A_32 : vector<16xi32> to vector<16xi32>
    %swap3A_34 = arith.constant 16 : index
    %swap3A_35 = tpu.vector_load %arg11[%swap3A_34] {strides = array<i32>} : memref<32xi32, #tpu.memory_space<vmem>>, vector<16xi32>,
    %swap3A_36 = vector.shape_cast %swap3A_35 : vector<16xi32> to vector<16xi32>
    %swap3A_37 = vector.shape_cast %get3A_33 : vector<16xi32> to vector<16xi32>
    tpu.vector_store %arg11[%swap3A_34], %swap3A_37 {strides = array<i32>} : memref<32xi32, #tpu.memory_space<vmem>>, vector<16xi32>,
    %dma_wait3A = arith.constant 0 : i32
    %dma_wait3A_38 = tpu.memref_slice %arg2[%mul3A_2, %dma_wait3A] : memref<4096x1024xf32, #tpu.memory_space<hbm>> -> memref<32x1024xf32, #tpu.memory_space<hbm>>
    %dma_wait3A_39 = arith.constant 0 : i32
    %dma_wait3A_40 = tpu.memref_slice %arg2[%mul3A_2, %dma_wait3A_39] : memref<4096x1024xf32, #tpu.memory_space<hbm>> -> memref<32x1024xf32, #tpu.memory_space<hbm>>
    tpu.wait_dma2 semaphore(%arg14 : memref<!tpu.dma_semaphore, #tpu.memory_space<semaphore_mem>>) src(%dma_wait3A_40 : memref<32x1024xf32, #tpu.memory_space<hbm>>) dst(%arg6 : memref<32x1024xf32, #tpu.memory_space<vmem>>)
    %dma_start3A_41 = arith.constant 0 : i32
    %dma_start3A_42 = arith.constant 0 : i32
    %dma_start3A_43 = tpu.memref_slice %arg5[%dma_start3A_41, %dma_start3A_42] : memref<33280x1024xf32, #tpu.memory_space<hbm>> -> memref<33280x1024xf32, #tpu.memory_space<hbm>>
    tpu.enqueue_indirect_dma source(%arg6 : memref<32x1024xf32, #tpu.memory_space<vmem>>) target(%dma_start3A_43 : memref<33280x1024xf32, #tpu.memory_space<hbm>>) offsets(%arg10 : memref<32xi32, #tpu.memory_space<vmem>>) semaphore(%arg16 : memref<!tpu.dma_semaphore, #tpu.memory_space<semaphore_mem>>)
    %dma_start3A_44 = arith.constant 0 : i32
    %dma_start3A_45 = arith.constant 0 : i32
    %dma_start3A_46 = tpu.memref_slice %arg5[%dma_start3A_44, %dma_start3A_45] : memref<33280x1024xf32, #tpu.memory_space<hbm>> -> memref<33280x1024xf32, #tpu.memory_space<hbm>>
    tpu.enqueue_indirect_dma source(%arg6 : memref<32x1024xf32, #tpu.memory_space<vmem>>) target(%dma_start3A_46 : memref<33280x1024xf32, #tpu.memory_space<hbm>>) offsets(%arg11 : memref<32xi32, #tpu.memory_space<vmem>>) semaphore(%arg17 : memref<!tpu.dma_semaphore, #tpu.memory_space<semaphore_mem>>)
    %get3A_47 = arith.constant 32 : index
    %get3A_48 = tpu.vector_load %arg8[%get3A_47] {strides = array<i32>} : memref<128xi32, #tpu.memory_space<vmem>>, vector<16xi32>,
    %get3A_49 = vector.shape_cast %get3A_48 : vector<16xi32> to vector<16xi32>
    %swap3A_50 = arith.constant 0 : index
    %swap3A_51 = tpu.vector_load %arg12[%swap3A_50] {strides = array<i32>} : memref<32xi32, #tpu.memory_space<vmem>>, vector<16xi32>,
    %swap3A_52 = vector.shape_cast %swap3A_51 : vector<16xi32> to vector<16xi32>
    %swap3A_53 = vector.shape_cast %get3A_49 : vector<16xi32> to vector<16xi32>
    tpu.vector_store %arg12[%swap3A_50], %swap3A_53 {strides = array<i32>} : memref<32xi32, #tpu.memory_space<vmem>>, vector<16xi32>,
    %get3A_54 = arith.constant 48 : index
    %get3A_55 = tpu.vector_load %arg8[%get3A_54] {strides = array<i32>} : memref<128xi32, #tpu.memory_space<vmem>>, vector<16xi32>,
    %get3A_56 = vector.shape_cast %get3A_55 : vector<16xi32> to vector<16xi32>
    %swap3A_57 = arith.constant 16 : index
    %swap3A_58 = tpu.vector_load %arg12[%swap3A_57] {strides = array<i32>} : memref<32xi32, #tpu.memory_space<vmem>>, vector<16xi32>,
    %swap3A_59 = vector.shape_cast %swap3A_58 : vector<16xi32> to vector<16xi32>
    %swap3A_60 = vector.shape_cast %get3A_56 : vector<16xi32> to vector<16xi32>
    tpu.vector_store %arg12[%swap3A_57], %swap3A_60 {strides = array<i32>} : memref<32xi32, #tpu.memory_space<vmem>>, vector<16xi32>,
    %get3A_61 = arith.constant 32 : index
    %get3A_62 = tpu.vector_load %arg9[%get3A_61] {strides = array<i32>} : memref<128xi32, #tpu.memory_space<vmem>>, vector<16xi32>,
    %get3A_63 = vector.shape_cast %get3A_62 : vector<16xi32> to vector<16xi32>
    %swap3A_64 = arith.constant 0 : index
    %swap3A_65 = tpu.vector_load %arg13[%swap3A_64] {strides = array<i32>} : memref<32xi32, #tpu.memory_space<vmem>>, vector<16xi32>,
    %swap3A_66 = vector.shape_cast %swap3A_65 : vector<16xi32> to vector<16xi32>
    %swap3A_67 = vector.shape_cast %get3A_63 : vector<16xi32> to vector<16xi32>
    tpu.vector_store %arg13[%swap3A_64], %swap3A_67 {strides = array<i32>} : memref<32xi32, #tpu.memory_space<vmem>>, vector<16xi32>,
    %get3A_68 = arith.constant 48 : index
    %get3A_69 = tpu.vector_load %arg9[%get3A_68] {strides = array<i32>} : memref<128xi32, #tpu.memory_space<vmem>>, vector<16xi32>,
    %get3A_70 = vector.shape_cast %get3A_69 : vector<16xi32> to vector<16xi32>
    %swap3A_71 = arith.constant 16 : index
    %swap3A_72 = tpu.vector_load %arg13[%swap3A_71] {strides = array<i32>} : memref<32xi32, #tpu.memory_space<vmem>>, vector<16xi32>,
    %swap3A_73 = vector.shape_cast %swap3A_72 : vector<16xi32> to vector<16xi32>
    %swap3A_74 = vector.shape_cast %get3A_70 : vector<16xi32> to vector<16xi32>
    tpu.vector_store %arg13[%swap3A_71], %swap3A_74 {strides = array<i32>} : memref<32xi32, #tpu.memory_space<vmem>>, vector<16xi32>,
    %dma_wait3A_75 = arith.constant 0 : i32
    %dma_wait3A_76 = tpu.memref_slice %arg2[%add3A_7, %dma_wait3A_75] : memref<4096x1024xf32, #tpu.memory_space<hbm>> -> memref<32x1024xf32, #tpu.memory_space<hbm>>
    %dma_wait3A_77 = arith.constant 0 : i32
    %dma_wait3A_78 = tpu.memref_slice %arg2[%add3A_7, %dma_wait3A_77] : memref<4096x1024xf32, #tpu.memory_space<hbm>> -> memref<32x1024xf32, #tpu.memory_space<hbm>>
    tpu.wait_dma2 semaphore(%arg15 : memref<!tpu.dma_semaphore, #tpu.memory_space<semaphore_mem>>) src(%dma_wait3A_78 : memref<32x1024xf32, #tpu.memory_space<hbm>>) dst(%arg7 : memref<32x1024xf32, #tpu.memory_space<vmem>>)
    %dma_start3A_79 = arith.constant 0 : i32
    %dma_start3A_80 = arith.constant 0 : i32
    %dma_start3A_81 = tpu.memref_slice %arg5[%dma_start3A_79, %dma_start3A_80] : memref<33280x1024xf32, #tpu.memory_space<hbm>> -> memref<33280x1024xf32, #tpu.memory_space<hbm>>
    tpu.enqueue_indirect_dma source(%arg7 : memref<32x1024xf32, #tpu.memory_space<vmem>>) target(%dma_start3A_81 : memref<33280x1024xf32, #tpu.memory_space<hbm>>) offsets(%arg12 : memref<32xi32, #tpu.memory_space<vmem>>) semaphore(%arg18 : memref<!tpu.dma_semaphore, #tpu.memory_space<semaphore_mem>>)
    %dma_start3A_82 = arith.constant 0 : i32
    %dma_start3A_83 = arith.constant 0 : i32
    %dma_start3A_84 = tpu.memref_slice %arg5[%dma_start3A_82, %dma_start3A_83] : memref<33280x1024xf32, #tpu.memory_space<hbm>> -> memref<33280x1024xf32, #tpu.memory_space<hbm>>
    tpu.enqueue_indirect_dma source(%arg7 : memref<32x1024xf32, #tpu.memory_space<vmem>>) target(%dma_start3A_84 : memref<33280x1024xf32, #tpu.memory_space<hbm>>) offsets(%arg13 : memref<32xi32, #tpu.memory_space<vmem>>) semaphore(%arg19 : memref<!tpu.dma_semaphore, #tpu.memory_space<semaphore_mem>>)
    %dma_wait3A_85 = arith.constant 0 : i32
    %dma_wait3A_86 = arith.constant 0 : i32
    %dma_wait3A_87 = tpu.memref_slice %arg5[%dma_wait3A_85, %dma_wait3A_86] : memref<33280x1024xf32, #tpu.memory_space<hbm>> -> memref<33280x1024xf32, #tpu.memory_space<hbm>>
    tpu.wait_indirect_dma semaphore(%arg16 : memref<!tpu.dma_semaphore, #tpu.memory_space<semaphore_mem>>) src(%arg6 : memref<32x1024xf32, #tpu.memory_space<vmem>>) dst(%dma_wait3A_87 : memref<33280x1024xf32, #tpu.memory_space<hbm>>)
    %dma_wait3A_88 = arith.constant 0 : i32
    %dma_wait3A_89 = arith.constant 0 : i32
    %dma_wait3A_90 = tpu.memref_slice %arg5[%dma_wait3A_88, %dma_wait3A_89] : memref<33280x1024xf32, #tpu.memory_space<hbm>> -> memref<33280x1024xf32, #tpu.memory_space<hbm>>
    tpu.wait_indirect_dma semaphore(%arg17 : memref<!tpu.dma_semaphore, #tpu.memory_space<semaphore_mem>>) src(%arg6 : memref<32x1024xf32, #tpu.memory_space<vmem>>) dst(%dma_wait3A_90 : memref<33280x1024xf32, #tpu.memory_space<hbm>>)
    %add3A_91 = arith.constant 64 : i32
    %add3A_92 = arith.addi %mul3A_2, %add3A_91 : i32
    %dma_start3A_93 = arith.constant 0 : i32
    %dma_start3A_94 = tpu.memref_slice %arg2[%add3A_92, %dma_start3A_93] : memref<4096x1024xf32, #tpu.memory_space<hbm>> -> memref<32x1024xf32, #tpu.memory_space<hbm>>
    %dma_start3A_95 = arith.constant 0 : i32
    %dma_start3A_96 = tpu.memref_slice %arg2[%add3A_92, %dma_start3A_95] : memref<4096x1024xf32, #tpu.memory_space<hbm>> -> memref<32x1024xf32, #tpu.memory_space<hbm>>
    tpu.enqueue_dma source(%dma_start3A_96 : memref<32x1024xf32, #tpu.memory_space<hbm>>) target(%arg6 : memref<32x1024xf32, #tpu.memory_space<vmem>>) target_semaphore(%arg14 : memref<!tpu.dma_semaphore, #tpu.memory_space<semaphore_mem>>)
    %get3A_97 = arith.constant 64 : index
    %get3A_98 = tpu.vector_load %arg8[%get3A_97] {strides = array<i32>} : memref<128xi32, #tpu.memory_space<vmem>>, vector<16xi32>,
    %get3A_99 = vector.shape_cast %get3A_98 : vector<16xi32> to vector<16xi32>
    %swap3A_100 = arith.constant 0 : index
    %swap3A_101 = tpu.vector_load %arg10[%swap3A_100] {strides = array<i32>} : memref<32xi32, #tpu.memory_space<vmem>>, vector<16xi32>,
    %swap3A_102 = vector.shape_cast %swap3A_101 : vector<16xi32> to vector<16xi32>
    %swap3A_103 = vector.shape_cast %get3A_99 : vector<16xi32> to vector<16xi32>
    tpu.vector_store %arg10[%swap3A_100], %swap3A_103 {strides = array<i32>} : memref<32xi32, #tpu.memory_space<vmem>>, vector<16xi32>,
    %get3A_104 = arith.constant 80 : index
    %get3A_105 = tpu.vector_load %arg8[%get3A_104] {strides = array<i32>} : memref<128xi32, #tpu.memory_space<vmem>>, vector<16xi32>,
    %get3A_106 = vector.shape_cast %get3A_105 : vector<16xi32> to vector<16xi32>
    %swap3A_107 = arith.constant 16 : index
    %swap3A_108 = tpu.vector_load %arg10[%swap3A_107] {strides = array<i32>} : memref<32xi32, #tpu.memory_space<vmem>>, vector<16xi32>,
    %swap3A_109 = vector.shape_cast %swap3A_108 : vector<16xi32> to vector<16xi32>
    %swap3A_110 = vector.shape_cast %get3A_106 : vector<16xi32> to vector<16xi32>
    tpu.vector_store %arg10[%swap3A_107], %swap3A_110 {strides = array<i32>} : memref<32xi32, #tpu.memory_space<vmem>>, vector<16xi32>,
    %get3A_111 = arith.constant 64 : index
    %get3A_112 = tpu.vector_load %arg9[%get3A_111] {strides = array<i32>} : memref<128xi32, #tpu.memory_space<vmem>>, vector<16xi32>,
    %get3A_113 = vector.shape_cast %get3A_112 : vector<16xi32> to vector<16xi32>
    %swap3A_114 = arith.constant 0 : index
    %swap3A_115 = tpu.vector_load %arg11[%swap3A_114] {strides = array<i32>} : memref<32xi32, #tpu.memory_space<vmem>>, vector<16xi32>,
    %swap3A_116 = vector.shape_cast %swap3A_115 : vector<16xi32> to vector<16xi32>
    %swap3A_117 = vector.shape_cast %get3A_113 : vector<16xi32> to vector<16xi32>
    tpu.vector_store %arg11[%swap3A_114], %swap3A_117 {strides = array<i32>} : memref<32xi32, #tpu.memory_space<vmem>>, vector<16xi32>,
    %get3A_118 = arith.constant 80 : index
    %get3A_119 = tpu.vector_load %arg9[%get3A_118] {strides = array<i32>} : memref<128xi32, #tpu.memory_space<vmem>>, vector<16xi32>,
    %get3A_120 = vector.shape_cast %get3A_119 : vector<16xi32> to vector<16xi32>
    %swap3A_121 = arith.constant 16 : index
    %swap3A_122 = tpu.vector_load %arg11[%swap3A_121] {strides = array<i32>} : memref<32xi32, #tpu.memory_space<vmem>>, vector<16xi32>,
    %swap3A_123 = vector.shape_cast %swap3A_122 : vector<16xi32> to vector<16xi32>
    %swap3A_124 = vector.shape_cast %get3A_120 : vector<16xi32> to vector<16xi32>
    tpu.vector_store %arg11[%swap3A_121], %swap3A_124 {strides = array<i32>} : memref<32xi32, #tpu.memory_space<vmem>>, vector<16xi32>,
    %dma_wait3A_125 = arith.constant 0 : i32
    %dma_wait3A_126 = tpu.memref_slice %arg2[%add3A_92, %dma_wait3A_125] : memref<4096x1024xf32, #tpu.memory_space<hbm>> -> memref<32x1024xf32, #tpu.memory_space<hbm>>
    %dma_wait3A_127 = arith.constant 0 : i32
    %dma_wait3A_128 = tpu.memref_slice %arg2[%add3A_92, %dma_wait3A_127] : memref<4096x1024xf32, #tpu.memory_space<hbm>> -> memref<32x1024xf32, #tpu.memory_space<hbm>>
    tpu.wait_dma2 semaphore(%arg14 : memref<!tpu.dma_semaphore, #tpu.memory_space<semaphore_mem>>) src(%dma_wait3A_128 : memref<32x1024xf32, #tpu.memory_space<hbm>>) dst(%arg6 : memref<32x1024xf32, #tpu.memory_space<vmem>>)
    %dma_start3A_129 = arith.constant 0 : i32
    %dma_start3A_130 = arith.constant 0 : i32
    %dma_start3A_131 = tpu.memref_slice %arg5[%dma_start3A_129, %dma_start3A_130] : memref<33280x1024xf32, #tpu.memory_space<hbm>> -> memref<33280x1024xf32, #tpu.memory_space<hbm>>
    tpu.enqueue_indirect_dma source(%arg6 : memref<32x1024xf32, #tpu.memory_space<vmem>>) target(%dma_start3A_131 : memref<33280x1024xf32, #tpu.memory_space<hbm>>) offsets(%arg10 : memref<32xi32, #tpu.memory_space<vmem>>) semaphore(%arg16 : memref<!tpu.dma_semaphore, #tpu.memory_space<semaphore_mem>>)
    %dma_start3A_132 = arith.constant 0 : i32
    %dma_start3A_133 = arith.constant 0 : i32
    %dma_start3A_134 = tpu.memref_slice %arg5[%dma_start3A_132, %dma_start3A_133] : memref<33280x1024xf32, #tpu.memory_space<hbm>> -> memref<33280x1024xf32, #tpu.memory_space<hbm>>
    tpu.enqueue_indirect_dma source(%arg6 : memref<32x1024xf32, #tpu.memory_space<vmem>>) target(%dma_start3A_134 : memref<33280x1024xf32, #tpu.memory_space<hbm>>) offsets(%arg11 : memref<32xi32, #tpu.memory_space<vmem>>) semaphore(%arg17 : memref<!tpu.dma_semaphore, #tpu.memory_space<semaphore_mem>>)
    %dma_wait3A_135 = arith.constant 0 : i32
    %dma_wait3A_136 = arith.constant 0 : i32
    %dma_wait3A_137 = tpu.memref_slice %arg5[%dma_wait3A_135, %dma_wait3A_136] : memref<33280x1024xf32, #tpu.memory_space<hbm>> -> memref<33280x1024xf32, #tpu.memory_space<hbm>>
    tpu.wait_indirect_dma semaphore(%arg18 : memref<!tpu.dma_semaphore, #tpu.memory_space<semaphore_mem>>) src(%arg7 : memref<32x1024xf32, #tpu.memory_space<vmem>>) dst(%dma_wait3A_137 : memref<33280x1024xf32, #tpu.memory_space<hbm>>)
    %dma_wait3A_138 = arith.constant 0 : i32
    %dma_wait3A_139 = arith.constant 0 : i32
    %dma_wait3A_140 = tpu.memref_slice %arg5[%dma_wait3A_138, %dma_wait3A_139] : memref<33280x1024xf32, #tpu.memory_space<hbm>> -> memref<33280x1024xf32, #tpu.memory_space<hbm>>
    tpu.wait_indirect_dma semaphore(%arg19 : memref<!tpu.dma_semaphore, #tpu.memory_space<semaphore_mem>>) src(%arg7 : memref<32x1024xf32, #tpu.memory_space<vmem>>) dst(%dma_wait3A_140 : memref<33280x1024xf32, #tpu.memory_space<hbm>>)
    %add3A_141 = arith.constant 96 : i32
    %add3A_142 = arith.addi %mul3A_2, %add3A_141 : i32
    %dma_start3A_143 = arith.constant 0 : i32
    %dma_start3A_144 = tpu.memref_slice %arg2[%add3A_142, %dma_start3A_143] : memref<4096x1024xf32, #tpu.memory_space<hbm>> -> memref<32x1024xf32, #tpu.memory_space<hbm>>
    %dma_start3A_145 = arith.constant 0 : i32
    %dma_start3A_146 = tpu.memref_slice %arg2[%add3A_142, %dma_start3A_145] : memref<4096x1024xf32, #tpu.memory_space<hbm>> -> memref<32x1024xf32, #tpu.memory_space<hbm>>
    tpu.enqueue_dma source(%dma_start3A_146 : memref<32x1024xf32, #tpu.memory_space<hbm>>) target(%arg7 : memref<32x1024xf32, #tpu.memory_space<vmem>>) target_semaphore(%arg15 : memref<!tpu.dma_semaphore, #tpu.memory_space<semaphore_mem>>)
    %get3A_147 = arith.constant 96 : index
    %get3A_148 = tpu.vector_load %arg8[%get3A_147] {strides = array<i32>} : memref<128xi32, #tpu.memory_space<vmem>>, vector<16xi32>,
    %get3A_149 = vector.shape_cast %get3A_148 : vector<16xi32> to vector<16xi32>
    %swap3A_150 = arith.constant 0 : index
    %swap3A_151 = tpu.vector_load %arg12[%swap3A_150] {strides = array<i32>} : memref<32xi32, #tpu.memory_space<vmem>>, vector<16xi32>,
    %swap3A_152 = vector.shape_cast %swap3A_151 : vector<16xi32> to vector<16xi32>
    %swap3A_153 = vector.shape_cast %get3A_149 : vector<16xi32> to vector<16xi32>
    tpu.vector_store %arg12[%swap3A_150], %swap3A_153 {strides = array<i32>} : memref<32xi32, #tpu.memory_space<vmem>>, vector<16xi32>,
    %get3A_154 = arith.constant 112 : index
    %get3A_155 = tpu.vector_load %arg8[%get3A_154] {strides = array<i32>} : memref<128xi32, #tpu.memory_space<vmem>>, vector<16xi32>,
    %get3A_156 = vector.shape_cast %get3A_155 : vector<16xi32> to vector<16xi32>
    %swap3A_157 = arith.constant 16 : index
    %swap3A_158 = tpu.vector_load %arg12[%swap3A_157] {strides = array<i32>} : memref<32xi32, #tpu.memory_space<vmem>>, vector<16xi32>,
    %swap3A_159 = vector.shape_cast %swap3A_158 : vector<16xi32> to vector<16xi32>
    %swap3A_160 = vector.shape_cast %get3A_156 : vector<16xi32> to vector<16xi32>
    tpu.vector_store %arg12[%swap3A_157], %swap3A_160 {strides = array<i32>} : memref<32xi32, #tpu.memory_space<vmem>>, vector<16xi32>,
    %get3A_161 = arith.constant 96 : index
    %get3A_162 = tpu.vector_load %arg9[%get3A_161] {strides = array<i32>} : memref<128xi32, #tpu.memory_space<vmem>>, vector<16xi32>,
    %get3A_163 = vector.shape_cast %get3A_162 : vector<16xi32> to vector<16xi32>
    %swap3A_164 = arith.constant 0 : index
    %swap3A_165 = tpu.vector_load %arg13[%swap3A_164] {strides = array<i32>} : memref<32xi32, #tpu.memory_space<vmem>>, vector<16xi32>,
    %swap3A_166 = vector.shape_cast %swap3A_165 : vector<16xi32> to vector<16xi32>
    %swap3A_167 = vector.shape_cast %get3A_163 : vector<16xi32> to vector<16xi32>
    tpu.vector_store %arg13[%swap3A_164], %swap3A_167 {strides = array<i32>} : memref<32xi32, #tpu.memory_space<vmem>>, vector<16xi32>,
    %get3A_168 = arith.constant 112 : index
    %get3A_169 = tpu.vector_load %arg9[%get3A_168] {strides = array<i32>} : memref<128xi32, #tpu.memory_space<vmem>>, vector<16xi32>,
    %get3A_170 = vector.shape_cast %get3A_169 : vector<16xi32> to vector<16xi32>
    %swap3A_171 = arith.constant 16 : index
    %swap3A_172 = tpu.vector_load %arg13[%swap3A_171] {strides = array<i32>} : memref<32xi32, #tpu.memory_space<vmem>>, vector<16xi32>,
    %swap3A_173 = vector.shape_cast %swap3A_172 : vector<16xi32> to vector<16xi32>
    %swap3A_174 = vector.shape_cast %get3A_170 : vector<16xi32> to vector<16xi32>
    tpu.vector_store %arg13[%swap3A_171], %swap3A_174 {strides = array<i32>} : memref<32xi32, #tpu.memory_space<vmem>>, vector<16xi32>,
    %dma_wait3A_175 = arith.constant 0 : i32
    %dma_wait3A_176 = tpu.memref_slice %arg2[%add3A_142, %dma_wait3A_175] : memref<4096x1024xf32, #tpu.memory_space<hbm>> -> memref<32x1024xf32, #tpu.memory_space<hbm>>
    %dma_wait3A_177 = arith.constant 0 : i32
    %dma_wait3A_178 = tpu.memref_slice %arg2[%add3A_142, %dma_wait3A_177] : memref<4096x1024xf32, #tpu.memory_space<hbm>> -> memref<32x1024xf32, #tpu.memory_space<hbm>>
    tpu.wait_dma2 semaphore(%arg15 : memref<!tpu.dma_semaphore, #tpu.memory_space<semaphore_mem>>) src(%dma_wait3A_178 : memref<32x1024xf32, #tpu.memory_space<hbm>>) dst(%arg7 : memref<32x1024xf32, #tpu.memory_space<vmem>>)
    %dma_start3A_179 = arith.constant 0 : i32
    %dma_start3A_180 = arith.constant 0 : i32
    %dma_start3A_181 = tpu.memref_slice %arg5[%dma_start3A_179, %dma_start3A_180] : memref<33280x1024xf32, #tpu.memory_space<hbm>> -> memref<33280x1024xf32, #tpu.memory_space<hbm>>
    tpu.enqueue_indirect_dma source(%arg7 : memref<32x1024xf32, #tpu.memory_space<vmem>>) target(%dma_start3A_181 : memref<33280x1024xf32, #tpu.memory_space<hbm>>) offsets(%arg12 : memref<32xi32, #tpu.memory_space<vmem>>) semaphore(%arg18 : memref<!tpu.dma_semaphore, #tpu.memory_space<semaphore_mem>>)
    %dma_start3A_182 = arith.constant 0 : i32
    %dma_start3A_183 = arith.constant 0 : i32
    %dma_start3A_184 = tpu.memref_slice %arg5[%dma_start3A_182, %dma_start3A_183] : memref<33280x1024xf32, #tpu.memory_space<hbm>> -> memref<33280x1024xf32, #tpu.memory_space<hbm>>
    tpu.enqueue_indirect_dma source(%arg7 : memref<32x1024xf32, #tpu.memory_space<vmem>>) target(%dma_start3A_184 : memref<33280x1024xf32, #tpu.memory_space<hbm>>) offsets(%arg13 : memref<32xi32, #tpu.memory_space<vmem>>) semaphore(%arg19 : memref<!tpu.dma_semaphore, #tpu.memory_space<semaphore_mem>>)
    %dma_wait3A_185 = arith.constant 0 : i32
    %dma_wait3A_186 = arith.constant 0 : i32
    %dma_wait3A_187 = tpu.memref_slice %arg5[%dma_wait3A_185, %dma_wait3A_186] : memref<33280x1024xf32, #tpu.memory_space<hbm>> -> memref<33280x1024xf32, #tpu.memory_space<hbm>>
    tpu.wait_indirect_dma semaphore(%arg16 : memref<!tpu.dma_semaphore, #tpu.memory_space<semaphore_mem>>) src(%arg6 : memref<32x1024xf32, #tpu.memory_space<vmem>>) dst(%dma_wait3A_187 : memref<33280x1024xf32, #tpu.memory_space<hbm>>)
    %dma_wait3A_188 = arith.constant 0 : i32
    %dma_wait3A_189 = arith.constant 0 : i32
    %dma_wait3A_190 = tpu.memref_slice %arg5[%dma_wait3A_188, %dma_wait3A_189] : memref<33280x1024xf32, #tpu.memory_space<hbm>> -> memref<33280x1024xf32, #tpu.memory_space<hbm>>
    tpu.wait_indirect_dma semaphore(%arg17 : memref<!tpu.dma_semaphore, #tpu.memory_space<semaphore_mem>>) src(%arg6 : memref<32x1024xf32, #tpu.memory_space<vmem>>) dst(%dma_wait3A_190 : memref<33280x1024xf32, #tpu.memory_space<hbm>>)
    %dma_wait3A_191 = arith.constant 0 : i32
    %dma_wait3A_192 = arith.constant 0 : i32
    %dma_wait3A_193 = tpu.memref_slice %arg5[%dma_wait3A_191, %dma_wait3A_192] : memref<33280x1024xf32, #tpu.memory_space<hbm>> -> memref<33280x1024xf32, #tpu.memory_space<hbm>>
    tpu.wait_indirect_dma semaphore(%arg18 : memref<!tpu.dma_semaphore, #tpu.memory_space<semaphore_mem>>) src(%arg7 : memref<32x1024xf32, #tpu.memory_space<vmem>>) dst(%dma_wait3A_193 : memref<33280x1024xf32, #tpu.memory_space<hbm>>)
    %dma_wait3A_194 = arith.constant 0 : i32
    %dma_wait3A_195 = arith.constant 0 : i32
    %dma_wait3A_196 = tpu.memref_slice %arg5[%dma_wait3A_194, %dma_wait3A_195] : memref<33280x1024xf32, #tpu.memory_space<hbm>> -> memref<33280x1024xf32, #tpu.memory_space<hbm>>
    tpu.wait_indirect_dma semaphore(%arg19 : memref<!tpu.dma_semaphore, #tpu.memory_space<semaphore_mem>>) src(%arg7 : memref<32x1024xf32, #tpu.memory_space<vmem>>) dst(%dma_wait3A_196 : memref<33280x1024xf32, #tpu.memory_space<hbm>>)
    return
  }
}

#map = affine_map<(d0, d1) -> (0, 0)>
#map1 = affine_map<(d0, d1) -> (0)>
module attributes {stable_mosaic.version = 14 : i64} {
  func.func @gather_k(%arg0: i32, %arg1: i32, %arg2: memref<33280x1024xf32, #tpu.memory_space<hbm>>, %arg3: memref<4096xi32, #tpu.memory_space<hbm>>, %arg4: memref<4096xi32, #tpu.memory_space<hbm>>, %arg5: memref<4096x1024xf32, #tpu.memory_space<hbm>>, %arg6: memref<4096x1024xf32, #tpu.memory_space<hbm>>, %arg7: memref<32x1024xf32, #tpu.memory_space<vmem>>, %arg8: memref<32x1024xf32, #tpu.memory_space<vmem>>, %arg9: memref<128xi32, #tpu.memory_space<vmem>>, %arg10: memref<128xi32, #tpu.memory_space<vmem>>, %arg11: memref<!tpu.dma_semaphore, #tpu.memory_space<semaphore_mem>>, %arg12: memref<!tpu.dma_semaphore, #tpu.memory_space<semaphore_mem>>, %arg13: memref<!tpu.dma_semaphore, #tpu.memory_space<semaphore_mem>>, %arg14: memref<!tpu.dma_semaphore, #tpu.memory_space<semaphore_mem>>) attributes {dimension_semantics = [#tpu.dimension_semantics<core_parallel>, #tpu.dimension_semantics<subcore_parallel>], iteration_bounds = array<i64: 2, 16>, scalar_prefetch = 0 : i64, scratch_operands = 8 : i64, tpu.core_type = #tpu.core_type<sc_vector_subcore>, window_params = [{transform_indices = #map}, {transform_indices = #map1}, {transform_indices = #map1}, {transform_indices = #map}, {transform_indices = #map}]} {
    %mul3A = arith.constant 2 : i32
    %mul3A_0 = arith.muli %arg1, %mul3A : i32
    %add3A = arith.addi %mul3A_0, %arg0 : i32
    %mul3A_1 = arith.constant 128 : i32
    %mul3A_2 = arith.muli %add3A, %mul3A_1 : i32
    "tpu.region"() ({
      %run_scoped3A = tpu.sem_alloc : memref<!tpu.dma_semaphore, #tpu.memory_space<semaphore_mem>>
      %dma_start3A_161 = tpu.memref_slice %arg3[%mul3A_2] : memref<4096xi32, #tpu.memory_space<hbm>> -> memref<128xi32, #tpu.memory_space<hbm>>
      %dma_start3A_162 = tpu.memref_slice %arg3[%mul3A_2] : memref<4096xi32, #tpu.memory_space<hbm>> -> memref<128xi32, #tpu.memory_space<hbm>>
      tpu.enqueue_dma source(%dma_start3A_162 : memref<128xi32, #tpu.memory_space<hbm>>) target(%arg9 : memref<128xi32, #tpu.memory_space<vmem>>) target_semaphore(%run_scoped3A : memref<!tpu.dma_semaphore, #tpu.memory_space<semaphore_mem>>)
      %dma_wait3A_163 = tpu.memref_slice %arg3[%mul3A_2] : memref<4096xi32, #tpu.memory_space<hbm>> -> memref<128xi32, #tpu.memory_space<hbm>>
      %dma_wait3A_164 = tpu.memref_slice %arg3[%mul3A_2] : memref<4096xi32, #tpu.memory_space<hbm>> -> memref<128xi32, #tpu.memory_space<hbm>>
      tpu.wait_dma2 semaphore(%run_scoped3A : memref<!tpu.dma_semaphore, #tpu.memory_space<semaphore_mem>>) src(%dma_wait3A_164 : memref<128xi32, #tpu.memory_space<hbm>>) dst(%arg9 : memref<128xi32, #tpu.memory_space<vmem>>)
      tpu.yield
    }) : () -> ()
    "tpu.region"() ({
      %run_scoped3A = tpu.sem_alloc : memref<!tpu.dma_semaphore, #tpu.memory_space<semaphore_mem>>
      %dma_start3A_161 = tpu.memref_slice %arg4[%mul3A_2] : memref<4096xi32, #tpu.memory_space<hbm>> -> memref<128xi32, #tpu.memory_space<hbm>>
      %dma_start3A_162 = tpu.memref_slice %arg4[%mul3A_2] : memref<4096xi32, #tpu.memory_space<hbm>> -> memref<128xi32, #tpu.memory_space<hbm>>
      tpu.enqueue_dma source(%dma_start3A_162 : memref<128xi32, #tpu.memory_space<hbm>>) target(%arg10 : memref<128xi32, #tpu.memory_space<vmem>>) target_semaphore(%run_scoped3A : memref<!tpu.dma_semaphore, #tpu.memory_space<semaphore_mem>>)
      %dma_wait3A_163 = tpu.memref_slice %arg4[%mul3A_2] : memref<4096xi32, #tpu.memory_space<hbm>> -> memref<128xi32, #tpu.memory_space<hbm>>
      %dma_wait3A_164 = tpu.memref_slice %arg4[%mul3A_2] : memref<4096xi32, #tpu.memory_space<hbm>> -> memref<128xi32, #tpu.memory_space<hbm>>
      tpu.wait_dma2 semaphore(%run_scoped3A : memref<!tpu.dma_semaphore, #tpu.memory_space<semaphore_mem>>) src(%dma_wait3A_164 : memref<128xi32, #tpu.memory_space<hbm>>) dst(%arg10 : memref<128xi32, #tpu.memory_space<vmem>>)
      tpu.yield
    }) : () -> ()
    %dma_start3A = arith.constant 0 : i32
    %dma_start3A_3 = tpu.memref_slice %arg9[%dma_start3A] : memref<128xi32, #tpu.memory_space<vmem>> -> memref<32xi32, #tpu.memory_space<vmem>>
    %dma_start3A_4 = arith.constant 0 : i32
    %dma_start3A_5 = arith.constant 0 : i32
    %dma_start3A_6 = tpu.memref_slice %arg2[%dma_start3A_4, %dma_start3A_5] : memref<33280x1024xf32, #tpu.memory_space<hbm>> -> memref<33280x1024xf32, #tpu.memory_space<hbm>>
    tpu.enqueue_indirect_dma source(%dma_start3A_6 : memref<33280x1024xf32, #tpu.memory_space<hbm>>) target(%arg7 : memref<32x1024xf32, #tpu.memory_space<vmem>>) offsets(%dma_start3A_3 : memref<32xi32, #tpu.memory_space<vmem>>) semaphore(%arg11 : memref<!tpu.dma_semaphore, #tpu.memory_space<semaphore_mem>>)
    %dma_start3A_7 = arith.constant 0 : i32
    %dma_start3A_8 = tpu.memref_slice %arg10[%dma_start3A_7] : memref<128xi32, #tpu.memory_space<vmem>> -> memref<32xi32, #tpu.memory_space<vmem>>
    %dma_start3A_9 = arith.constant 0 : i32
    %dma_start3A_10 = arith.constant 0 : i32
    %dma_start3A_11 = tpu.memref_slice %arg2[%dma_start3A_9, %dma_start3A_10] : memref<33280x1024xf32, #tpu.memory_space<hbm>> -> memref<33280x1024xf32, #tpu.memory_space<hbm>>
    tpu.enqueue_indirect_dma source(%dma_start3A_11 : memref<33280x1024xf32, #tpu.memory_space<hbm>>) target(%arg8 : memref<32x1024xf32, #tpu.memory_space<vmem>>) offsets(%dma_start3A_8 : memref<32xi32, #tpu.memory_space<vmem>>) semaphore(%arg12 : memref<!tpu.dma_semaphore, #tpu.memory_space<semaphore_mem>>)
    %dma_wait3A = arith.constant 0 : i32
    %dma_wait3A_12 = tpu.memref_slice %arg9[%dma_wait3A] : memref<128xi32, #tpu.memory_space<vmem>> -> memref<32xi32, #tpu.memory_space<vmem>>
    %dma_wait3A_13 = arith.constant 0 : i32
    %dma_wait3A_14 = arith.constant 0 : i32
    %dma_wait3A_15 = tpu.memref_slice %arg2[%dma_wait3A_13, %dma_wait3A_14] : memref<33280x1024xf32, #tpu.memory_space<hbm>> -> memref<33280x1024xf32, #tpu.memory_space<hbm>>
    tpu.wait_indirect_dma semaphore(%arg11 : memref<!tpu.dma_semaphore, #tpu.memory_space<semaphore_mem>>) src(%dma_wait3A_15 : memref<33280x1024xf32, #tpu.memory_space<hbm>>) dst(%arg7 : memref<32x1024xf32, #tpu.memory_space<vmem>>)
    %add3A_16 = arith.constant 0 : i32
    %add3A_17 = arith.addi %mul3A_2, %add3A_16 : i32
    %dma_start3A_18 = arith.constant 0 : i32
    %dma_start3A_19 = tpu.memref_slice %arg5[%add3A_17, %dma_start3A_18] : memref<4096x1024xf32, #tpu.memory_space<hbm>> -> memref<32x1024xf32, #tpu.memory_space<hbm>>
    %dma_start3A_20 = arith.constant 0 : i32
    %dma_start3A_21 = tpu.memref_slice %arg5[%add3A_17, %dma_start3A_20] : memref<4096x1024xf32, #tpu.memory_space<hbm>> -> memref<32x1024xf32, #tpu.memory_space<hbm>>
    tpu.enqueue_dma source(%arg7 : memref<32x1024xf32, #tpu.memory_space<vmem>>) target(%dma_start3A_21 : memref<32x1024xf32, #tpu.memory_space<hbm>>) target_semaphore(%arg13 : memref<!tpu.dma_semaphore, #tpu.memory_space<semaphore_mem>>)
    %dma_wait3A_22 = arith.constant 0 : i32
    %dma_wait3A_23 = tpu.memref_slice %arg10[%dma_wait3A_22] : memref<128xi32, #tpu.memory_space<vmem>> -> memref<32xi32, #tpu.memory_space<vmem>>
    %dma_wait3A_24 = arith.constant 0 : i32
    %dma_wait3A_25 = arith.constant 0 : i32
    %dma_wait3A_26 = tpu.memref_slice %arg2[%dma_wait3A_24, %dma_wait3A_25] : memref<33280x1024xf32, #tpu.memory_space<hbm>> -> memref<33280x1024xf32, #tpu.memory_space<hbm>>
    tpu.wait_indirect_dma semaphore(%arg12 : memref<!tpu.dma_semaphore, #tpu.memory_space<semaphore_mem>>) src(%dma_wait3A_26 : memref<33280x1024xf32, #tpu.memory_space<hbm>>) dst(%arg8 : memref<32x1024xf32, #tpu.memory_space<vmem>>)
    %add3A_27 = arith.constant 0 : i32
    %add3A_28 = arith.addi %mul3A_2, %add3A_27 : i32
    %dma_start3A_29 = arith.constant 0 : i32
    %dma_start3A_30 = tpu.memref_slice %arg6[%add3A_28, %dma_start3A_29] : memref<4096x1024xf32, #tpu.memory_space<hbm>> -> memref<32x1024xf32, #tpu.memory_space<hbm>>
    %dma_start3A_31 = arith.constant 0 : i32
    %dma_start3A_32 = tpu.memref_slice %arg6[%add3A_28, %dma_start3A_31] : memref<4096x1024xf32, #tpu.memory_space<hbm>> -> memref<32x1024xf32, #tpu.memory_space<hbm>>
    tpu.enqueue_dma source(%arg8 : memref<32x1024xf32, #tpu.memory_space<vmem>>) target(%dma_start3A_32 : memref<32x1024xf32, #tpu.memory_space<hbm>>) target_semaphore(%arg14 : memref<!tpu.dma_semaphore, #tpu.memory_space<semaphore_mem>>)
    %dma_wait3A_33 = arith.constant 0 : i32
    %dma_wait3A_34 = tpu.memref_slice %arg5[%add3A_17, %dma_wait3A_33] : memref<4096x1024xf32, #tpu.memory_space<hbm>> -> memref<32x1024xf32, #tpu.memory_space<hbm>>
    %dma_wait3A_35 = arith.constant 0 : i32
    %dma_wait3A_36 = tpu.memref_slice %arg5[%add3A_17, %dma_wait3A_35] : memref<4096x1024xf32, #tpu.memory_space<hbm>> -> memref<32x1024xf32, #tpu.memory_space<hbm>>
    tpu.wait_dma2 semaphore(%arg13 : memref<!tpu.dma_semaphore, #tpu.memory_space<semaphore_mem>>) src(%arg7 : memref<32x1024xf32, #tpu.memory_space<vmem>>) dst(%dma_wait3A_36 : memref<32x1024xf32, #tpu.memory_space<hbm>>)
    %dma_wait3A_37 = arith.constant 0 : i32
    %dma_wait3A_38 = tpu.memref_slice %arg6[%add3A_28, %dma_wait3A_37] : memref<4096x1024xf32, #tpu.memory_space<hbm>> -> memref<32x1024xf32, #tpu.memory_space<hbm>>
    %dma_wait3A_39 = arith.constant 0 : i32
    %dma_wait3A_40 = tpu.memref_slice %arg6[%add3A_28, %dma_wait3A_39] : memref<4096x1024xf32, #tpu.memory_space<hbm>> -> memref<32x1024xf32, #tpu.memory_space<hbm>>
    tpu.wait_dma2 semaphore(%arg14 : memref<!tpu.dma_semaphore, #tpu.memory_space<semaphore_mem>>) src(%arg8 : memref<32x1024xf32, #tpu.memory_space<vmem>>) dst(%dma_wait3A_40 : memref<32x1024xf32, #tpu.memory_space<hbm>>)
    %dma_start3A_41 = arith.constant 32 : i32
    %dma_start3A_42 = tpu.memref_slice %arg9[%dma_start3A_41] : memref<128xi32, #tpu.memory_space<vmem>> -> memref<32xi32, #tpu.memory_space<vmem>>
    %dma_start3A_43 = arith.constant 0 : i32
    %dma_start3A_44 = arith.constant 0 : i32
    %dma_start3A_45 = tpu.memref_slice %arg2[%dma_start3A_43, %dma_start3A_44] : memref<33280x1024xf32, #tpu.memory_space<hbm>> -> memref<33280x1024xf32, #tpu.memory_space<hbm>>
    tpu.enqueue_indirect_dma source(%dma_start3A_45 : memref<33280x1024xf32, #tpu.memory_space<hbm>>) target(%arg7 : memref<32x1024xf32, #tpu.memory_space<vmem>>) offsets(%dma_start3A_42 : memref<32xi32, #tpu.memory_space<vmem>>) semaphore(%arg11 : memref<!tpu.dma_semaphore, #tpu.memory_space<semaphore_mem>>)
    %dma_start3A_46 = arith.constant 32 : i32
    %dma_start3A_47 = tpu.memref_slice %arg10[%dma_start3A_46] : memref<128xi32, #tpu.memory_space<vmem>> -> memref<32xi32, #tpu.memory_space<vmem>>
    %dma_start3A_48 = arith.constant 0 : i32
    %dma_start3A_49 = arith.constant 0 : i32
    %dma_start3A_50 = tpu.memref_slice %arg2[%dma_start3A_48, %dma_start3A_49] : memref<33280x1024xf32, #tpu.memory_space<hbm>> -> memref<33280x1024xf32, #tpu.memory_space<hbm>>
    tpu.enqueue_indirect_dma source(%dma_start3A_50 : memref<33280x1024xf32, #tpu.memory_space<hbm>>) target(%arg8 : memref<32x1024xf32, #tpu.memory_space<vmem>>) offsets(%dma_start3A_47 : memref<32xi32, #tpu.memory_space<vmem>>) semaphore(%arg12 : memref<!tpu.dma_semaphore, #tpu.memory_space<semaphore_mem>>)
    %dma_wait3A_51 = arith.constant 32 : i32
    %dma_wait3A_52 = tpu.memref_slice %arg9[%dma_wait3A_51] : memref<128xi32, #tpu.memory_space<vmem>> -> memref<32xi32, #tpu.memory_space<vmem>>
    %dma_wait3A_53 = arith.constant 0 : i32
    %dma_wait3A_54 = arith.constant 0 : i32
    %dma_wait3A_55 = tpu.memref_slice %arg2[%dma_wait3A_53, %dma_wait3A_54] : memref<33280x1024xf32, #tpu.memory_space<hbm>> -> memref<33280x1024xf32, #tpu.memory_space<hbm>>
    tpu.wait_indirect_dma semaphore(%arg11 : memref<!tpu.dma_semaphore, #tpu.memory_space<semaphore_mem>>) src(%dma_wait3A_55 : memref<33280x1024xf32, #tpu.memory_space<hbm>>) dst(%arg7 : memref<32x1024xf32, #tpu.memory_space<vmem>>)
    %add3A_56 = arith.constant 32 : i32
    %add3A_57 = arith.addi %mul3A_2, %add3A_56 : i32
    %dma_start3A_58 = arith.constant 0 : i32
    %dma_start3A_59 = tpu.memref_slice %arg5[%add3A_57, %dma_start3A_58] : memref<4096x1024xf32, #tpu.memory_space<hbm>> -> memref<32x1024xf32, #tpu.memory_space<hbm>>
    %dma_start3A_60 = arith.constant 0 : i32
    %dma_start3A_61 = tpu.memref_slice %arg5[%add3A_57, %dma_start3A_60] : memref<4096x1024xf32, #tpu.memory_space<hbm>> -> memref<32x1024xf32, #tpu.memory_space<hbm>>
    tpu.enqueue_dma source(%arg7 : memref<32x1024xf32, #tpu.memory_space<vmem>>) target(%dma_start3A_61 : memref<32x1024xf32, #tpu.memory_space<hbm>>) target_semaphore(%arg13 : memref<!tpu.dma_semaphore, #tpu.memory_space<semaphore_mem>>)
    %dma_wait3A_62 = arith.constant 32 : i32
    %dma_wait3A_63 = tpu.memref_slice %arg10[%dma_wait3A_62] : memref<128xi32, #tpu.memory_space<vmem>> -> memref<32xi32, #tpu.memory_space<vmem>>
    %dma_wait3A_64 = arith.constant 0 : i32
    %dma_wait3A_65 = arith.constant 0 : i32
    %dma_wait3A_66 = tpu.memref_slice %arg2[%dma_wait3A_64, %dma_wait3A_65] : memref<33280x1024xf32, #tpu.memory_space<hbm>> -> memref<33280x1024xf32, #tpu.memory_space<hbm>>
    tpu.wait_indirect_dma semaphore(%arg12 : memref<!tpu.dma_semaphore, #tpu.memory_space<semaphore_mem>>) src(%dma_wait3A_66 : memref<33280x1024xf32, #tpu.memory_space<hbm>>) dst(%arg8 : memref<32x1024xf32, #tpu.memory_space<vmem>>)
    %add3A_67 = arith.constant 32 : i32
    %add3A_68 = arith.addi %mul3A_2, %add3A_67 : i32
    %dma_start3A_69 = arith.constant 0 : i32
    %dma_start3A_70 = tpu.memref_slice %arg6[%add3A_68, %dma_start3A_69] : memref<4096x1024xf32, #tpu.memory_space<hbm>> -> memref<32x1024xf32, #tpu.memory_space<hbm>>
    %dma_start3A_71 = arith.constant 0 : i32
    %dma_start3A_72 = tpu.memref_slice %arg6[%add3A_68, %dma_start3A_71] : memref<4096x1024xf32, #tpu.memory_space<hbm>> -> memref<32x1024xf32, #tpu.memory_space<hbm>>
    tpu.enqueue_dma source(%arg8 : memref<32x1024xf32, #tpu.memory_space<vmem>>) target(%dma_start3A_72 : memref<32x1024xf32, #tpu.memory_space<hbm>>) target_semaphore(%arg14 : memref<!tpu.dma_semaphore, #tpu.memory_space<semaphore_mem>>)
    %dma_wait3A_73 = arith.constant 0 : i32
    %dma_wait3A_74 = tpu.memref_slice %arg5[%add3A_57, %dma_wait3A_73] : memref<4096x1024xf32, #tpu.memory_space<hbm>> -> memref<32x1024xf32, #tpu.memory_space<hbm>>
    %dma_wait3A_75 = arith.constant 0 : i32
    %dma_wait3A_76 = tpu.memref_slice %arg5[%add3A_57, %dma_wait3A_75] : memref<4096x1024xf32, #tpu.memory_space<hbm>> -> memref<32x1024xf32, #tpu.memory_space<hbm>>
    tpu.wait_dma2 semaphore(%arg13 : memref<!tpu.dma_semaphore, #tpu.memory_space<semaphore_mem>>) src(%arg7 : memref<32x1024xf32, #tpu.memory_space<vmem>>) dst(%dma_wait3A_76 : memref<32x1024xf32, #tpu.memory_space<hbm>>)
    %dma_wait3A_77 = arith.constant 0 : i32
    %dma_wait3A_78 = tpu.memref_slice %arg6[%add3A_68, %dma_wait3A_77] : memref<4096x1024xf32, #tpu.memory_space<hbm>> -> memref<32x1024xf32, #tpu.memory_space<hbm>>
    %dma_wait3A_79 = arith.constant 0 : i32
    %dma_wait3A_80 = tpu.memref_slice %arg6[%add3A_68, %dma_wait3A_79] : memref<4096x1024xf32, #tpu.memory_space<hbm>> -> memref<32x1024xf32, #tpu.memory_space<hbm>>
    tpu.wait_dma2 semaphore(%arg14 : memref<!tpu.dma_semaphore, #tpu.memory_space<semaphore_mem>>) src(%arg8 : memref<32x1024xf32, #tpu.memory_space<vmem>>) dst(%dma_wait3A_80 : memref<32x1024xf32, #tpu.memory_space<hbm>>)
    %dma_start3A_81 = arith.constant 64 : i32
    %dma_start3A_82 = tpu.memref_slice %arg9[%dma_start3A_81] : memref<128xi32, #tpu.memory_space<vmem>> -> memref<32xi32, #tpu.memory_space<vmem>>
    %dma_start3A_83 = arith.constant 0 : i32
    %dma_start3A_84 = arith.constant 0 : i32
    %dma_start3A_85 = tpu.memref_slice %arg2[%dma_start3A_83, %dma_start3A_84] : memref<33280x1024xf32, #tpu.memory_space<hbm>> -> memref<33280x1024xf32, #tpu.memory_space<hbm>>
    tpu.enqueue_indirect_dma source(%dma_start3A_85 : memref<33280x1024xf32, #tpu.memory_space<hbm>>) target(%arg7 : memref<32x1024xf32, #tpu.memory_space<vmem>>) offsets(%dma_start3A_82 : memref<32xi32, #tpu.memory_space<vmem>>) semaphore(%arg11 : memref<!tpu.dma_semaphore, #tpu.memory_space<semaphore_mem>>)
    %dma_start3A_86 = arith.constant 64 : i32
    %dma_start3A_87 = tpu.memref_slice %arg10[%dma_start3A_86] : memref<128xi32, #tpu.memory_space<vmem>> -> memref<32xi32, #tpu.memory_space<vmem>>
    %dma_start3A_88 = arith.constant 0 : i32
    %dma_start3A_89 = arith.constant 0 : i32
    %dma_start3A_90 = tpu.memref_slice %arg2[%dma_start3A_88, %dma_start3A_89] : memref<33280x1024xf32, #tpu.memory_space<hbm>> -> memref<33280x1024xf32, #tpu.memory_space<hbm>>
    tpu.enqueue_indirect_dma source(%dma_start3A_90 : memref<33280x1024xf32, #tpu.memory_space<hbm>>) target(%arg8 : memref<32x1024xf32, #tpu.memory_space<vmem>>) offsets(%dma_start3A_87 : memref<32xi32, #tpu.memory_space<vmem>>) semaphore(%arg12 : memref<!tpu.dma_semaphore, #tpu.memory_space<semaphore_mem>>)
    %dma_wait3A_91 = arith.constant 64 : i32
    %dma_wait3A_92 = tpu.memref_slice %arg9[%dma_wait3A_91] : memref<128xi32, #tpu.memory_space<vmem>> -> memref<32xi32, #tpu.memory_space<vmem>>
    %dma_wait3A_93 = arith.constant 0 : i32
    %dma_wait3A_94 = arith.constant 0 : i32
    %dma_wait3A_95 = tpu.memref_slice %arg2[%dma_wait3A_93, %dma_wait3A_94] : memref<33280x1024xf32, #tpu.memory_space<hbm>> -> memref<33280x1024xf32, #tpu.memory_space<hbm>>
    tpu.wait_indirect_dma semaphore(%arg11 : memref<!tpu.dma_semaphore, #tpu.memory_space<semaphore_mem>>) src(%dma_wait3A_95 : memref<33280x1024xf32, #tpu.memory_space<hbm>>) dst(%arg7 : memref<32x1024xf32, #tpu.memory_space<vmem>>)
    %add3A_96 = arith.constant 64 : i32
    %add3A_97 = arith.addi %mul3A_2, %add3A_96 : i32
    %dma_start3A_98 = arith.constant 0 : i32
    %dma_start3A_99 = tpu.memref_slice %arg5[%add3A_97, %dma_start3A_98] : memref<4096x1024xf32, #tpu.memory_space<hbm>> -> memref<32x1024xf32, #tpu.memory_space<hbm>>
    %dma_start3A_100 = arith.constant 0 : i32
    %dma_start3A_101 = tpu.memref_slice %arg5[%add3A_97, %dma_start3A_100] : memref<4096x1024xf32, #tpu.memory_space<hbm>> -> memref<32x1024xf32, #tpu.memory_space<hbm>>
    tpu.enqueue_dma source(%arg7 : memref<32x1024xf32, #tpu.memory_space<vmem>>) target(%dma_start3A_101 : memref<32x1024xf32, #tpu.memory_space<hbm>>) target_semaphore(%arg13 : memref<!tpu.dma_semaphore, #tpu.memory_space<semaphore_mem>>)
    %dma_wait3A_102 = arith.constant 64 : i32
    %dma_wait3A_103 = tpu.memref_slice %arg10[%dma_wait3A_102] : memref<128xi32, #tpu.memory_space<vmem>> -> memref<32xi32, #tpu.memory_space<vmem>>
    %dma_wait3A_104 = arith.constant 0 : i32
    %dma_wait3A_105 = arith.constant 0 : i32
    %dma_wait3A_106 = tpu.memref_slice %arg2[%dma_wait3A_104, %dma_wait3A_105] : memref<33280x1024xf32, #tpu.memory_space<hbm>> -> memref<33280x1024xf32, #tpu.memory_space<hbm>>
    tpu.wait_indirect_dma semaphore(%arg12 : memref<!tpu.dma_semaphore, #tpu.memory_space<semaphore_mem>>) src(%dma_wait3A_106 : memref<33280x1024xf32, #tpu.memory_space<hbm>>) dst(%arg8 : memref<32x1024xf32, #tpu.memory_space<vmem>>)
    %add3A_107 = arith.constant 64 : i32
    %add3A_108 = arith.addi %mul3A_2, %add3A_107 : i32
    %dma_start3A_109 = arith.constant 0 : i32
    %dma_start3A_110 = tpu.memref_slice %arg6[%add3A_108, %dma_start3A_109] : memref<4096x1024xf32, #tpu.memory_space<hbm>> -> memref<32x1024xf32, #tpu.memory_space<hbm>>
    %dma_start3A_111 = arith.constant 0 : i32
    %dma_start3A_112 = tpu.memref_slice %arg6[%add3A_108, %dma_start3A_111] : memref<4096x1024xf32, #tpu.memory_space<hbm>> -> memref<32x1024xf32, #tpu.memory_space<hbm>>
    tpu.enqueue_dma source(%arg8 : memref<32x1024xf32, #tpu.memory_space<vmem>>) target(%dma_start3A_112 : memref<32x1024xf32, #tpu.memory_space<hbm>>) target_semaphore(%arg14 : memref<!tpu.dma_semaphore, #tpu.memory_space<semaphore_mem>>)
    %dma_wait3A_113 = arith.constant 0 : i32
    %dma_wait3A_114 = tpu.memref_slice %arg5[%add3A_97, %dma_wait3A_113] : memref<4096x1024xf32, #tpu.memory_space<hbm>> -> memref<32x1024xf32, #tpu.memory_space<hbm>>
    %dma_wait3A_115 = arith.constant 0 : i32
    %dma_wait3A_116 = tpu.memref_slice %arg5[%add3A_97, %dma_wait3A_115] : memref<4096x1024xf32, #tpu.memory_space<hbm>> -> memref<32x1024xf32, #tpu.memory_space<hbm>>
    tpu.wait_dma2 semaphore(%arg13 : memref<!tpu.dma_semaphore, #tpu.memory_space<semaphore_mem>>) src(%arg7 : memref<32x1024xf32, #tpu.memory_space<vmem>>) dst(%dma_wait3A_116 : memref<32x1024xf32, #tpu.memory_space<hbm>>)
    %dma_wait3A_117 = arith.constant 0 : i32
    %dma_wait3A_118 = tpu.memref_slice %arg6[%add3A_108, %dma_wait3A_117] : memref<4096x1024xf32, #tpu.memory_space<hbm>> -> memref<32x1024xf32, #tpu.memory_space<hbm>>
    %dma_wait3A_119 = arith.constant 0 : i32
    %dma_wait3A_120 = tpu.memref_slice %arg6[%add3A_108, %dma_wait3A_119] : memref<4096x1024xf32, #tpu.memory_space<hbm>> -> memref<32x1024xf32, #tpu.memory_space<hbm>>
    tpu.wait_dma2 semaphore(%arg14 : memref<!tpu.dma_semaphore, #tpu.memory_space<semaphore_mem>>) src(%arg8 : memref<32x1024xf32, #tpu.memory_space<vmem>>) dst(%dma_wait3A_120 : memref<32x1024xf32, #tpu.memory_space<hbm>>)
    %dma_start3A_121 = arith.constant 96 : i32
    %dma_start3A_122 = tpu.memref_slice %arg9[%dma_start3A_121] : memref<128xi32, #tpu.memory_space<vmem>> -> memref<32xi32, #tpu.memory_space<vmem>>
    %dma_start3A_123 = arith.constant 0 : i32
    %dma_start3A_124 = arith.constant 0 : i32
    %dma_start3A_125 = tpu.memref_slice %arg2[%dma_start3A_123, %dma_start3A_124] : memref<33280x1024xf32, #tpu.memory_space<hbm>> -> memref<33280x1024xf32, #tpu.memory_space<hbm>>
    tpu.enqueue_indirect_dma source(%dma_start3A_125 : memref<33280x1024xf32, #tpu.memory_space<hbm>>) target(%arg7 : memref<32x1024xf32, #tpu.memory_space<vmem>>) offsets(%dma_start3A_122 : memref<32xi32, #tpu.memory_space<vmem>>) semaphore(%arg11 : memref<!tpu.dma_semaphore, #tpu.memory_space<semaphore_mem>>)
    %dma_start3A_126 = arith.constant 96 : i32
    %dma_start3A_127 = tpu.memref_slice %arg10[%dma_start3A_126] : memref<128xi32, #tpu.memory_space<vmem>> -> memref<32xi32, #tpu.memory_space<vmem>>
    %dma_start3A_128 = arith.constant 0 : i32
    %dma_start3A_129 = arith.constant 0 : i32
    %dma_start3A_130 = tpu.memref_slice %arg2[%dma_start3A_128, %dma_start3A_129] : memref<33280x1024xf32, #tpu.memory_space<hbm>> -> memref<33280x1024xf32, #tpu.memory_space<hbm>>
    tpu.enqueue_indirect_dma source(%dma_start3A_130 : memref<33280x1024xf32, #tpu.memory_space<hbm>>) target(%arg8 : memref<32x1024xf32, #tpu.memory_space<vmem>>) offsets(%dma_start3A_127 : memref<32xi32, #tpu.memory_space<vmem>>) semaphore(%arg12 : memref<!tpu.dma_semaphore, #tpu.memory_space<semaphore_mem>>)
    %dma_wait3A_131 = arith.constant 96 : i32
    %dma_wait3A_132 = tpu.memref_slice %arg9[%dma_wait3A_131] : memref<128xi32, #tpu.memory_space<vmem>> -> memref<32xi32, #tpu.memory_space<vmem>>
    %dma_wait3A_133 = arith.constant 0 : i32
    %dma_wait3A_134 = arith.constant 0 : i32
    %dma_wait3A_135 = tpu.memref_slice %arg2[%dma_wait3A_133, %dma_wait3A_134] : memref<33280x1024xf32, #tpu.memory_space<hbm>> -> memref<33280x1024xf32, #tpu.memory_space<hbm>>
    tpu.wait_indirect_dma semaphore(%arg11 : memref<!tpu.dma_semaphore, #tpu.memory_space<semaphore_mem>>) src(%dma_wait3A_135 : memref<33280x1024xf32, #tpu.memory_space<hbm>>) dst(%arg7 : memref<32x1024xf32, #tpu.memory_space<vmem>>)
    %add3A_136 = arith.constant 96 : i32
    %add3A_137 = arith.addi %mul3A_2, %add3A_136 : i32
    %dma_start3A_138 = arith.constant 0 : i32
    %dma_start3A_139 = tpu.memref_slice %arg5[%add3A_137, %dma_start3A_138] : memref<4096x1024xf32, #tpu.memory_space<hbm>> -> memref<32x1024xf32, #tpu.memory_space<hbm>>
    %dma_start3A_140 = arith.constant 0 : i32
    %dma_start3A_141 = tpu.memref_slice %arg5[%add3A_137, %dma_start3A_140] : memref<4096x1024xf32, #tpu.memory_space<hbm>> -> memref<32x1024xf32, #tpu.memory_space<hbm>>
    tpu.enqueue_dma source(%arg7 : memref<32x1024xf32, #tpu.memory_space<vmem>>) target(%dma_start3A_141 : memref<32x1024xf32, #tpu.memory_space<hbm>>) target_semaphore(%arg13 : memref<!tpu.dma_semaphore, #tpu.memory_space<semaphore_mem>>)
    %dma_wait3A_142 = arith.constant 96 : i32
    %dma_wait3A_143 = tpu.memref_slice %arg10[%dma_wait3A_142] : memref<128xi32, #tpu.memory_space<vmem>> -> memref<32xi32, #tpu.memory_space<vmem>>
    %dma_wait3A_144 = arith.constant 0 : i32
    %dma_wait3A_145 = arith.constant 0 : i32
    %dma_wait3A_146 = tpu.memref_slice %arg2[%dma_wait3A_144, %dma_wait3A_145] : memref<33280x1024xf32, #tpu.memory_space<hbm>> -> memref<33280x1024xf32, #tpu.memory_space<hbm>>
    tpu.wait_indirect_dma semaphore(%arg12 : memref<!tpu.dma_semaphore, #tpu.memory_space<semaphore_mem>>) src(%dma_wait3A_146 : memref<33280x1024xf32, #tpu.memory_space<hbm>>) dst(%arg8 : memref<32x1024xf32, #tpu.memory_space<vmem>>)
    %add3A_147 = arith.constant 96 : i32
    %add3A_148 = arith.addi %mul3A_2, %add3A_147 : i32
    %dma_start3A_149 = arith.constant 0 : i32
    %dma_start3A_150 = tpu.memref_slice %arg6[%add3A_148, %dma_start3A_149] : memref<4096x1024xf32, #tpu.memory_space<hbm>> -> memref<32x1024xf32, #tpu.memory_space<hbm>>
    %dma_start3A_151 = arith.constant 0 : i32
    %dma_start3A_152 = tpu.memref_slice %arg6[%add3A_148, %dma_start3A_151] : memref<4096x1024xf32, #tpu.memory_space<hbm>> -> memref<32x1024xf32, #tpu.memory_space<hbm>>
    tpu.enqueue_dma source(%arg8 : memref<32x1024xf32, #tpu.memory_space<vmem>>) target(%dma_start3A_152 : memref<32x1024xf32, #tpu.memory_space<hbm>>) target_semaphore(%arg14 : memref<!tpu.dma_semaphore, #tpu.memory_space<semaphore_mem>>)
    %dma_wait3A_153 = arith.constant 0 : i32
    %dma_wait3A_154 = tpu.memref_slice %arg5[%add3A_137, %dma_wait3A_153] : memref<4096x1024xf32, #tpu.memory_space<hbm>> -> memref<32x1024xf32, #tpu.memory_space<hbm>>
    %dma_wait3A_155 = arith.constant 0 : i32
    %dma_wait3A_156 = tpu.memref_slice %arg5[%add3A_137, %dma_wait3A_155] : memref<4096x1024xf32, #tpu.memory_space<hbm>> -> memref<32x1024xf32, #tpu.memory_space<hbm>>
    tpu.wait_dma2 semaphore(%arg13 : memref<!tpu.dma_semaphore, #tpu.memory_space<semaphore_mem>>) src(%arg7 : memref<32x1024xf32, #tpu.memory_space<vmem>>) dst(%dma_wait3A_156 : memref<32x1024xf32, #tpu.memory_space<hbm>>)
    %dma_wait3A_157 = arith.constant 0 : i32
    %dma_wait3A_158 = tpu.memref_slice %arg6[%add3A_148, %dma_wait3A_157] : memref<4096x1024xf32, #tpu.memory_space<hbm>> -> memref<32x1024xf32, #tpu.memory_space<hbm>>
    %dma_wait3A_159 = arith.constant 0 : i32
    %dma_wait3A_160 = tpu.memref_slice %arg6[%add3A_148, %dma_wait3A_159] : memref<4096x1024xf32, #tpu.memory_space<hbm>> -> memref<32x1024xf32, #tpu.memory_space<hbm>>
    tpu.wait_dma2 semaphore(%arg14 : memref<!tpu.dma_semaphore, #tpu.memory_space<semaphore_mem>>) src(%arg8 : memref<32x1024xf32, #tpu.memory_space<vmem>>) dst(%dma_wait3A_160 : memref<32x1024xf32, #tpu.memory_space<hbm>>)
    return
  }
}

module attributes {stable_mosaic.version = 14 : i64} {
  func.func @_route_body(%arg0: i32, %arg1: memref<1024x1024xf32, #tpu.memory_space<vmem>>, %arg2: memref<1x1024xf32, #tpu.memory_space<vmem>>, %arg3: memref<1024x8xf32, #tpu.memory_space<vmem>>, %arg4: memref<1024x1024xf32, #tpu.memory_space<vmem>>, %arg5: memref<1024xi32, #tpu.memory_space<vmem>>, %arg6: memref<1024xi32, #tpu.memory_space<vmem>>, %arg7: memref<1024x1xf32, #tpu.memory_space<vmem>>, %arg8: memref<1024x1xf32, #tpu.memory_space<vmem>>, %arg9: memref<1x24xi32, #tpu.memory_space<vmem>>, %arg10: memref<1x24xi32, #tpu.memory_space<vmem>>, %arg11: memref<1x8xf32, #tpu.memory_space<vmem>>, %arg12: memref<1024x1024xbf16, #tpu.memory_space<vmem>>) attributes {dimension_semantics = [#tpu.dimension_semantics<arbitrary>], iteration_bounds = array<i64: 4>, scalar_prefetch = 0 : i64, scratch_operands = 2 : i64, tpu.core_type = #tpu.core_type<tc>, window_params = [{transform_indices = @transform_0, window_bounds = array<i64: 1024, 1024>}, {pipeline_mode = #tpu.pipeline_mode<synchronous>, transform_indices = @transform_1, window_bounds = array<i64: 1, 1024>}, {pipeline_mode = #tpu.pipeline_mode<synchronous>, transform_indices = @transform_2, window_bounds = array<i64: 1024, 8>}, {transform_indices = @transform_3, window_bounds = array<i64: 1024, 1024>}, {transform_indices = @transform_4, window_bounds = array<i64: 1024>}, {transform_indices = @transform_5, window_bounds = array<i64: 1024>}, {transform_indices = @transform_6, window_bounds = array<i64: 1024, 1>}, {transform_indices = @transform_7, window_bounds = array<i64: 1024, 1>}, {pipeline_mode = #tpu.pipeline_mode<synchronous>, transform_indices = @transform_8, window_bounds = array<i64: 1, 24>}, {pipeline_mode = #tpu.pipeline_mode<synchronous>, transform_indices = @transform_9, window_bounds = array<i64: 1, 24>}]} {
    %eq3A = arith.constant 0 : i32
    %eq3A_0 = arith.cmpi eq, %arg0, %eq3A : i32
    %convert_element_type3A = arith.extui %eq3A_0 : i1 to i32
    %cond3A = arith.constant 0 : i32
    %cond3A_1 = arith.cmpi ne, %convert_element_type3A, %cond3A : i32
    scf.if %cond3A_1 {
      %broadcast_in_dim3A_165 = arith.constant 0.000000e+00 : f32
      %broadcast_in_dim3A_166 = vector.broadcast %broadcast_in_dim3A_165 : f32 to vector<1x8xf32>
      %swap3A_167 = arith.constant 0 : index
      %swap3A_168 = arith.constant 0 : index
      %swap3A_169 = vector.load %arg11[%swap3A_167, %swap3A_168] : memref<1x8xf32, #tpu.memory_space<vmem>>, vector<1x8xf32>
      tpu.vector_store %arg11[%swap3A_167, %swap3A_168], %broadcast_in_dim3A_166 {strides = array<i32>} : memref<1x8xf32, #tpu.memory_space<vmem>>, vector<1x8xf32>,
      %iota3A_170 = tpu.iota {dimensions = array<i32: 0>} : vector<1024x1024xi32>
      %iota3A_171 = tpu.iota {dimensions = array<i32: 1>} : vector<1024x1024xi32>
      %gt3A = arith.cmpi sgt, %iota3A_170, %iota3A_171 : vector<1024x1024xi32>
      %convert_element_type3A_172 = arith.extui %gt3A : vector<1024x1024xi1> to vector<1024x1024xi32>
      %convert_element_type3A_173 = arith.sitofp %convert_element_type3A_172 : vector<1024x1024xi32> to vector<1024x1024xf32>
      %convert_element_type3A_174 = arith.truncf %convert_element_type3A_173 : vector<1024x1024xf32> to vector<1024x1024xbf16>
      %swap3A_175 = arith.constant 0 : index
      %swap3A_176 = arith.constant 0 : index
      %swap3A_177 = vector.load %arg12[%swap3A_175, %swap3A_176] : memref<1024x1024xbf16, #tpu.memory_space<vmem>>, vector<1024x1024xbf16>
      tpu.vector_store %arg12[%swap3A_175, %swap3A_176], %convert_element_type3A_174 {strides = array<i32>} : memref<1024x1024xbf16, #tpu.memory_space<vmem>>, vector<1024x1024xbf16>,
    } else {
    }
    %get3A = arith.constant 0 : index
    %get3A_2 = arith.constant 0 : index
    %get3A_3 = vector.load %arg1[%get3A, %get3A_2] : memref<1024x1024xf32, #tpu.memory_space<vmem>>, vector<1024x1024xf32>
    %convert_element_type3A_4 = arith.truncf %get3A_3 : vector<1024x1024xf32> to vector<1024x1024xbf16>
    %broadcast_in_dim3A = arith.constant 9.765620e-04 : bf16
    %broadcast_in_dim3A_5 = vector.broadcast %broadcast_in_dim3A : bf16 to vector<1024x128xbf16>
    %mul3A = arith.mulf %convert_element_type3A_4, %convert_element_type3A_4 : vector<1024x1024xbf16>
    %dot_general3A = arith.constant dense<0.000000e+00> : vector<1024x128xf32>
    %dot_general3A_6 = tpu.matmul %mul3A, %broadcast_in_dim3A_5, %dot_general3A {dimension_numbers = #tpu.dot_dimension_numbers<[1], [0], [0], [1], [0, 0, 1, 1], [], []>, transpose_lhs_hint = false} : vector<1024x1024xbf16>, vector<1024x128xbf16>, vector<1024x128xf32> -> vector<1024x128xf32>
    %slice3A = vector.extract_strided_slice %dot_general3A_6 {offsets = [0, 0], sizes = [1024, 1], strides = [1, 1]} : vector<1024x128xf32> to vector<1024x1xf32>
    %get3A_7 = arith.constant 0 : index
    %get3A_8 = arith.constant 0 : index
    %get3A_9 = vector.load %arg2[%get3A_7, %get3A_8] : memref<1x1024xf32, #tpu.memory_space<vmem>>, vector<1x1024xf32>
    %mul3A_10 = vector.broadcast %get3A_9 : vector<1x1024xf32> to vector<1024x1024xf32>
    %mul3A_11 = arith.mulf %get3A_3, %mul3A_10 : vector<1024x1024xf32>
    %add3A = arith.constant 9.99999997E-7 : f32
    %add3A_12 = vector.broadcast %add3A : f32 to vector<1024x1xf32>
    %add3A_13 = arith.addf %slice3A, %add3A_12 : vector<1024x1xf32>
    %rsqrt3A = math.rsqrt %add3A_13 : vector<1024x1xf32>
    %mul3A_14 = vector.broadcast %rsqrt3A : vector<1024x1xf32> to vector<1024x1024xf32>
    %mul3A_15 = arith.mulf %mul3A_11, %mul3A_14 : vector<1024x1024xf32>
    %swap3A = arith.constant 0 : index
    %swap3A_16 = arith.constant 0 : index
    %swap3A_17 = vector.load %arg4[%swap3A, %swap3A_16] : memref<1024x1024xf32, #tpu.memory_space<vmem>>, vector<1024x1024xf32>
    tpu.vector_store %arg4[%swap3A, %swap3A_16], %mul3A_15 {strides = array<i32>} : memref<1024x1024xf32, #tpu.memory_space<vmem>>, vector<1024x1024xf32>,
    %get3A_18 = arith.constant 0 : index
    %get3A_19 = arith.constant 0 : index
    %get3A_20 = vector.load %arg3[%get3A_18, %get3A_19] : memref<1024x8xf32, #tpu.memory_space<vmem>>, vector<1024x8xf32>
    %dot_general3A_21 = arith.constant dense<0.000000e+00> : vector<1024x8xf32>
    %dot_general3A_22 = tpu.matmul %mul3A_15, %get3A_20, %dot_general3A_21 {dimension_numbers = #tpu.dot_dimension_numbers<[1], [0], [0], [1], [0, 0, 1, 1], [], []>, transpose_lhs_hint = false} : vector<1024x1024xf32>, vector<1024x8xf32>, vector<1024x8xf32> -> vector<1024x8xf32>
    %iota3A = tpu.iota {dimensions = array<i32: 1>} : vector<1024x8xi32>
    %reduce_max3A = arith.constant dense<0xFF800000> : vector<1024xf32>
    %reduce_max3A_23 = vector.multi_reduction <maximumf>, %dot_general3A_22, %reduce_max3A [1] : vector<1024x8xf32> to vector<1024xf32>
    %broadcast_in_dim3A_24 = vector.shape_cast %reduce_max3A_23 : vector<1024xf32> to vector<1024x1xf32>
    %eq3A_25 = vector.broadcast %broadcast_in_dim3A_24 : vector<1024x1xf32> to vector<1024x8xf32>
    %eq3A_26 = arith.cmpf oeq, %dot_general3A_22, %eq3A_25 : vector<1024x8xf32>
    %jit3A = arith.constant 8 : i32
    %broadcast_in_dim3A_27 = vector.broadcast %jit3A : i32 to vector<1024x8xi32>
    %select_n3A = arith.select %eq3A_26, %iota3A, %broadcast_in_dim3A_27 : vector<1024x8xi1>, vector<1024x8xi32>
    %reduce_min3A = arith.constant dense<2147483647> : vector<1024xi32>
    %reduce_min3A_28 = vector.multi_reduction <minsi>, %select_n3A, %reduce_min3A [1] : vector<1024x8xi32> to vector<1024xi32>
    %broadcast_in_dim3A_29 = vector.shape_cast %reduce_min3A_28 : vector<1024xi32> to vector<1024x1xi32>
    %eq3A_30 = vector.broadcast %broadcast_in_dim3A_29 : vector<1024x1xi32> to vector<1024x8xi32>
    %eq3A_31 = arith.cmpi eq, %iota3A, %eq3A_30 : vector<1024x8xi32>
    %jit3A_32 = arith.constant 0xFF800000 : f32
    %broadcast_in_dim3A_33 = vector.broadcast %jit3A_32 : f32 to vector<1024x8xf32>
    %select_n3A_34 = arith.select %eq3A_31, %broadcast_in_dim3A_33, %dot_general3A_22 : vector<1024x8xi1>, vector<1024x8xf32>
    %reduce_max3A_35 = arith.constant dense<0xFF800000> : vector<1024xf32>
    %reduce_max3A_36 = vector.multi_reduction <maximumf>, %select_n3A_34, %reduce_max3A_35 [1] : vector<1024x8xf32> to vector<1024xf32>
    %broadcast_in_dim3A_37 = vector.shape_cast %reduce_max3A_36 : vector<1024xf32> to vector<1024x1xf32>
    %eq3A_38 = vector.broadcast %broadcast_in_dim3A_37 : vector<1024x1xf32> to vector<1024x8xf32>
    %eq3A_39 = arith.cmpf oeq, %select_n3A_34, %eq3A_38 : vector<1024x8xf32>
    %jit3A_40 = arith.constant 8 : i32
    %broadcast_in_dim3A_41 = vector.broadcast %jit3A_40 : i32 to vector<1024x8xi32>
    %select_n3A_42 = arith.select %eq3A_39, %iota3A, %broadcast_in_dim3A_41 : vector<1024x8xi1>, vector<1024x8xi32>
    %reduce_min3A_43 = arith.constant dense<2147483647> : vector<1024xi32>
    %reduce_min3A_44 = vector.multi_reduction <minsi>, %select_n3A_42, %reduce_min3A_43 [1] : vector<1024x8xi32> to vector<1024xi32>
    %broadcast_in_dim3A_45 = vector.shape_cast %reduce_min3A_44 : vector<1024xi32> to vector<1024x1xi32>
    %swap3A_46 = arith.constant 0 : index
    %swap3A_47 = arith.constant 0 : index
    %swap3A_48 = vector.load %arg7[%swap3A_46, %swap3A_47] : memref<1024x1xf32, #tpu.memory_space<vmem>>, vector<1024x1xf32>
    tpu.vector_store %arg7[%swap3A_46, %swap3A_47], %broadcast_in_dim3A_24 {strides = array<i32>} : memref<1024x1xf32, #tpu.memory_space<vmem>>, vector<1024x1xf32>,
    %swap3A_49 = arith.constant 0 : index
    %swap3A_50 = arith.constant 0 : index
    %swap3A_51 = vector.load %arg8[%swap3A_49, %swap3A_50] : memref<1024x1xf32, #tpu.memory_space<vmem>>, vector<1024x1xf32>
    tpu.vector_store %arg8[%swap3A_49, %swap3A_50], %broadcast_in_dim3A_37 {strides = array<i32>} : memref<1024x1xf32, #tpu.memory_space<vmem>>, vector<1024x1xf32>,
    %eq3A_52 = vector.broadcast %broadcast_in_dim3A_29 : vector<1024x1xi32> to vector<1024x8xi32>
    %eq3A_53 = arith.cmpi eq, %iota3A, %eq3A_52 : vector<1024x8xi32>
    %convert_element_type3A_54 = arith.extui %eq3A_53 : vector<1024x8xi1> to vector<1024x8xi32>
    %convert_element_type3A_55 = arith.sitofp %convert_element_type3A_54 : vector<1024x8xi32> to vector<1024x8xf32>
    %eq3A_56 = vector.broadcast %broadcast_in_dim3A_45 : vector<1024x1xi32> to vector<1024x8xi32>
    %eq3A_57 = arith.cmpi eq, %iota3A, %eq3A_56 : vector<1024x8xi32>
    %convert_element_type3A_58 = arith.extui %eq3A_57 : vector<1024x8xi1> to vector<1024x8xi32>
    %convert_element_type3A_59 = arith.sitofp %convert_element_type3A_58 : vector<1024x8xi32> to vector<1024x8xf32>
    %concatenate3A = tpu.concatenate %convert_element_type3A_55, %convert_element_type3A_59 in 1 : vector<1024x8xf32>, vector<1024x8xf32> -> vector<1024x16xf32>
    %convert_element_type3A_60 = arith.truncf %concatenate3A : vector<1024x16xf32> to vector<1024x16xbf16>
    %get3A_61 = arith.constant 0 : index
    %get3A_62 = arith.constant 0 : index
    %get3A_63 = vector.load %arg12[%get3A_61, %get3A_62] : memref<1024x1024xbf16, #tpu.memory_space<vmem>>, vector<1024x1024xbf16>
    %dot_general3A_64 = arith.constant dense<0.000000e+00> : vector<1024x16xf32>
    %dot_general3A_65 = tpu.matmul %get3A_63, %convert_element_type3A_60, %dot_general3A_64 {dimension_numbers = #tpu.dot_dimension_numbers<[1], [0], [0], [1], [0, 0, 1, 1], [], []>, transpose_lhs_hint = false} : vector<1024x1024xbf16>, vector<1024x16xbf16>, vector<1024x16xf32> -> vector<1024x16xf32>
    %slice3A_66 = vector.extract_strided_slice %dot_general3A_65 {offsets = [0, 0], sizes = [1024, 8], strides = [1, 1]} : vector<1024x16xf32> to vector<1024x8xf32>
    %slice3A_67 = vector.extract_strided_slice %dot_general3A_65 {offsets = [0, 8], sizes = [1024, 8], strides = [1, 1]} : vector<1024x16xf32> to vector<1024x8xf32>
    %get3A_68 = arith.constant 0 : index
    %get3A_69 = arith.constant 0 : index
    %get3A_70 = vector.load %arg11[%get3A_68, %get3A_69] : memref<1x8xf32, #tpu.memory_space<vmem>>, vector<1x8xf32>
    %reduce_sum3A = arith.constant dense<0.000000e+00> : vector<8xf32>
    %reduce_sum3A_71 = vector.multi_reduction <add>, %convert_element_type3A_55, %reduce_sum3A [0] : vector<1024x8xf32> to vector<8xf32>
    %broadcast_in_dim3A_72 = vector.shape_cast %reduce_sum3A_71 : vector<8xf32> to vector<1x8xf32>
    %reduce_sum3A_73 = arith.constant dense<0.000000e+00> : vector<8xf32>
    %reduce_sum3A_74 = vector.multi_reduction <add>, %convert_element_type3A_59, %reduce_sum3A_73 [0] : vector<1024x8xf32> to vector<8xf32>
    %broadcast_in_dim3A_75 = vector.shape_cast %reduce_sum3A_74 : vector<8xf32> to vector<1x8xf32>
    %add3A_76 = vector.broadcast %get3A_70 : vector<1x8xf32> to vector<1024x8xf32>
    %add3A_77 = arith.addf %slice3A_66, %add3A_76 : vector<1024x8xf32>
    %mul3A_78 = arith.mulf %convert_element_type3A_55, %add3A_77 : vector<1024x8xf32>
    %reduce_sum3A_79 = arith.constant dense<0.000000e+00> : vector<1024xf32>
    %reduce_sum3A_80 = vector.multi_reduction <add>, %mul3A_78, %reduce_sum3A_79 [1] : vector<1024x8xf32> to vector<1024xf32>
    %broadcast_in_dim3A_81 = vector.shape_cast %reduce_sum3A_80 : vector<1024xf32> to vector<1024x1xf32>
    %add3A_82 = vector.broadcast %get3A_70 : vector<1x8xf32> to vector<1024x8xf32>
    %add3A_83 = arith.addf %slice3A_67, %add3A_82 : vector<1024x8xf32>
    %add3A_84 = vector.broadcast %broadcast_in_dim3A_72 : vector<1x8xf32> to vector<1024x8xf32>
    %add3A_85 = arith.addf %add3A_83, %add3A_84 : vector<1024x8xf32>
    %mul3A_86 = arith.mulf %convert_element_type3A_59, %add3A_85 : vector<1024x8xf32>
    %reduce_sum3A_87 = arith.constant dense<0.000000e+00> : vector<1024xf32>
    %reduce_sum3A_88 = vector.multi_reduction <add>, %mul3A_86, %reduce_sum3A_87 [1] : vector<1024x8xf32> to vector<1024xf32>
    %broadcast_in_dim3A_89 = vector.shape_cast %reduce_sum3A_88 : vector<1024xf32> to vector<1024x1xf32>
    %mul3A_90 = arith.constant 4096 : i32
    %mul3A_91 = vector.broadcast %mul3A_90 : i32 to vector<1024x1xi32>
    %mul3A_92 = arith.muli %broadcast_in_dim3A_29, %mul3A_91 : vector<1024x1xi32>
    %convert_element_type3A_93 = arith.fptosi %broadcast_in_dim3A_81 : vector<1024x1xf32> to vector<1024x1xi32>
    %add3A_94 = arith.addi %mul3A_92, %convert_element_type3A_93 : vector<1024x1xi32>
    %squeeze3A = vector.shape_cast %add3A_94 : vector<1024x1xi32> to vector<1024xi32>
    %swap3A_95 = arith.constant 0 : index
    %swap3A_96 = vector.load %arg5[%swap3A_95] : memref<1024xi32, #tpu.memory_space<vmem>>, vector<1024xi32>
    tpu.vector_store %arg5[%swap3A_95], %squeeze3A {strides = array<i32>} : memref<1024xi32, #tpu.memory_space<vmem>>, vector<1024xi32>,
    %mul3A_97 = arith.constant 4096 : i32
    %mul3A_98 = vector.broadcast %mul3A_97 : i32 to vector<1024x1xi32>
    %mul3A_99 = arith.muli %broadcast_in_dim3A_45, %mul3A_98 : vector<1024x1xi32>
    %convert_element_type3A_100 = arith.fptosi %broadcast_in_dim3A_89 : vector<1024x1xf32> to vector<1024x1xi32>
    %add3A_101 = arith.addi %mul3A_99, %convert_element_type3A_100 : vector<1024x1xi32>
    %squeeze3A_102 = vector.shape_cast %add3A_101 : vector<1024x1xi32> to vector<1024xi32>
    %swap3A_103 = arith.constant 0 : index
    %swap3A_104 = vector.load %arg6[%swap3A_103] : memref<1024xi32, #tpu.memory_space<vmem>>, vector<1024xi32>
    tpu.vector_store %arg6[%swap3A_103], %squeeze3A_102 {strides = array<i32>} : memref<1024xi32, #tpu.memory_space<vmem>>, vector<1024xi32>,
    %add3A_105 = arith.addf %get3A_70, %broadcast_in_dim3A_72 : vector<1x8xf32>
    %add3A_106 = arith.addf %add3A_105, %broadcast_in_dim3A_75 : vector<1x8xf32>
    %swap3A_107 = arith.constant 0 : index
    %swap3A_108 = arith.constant 0 : index
    %swap3A_109 = vector.load %arg11[%swap3A_107, %swap3A_108] : memref<1x8xf32, #tpu.memory_space<vmem>>, vector<1x8xf32>
    tpu.vector_store %arg11[%swap3A_107, %swap3A_108], %add3A_106 {strides = array<i32>} : memref<1x8xf32, #tpu.memory_space<vmem>>, vector<1x8xf32>,
    %add3A_110 = arith.constant 5.110000e+02 : f32
    %add3A_111 = vector.broadcast %add3A_110 : f32 to vector<1x8xf32>
    %add3A_112 = arith.addf %add3A_106, %add3A_111 : vector<1x8xf32>
    %mul3A_113 = arith.constant 0.001953125 : f32
    %mul3A_114 = vector.broadcast %mul3A_113 : f32 to vector<1x8xf32>
    %mul3A_115 = arith.mulf %add3A_112, %mul3A_114 : vector<1x8xf32>
    %floor3A = math.floor %mul3A_115 : vector<1x8xf32>
    %iota3A_116 = tpu.iota {dimensions = array<i32: 0>} : vector<8x8xi32>
    %iota3A_117 = tpu.iota {dimensions = array<i32: 1>} : vector<8x8xi32>
    %lt3A = arith.cmpi slt, %iota3A_116, %iota3A_117 : vector<8x8xi32>
    %convert_element_type3A_118 = arith.extui %lt3A : vector<8x8xi1> to vector<8x8xi32>
    %convert_element_type3A_119 = arith.sitofp %convert_element_type3A_118 : vector<8x8xi32> to vector<8x8xf32>
    %dot_general3A_120 = arith.constant dense<0.000000e+00> : vector<1x8xf32>
    %dot_general3A_121 = tpu.matmul %floor3A, %convert_element_type3A_119, %dot_general3A_120 {dimension_numbers = #tpu.dot_dimension_numbers<[1], [0], [0], [1], [0, 0, 1, 1], [], []>, transpose_lhs_hint = false} : vector<1x8xf32>, vector<8x8xf32>, vector<1x8xf32> -> vector<1x8xf32>
    %add3A_122 = arith.addf %dot_general3A_121, %floor3A : vector<1x8xf32>
    %reduce_sum3A_123 = arith.constant dense<0.000000e+00> : vector<1xf32>
    %reduce_sum3A_124 = vector.multi_reduction <add>, %floor3A, %reduce_sum3A_123 [1] : vector<1x8xf32> to vector<1xf32>
    %broadcast_in_dim3A_125 = vector.shape_cast %reduce_sum3A_124 : vector<1xf32> to vector<1x1xf32>
    %iota3A_126 = tpu.iota {dimensions = array<i32: 1>} : vector<8x24xi32>
    %convert_element_type3A_127 = arith.sitofp %iota3A_126 : vector<8x24xi32> to vector<8x24xf32>
    %reshape3A = vector.shape_cast %add3A_122 : vector<1x8xf32> to vector<8x1xf32>
    %le3A = vector.broadcast %reshape3A : vector<8x1xf32> to vector<8x24xf32>
    %le3A_128 = arith.cmpf ole, %le3A, %convert_element_type3A_127 : vector<8x24xf32>
    %convert_element_type3A_129 = arith.extui %le3A_128 : vector<8x24xi1> to vector<8x24xi32>
    %reduce_sum3A_130 = arith.constant dense<0> : vector<24xi32>
    %reduce_sum3A_131 = vector.multi_reduction <add>, %convert_element_type3A_129, %reduce_sum3A_130 [0] : vector<8x24xi32> to vector<24xi32>
    %broadcast_in_dim3A_132 = vector.shape_cast %reduce_sum3A_131 : vector<24xi32> to vector<1x24xi32>
    %min3A = arith.constant 7 : i32
    %min3A_133 = vector.broadcast %min3A : i32 to vector<1x24xi32>
    %min3A_134 = arith.minsi %broadcast_in_dim3A_132, %min3A_133 : vector<1x24xi32>
    %iota3A_135 = tpu.iota {dimensions = array<i32: 0>} : vector<8x24xi32>
    %eq3A_136 = vector.broadcast %min3A_134 : vector<1x24xi32> to vector<8x24xi32>
    %eq3A_137 = arith.cmpi eq, %eq3A_136, %iota3A_135 : vector<8x24xi32>
    %reshape3A_138 = vector.shape_cast %dot_general3A_121 : vector<1x8xf32> to vector<8x1xf32>
    %jit3A_139 = arith.constant 0.000000e+00 : f32
    %broadcast_in_dim3A_140 = vector.shape_cast %reshape3A_138 : vector<8x1xf32> to vector<8x1xf32>
    %broadcast_in_dim3A_141 = vector.broadcast %broadcast_in_dim3A_140 : vector<8x1xf32> to vector<8x24xf32>
    %broadcast_in_dim3A_142 = vector.broadcast %jit3A_139 : f32 to vector<8x24xf32>
    %select_n3A_143 = arith.select %eq3A_137, %broadcast_in_dim3A_141, %broadcast_in_dim3A_142 : vector<8x24xi1>, vector<8x24xf32>
    %reduce_sum3A_144 = arith.constant dense<0.000000e+00> : vector<24xf32>
    %reduce_sum3A_145 = vector.multi_reduction <add>, %select_n3A_143, %reduce_sum3A_144 [0] : vector<8x24xf32> to vector<24xf32>
    %broadcast_in_dim3A_146 = vector.shape_cast %reduce_sum3A_145 : vector<24xf32> to vector<1x24xf32>
    %slice3A_147 = vector.extract_strided_slice %convert_element_type3A_127 {offsets = [0, 0], sizes = [1, 24], strides = [1, 1]} : vector<8x24xf32> to vector<1x24xf32>
    %mul3A_148 = arith.constant 8 : i32
    %mul3A_149 = vector.broadcast %mul3A_148 : i32 to vector<1x24xi32>
    %mul3A_150 = arith.muli %min3A_134, %mul3A_149 : vector<1x24xi32>
    %convert_element_type3A_151 = arith.sitofp %mul3A_150 : vector<1x24xi32> to vector<1x24xf32>
    %add3A_152 = arith.addf %convert_element_type3A_151, %slice3A_147 : vector<1x24xf32>
    %sub3A = arith.subf %add3A_152, %broadcast_in_dim3A_146 : vector<1x24xf32>
    %lt3A_153 = vector.broadcast %broadcast_in_dim3A_125 : vector<1x1xf32> to vector<1x24xf32>
    %lt3A_154 = arith.cmpf olt, %slice3A_147, %lt3A_153 : vector<1x24xf32>
    %jit3A_155 = arith.constant 6.400000e+01 : f32
    %broadcast_in_dim3A_156 = vector.broadcast %jit3A_155 : f32 to vector<1x24xf32>
    %select_n3A_157 = arith.select %lt3A_154, %sub3A, %broadcast_in_dim3A_156 : vector<1x24xi1>, vector<1x24xf32>
    %swap3A_158 = arith.constant 0 : index
    %swap3A_159 = arith.constant 0 : index
    %swap3A_160 = vector.load %arg9[%swap3A_158, %swap3A_159] : memref<1x24xi32, #tpu.memory_space<vmem>>, vector<1x24xi32>
    tpu.vector_store %arg9[%swap3A_158, %swap3A_159], %min3A_134 {strides = array<i32>} : memref<1x24xi32, #tpu.memory_space<vmem>>, vector<1x24xi32>,
    %convert_element_type3A_161 = arith.fptosi %select_n3A_157 : vector<1x24xf32> to vector<1x24xi32>
    %swap3A_162 = arith.constant 0 : index
    %swap3A_163 = arith.constant 0 : index
    %swap3A_164 = vector.load %arg10[%swap3A_162, %swap3A_163] : memref<1x24xi32, #tpu.memory_space<vmem>>, vector<1x24xi32>
    tpu.vector_store %arg10[%swap3A_162, %swap3A_163], %convert_element_type3A_161 {strides = array<i32>} : memref<1x24xi32, #tpu.memory_space<vmem>>, vector<1x24xi32>,
    return
  }
  func.func @transform_0(%arg0: i32) -> (i32, i32) {
    %c0_i32 = arith.constant 0 : i32
    %c0_i32_0 = arith.constant 0 : i32
    return %arg0, %c0_i32 : i32, i32
  }
  func.func @transform_1(%arg0: i32) -> (i32, i32) {
    %c0_i32 = arith.constant 0 : i32
    %c0_i32_0 = arith.constant 0 : i32
    %c0_i32_1 = arith.constant 0 : i32
    return %c0_i32, %c0_i32_0 : i32, i32
  }
  func.func @transform_2(%arg0: i32) -> (i32, i32) {
    %c0_i32 = arith.constant 0 : i32
    %c0_i32_0 = arith.constant 0 : i32
    %c0_i32_1 = arith.constant 0 : i32
    return %c0_i32, %c0_i32_0 : i32, i32
  }
  func.func @transform_3(%arg0: i32) -> (i32, i32) {
    %c0_i32 = arith.constant 0 : i32
    %c0_i32_0 = arith.constant 0 : i32
    return %arg0, %c0_i32 : i32, i32
  }
  func.func @transform_4(%arg0: i32) -> i32 {
    %c0_i32 = arith.constant 0 : i32
    return %arg0 : i32
  }
  func.func @transform_5(%arg0: i32) -> i32 {
    %c0_i32 = arith.constant 0 : i32
    return %arg0 : i32
  }
  func.func @transform_6(%arg0: i32) -> (i32, i32) {
    %c0_i32 = arith.constant 0 : i32
    %c0_i32_0 = arith.constant 0 : i32
    return %arg0, %c0_i32 : i32, i32
  }
  func.func @transform_7(%arg0: i32) -> (i32, i32) {
    %c0_i32 = arith.constant 0 : i32
    %c0_i32_0 = arith.constant 0 : i32
    return %arg0, %c0_i32 : i32, i32
  }
  func.func @transform_8(%arg0: i32) -> (i32, i32) {
    %c0_i32 = arith.constant 0 : i32
    %c0_i32_0 = arith.constant 0 : i32
    %c0_i32_1 = arith.constant 0 : i32
    return %c0_i32, %c0_i32_0 : i32, i32
  }
  func.func @transform_9(%arg0: i32) -> (i32, i32) {
    %c0_i32 = arith.constant 0 : i32
    %c0_i32_0 = arith.constant 0 : i32
    %c0_i32_1 = arith.constant 0 : i32
    return %c0_i32, %c0_i32_0 : i32, i32
  }
}

module attributes {stable_mosaic.version = 14 : i64} {
  func.func @_ffn_body(%arg0: i32, %arg1: memref<24xi32, #tpu.memory_space<smem>>, %arg2: memref<24xi32, #tpu.memory_space<smem>>, %arg3: memref<512x1024xf32, #tpu.memory_space<vmem>>, %arg4: memref<1x1024x512xbf16, #tpu.memory_space<vmem>>, %arg5: memref<512x512xbf16, #tpu.memory_space<vmem>>, %arg6: memref<1x512x1024xbf16, #tpu.memory_space<vmem>>, %arg7: memref<1x1x512xf32, #tpu.memory_space<vmem>>, %arg8: memref<1x1x1024xf32, #tpu.memory_space<vmem>>, %arg9: memref<512x1024xf32, #tpu.memory_space<vmem>>) attributes {dimension_semantics = [#tpu.dimension_semantics<parallel>], iteration_bounds = array<i64: 24>, scalar_prefetch = 2 : i64, scratch_operands = 0 : i64, tpu.core_type = #tpu.core_type<tc>, window_params = [{transform_indices = @transform_0, window_bounds = array<i64: 512, 1024>}, {transform_indices = @transform_1, window_bounds = array<i64: 1, 1024, 512>}, {pipeline_mode = #tpu.pipeline_mode<synchronous>, transform_indices = @transform_2, window_bounds = array<i64: 512, 512>}, {transform_indices = @transform_3, window_bounds = array<i64: 1, 512, 1024>}, {transform_indices = @transform_4, window_bounds = array<i64: 1, 1, 512>}, {transform_indices = @transform_5, window_bounds = array<i64: 1, 1, 1024>}, {transform_indices = @transform_6, window_bounds = array<i64: 512, 1024>}]} {
    %get3A = arith.constant 0 : index
    %get3A_0 = arith.constant 0 : index
    %get3A_1 = vector.load %arg3[%get3A, %get3A_0] : memref<512x1024xf32, #tpu.memory_space<vmem>>, vector<512x1024xf32>
    %convert_element_type3A = arith.truncf %get3A_1 : vector<512x1024xf32> to vector<512x1024xbf16>
    %get3A_2 = arith.constant 0 : index
    %get3A_3 = arith.constant 0 : index
    %get3A_4 = arith.constant 0 : index
    %get3A_5 = vector.load %arg4[%get3A_2, %get3A_3, %get3A_4] : memref<1x1024x512xbf16, #tpu.memory_space<vmem>>, vector<1x1024x512xbf16>
    %get3A_6 = vector.shape_cast %get3A_5 : vector<1x1024x512xbf16> to vector<1024x512xbf16>
    %dot_general3A = arith.constant dense<0.000000e+00> : vector<512x512xf32>
    %dot_general3A_7 = tpu.matmul %convert_element_type3A, %get3A_6, %dot_general3A {dimension_numbers = #tpu.dot_dimension_numbers<[1], [0], [0], [1], [0, 0, 1, 1], [], []>, transpose_lhs_hint = false} : vector<512x1024xbf16>, vector<1024x512xbf16>, vector<512x512xf32> -> vector<512x512xf32>
    %get3A_8 = arith.constant 0 : index
    %get3A_9 = arith.constant 0 : index
    %get3A_10 = arith.constant 0 : index
    %get3A_11 = vector.load %arg7[%get3A_8, %get3A_9, %get3A_10] : memref<1x1x512xf32, #tpu.memory_space<vmem>>, vector<1x1x512xf32>
    %get3A_12 = vector.shape_cast %get3A_11 : vector<1x1x512xf32> to vector<1x512xf32>
    %add3A = vector.broadcast %get3A_12 : vector<1x512xf32> to vector<512x512xf32>
    %add3A_13 = arith.addf %dot_general3A_7, %add3A : vector<512x512xf32>
    %convert_element_type3A_14 = arith.truncf %add3A_13 : vector<512x512xf32> to vector<512x512xbf16>
    %get3A_15 = arith.constant 0 : index
    %get3A_16 = arith.constant 0 : index
    %get3A_17 = vector.load %arg5[%get3A_15, %get3A_16] : memref<512x512xbf16, #tpu.memory_space<vmem>>, vector<512x512xbf16>
    %dot_general3A_18 = arith.constant dense<0.000000e+00> : vector<512x512xf32>
    %dot_general3A_19 = tpu.matmul %convert_element_type3A_14, %get3A_17, %dot_general3A_18 {dimension_numbers = #tpu.dot_dimension_numbers<[1], [0], [0], [1], [0, 0, 1, 1], [], []>, transpose_lhs_hint = false} : vector<512x512xbf16>, vector<512x512xbf16>, vector<512x512xf32> -> vector<512x512xf32>
    %neg3A = arith.constant 0.000000e+00 : f32
    %neg3A_20 = vector.broadcast %neg3A : f32 to vector<512x512xf32>
    %neg3A_21 = arith.subf %neg3A_20, %dot_general3A_19 : vector<512x512xf32>
    %exp3A = math.exp %neg3A_21 : vector<512x512xf32>
    %add3A_22 = arith.constant 1.000000e+00 : f32
    %add3A_23 = vector.broadcast %add3A_22 : f32 to vector<512x512xf32>
    %add3A_24 = arith.addf %add3A_23, %exp3A : vector<512x512xf32>
    %div3A = arith.constant 1.000000e+00 : f32
    %div3A_25 = vector.broadcast %div3A : f32 to vector<512x512xf32>
    %div3A_26 = arith.divf %div3A_25, %add3A_24 : vector<512x512xf32>
    %mul3A = arith.mulf %dot_general3A_19, %div3A_26 : vector<512x512xf32>
    %mul3A_27 = arith.mulf %add3A_13, %mul3A : vector<512x512xf32>
    %convert_element_type3A_28 = arith.truncf %mul3A_27 : vector<512x512xf32> to vector<512x512xbf16>
    %get3A_29 = arith.constant 0 : index
    %get3A_30 = arith.constant 0 : index
    %get3A_31 = arith.constant 0 : index
    %get3A_32 = vector.load %arg6[%get3A_29, %get3A_30, %get3A_31] : memref<1x512x1024xbf16, #tpu.memory_space<vmem>>, vector<1x512x1024xbf16>
    %get3A_33 = vector.shape_cast %get3A_32 : vector<1x512x1024xbf16> to vector<512x1024xbf16>
    %dot_general3A_34 = arith.constant dense<0.000000e+00> : vector<512x1024xf32>
    %dot_general3A_35 = tpu.matmul %convert_element_type3A_28, %get3A_33, %dot_general3A_34 {dimension_numbers = #tpu.dot_dimension_numbers<[1], [0], [0], [1], [0, 0, 1, 1], [], []>, transpose_lhs_hint = false} : vector<512x512xbf16>, vector<512x1024xbf16>, vector<512x1024xf32> -> vector<512x1024xf32>
    %get3A_36 = arith.constant 0 : index
    %get3A_37 = arith.constant 0 : index
    %get3A_38 = arith.constant 0 : index
    %get3A_39 = vector.load %arg8[%get3A_36, %get3A_37, %get3A_38] : memref<1x1x1024xf32, #tpu.memory_space<vmem>>, vector<1x1x1024xf32>
    %get3A_40 = vector.shape_cast %get3A_39 : vector<1x1x1024xf32> to vector<1x1024xf32>
    %add3A_41 = vector.broadcast %get3A_40 : vector<1x1024xf32> to vector<512x1024xf32>
    %add3A_42 = arith.addf %dot_general3A_35, %add3A_41 : vector<512x1024xf32>
    %swap3A = arith.constant 0 : index
    %swap3A_43 = arith.constant 0 : index
    %swap3A_44 = vector.load %arg9[%swap3A, %swap3A_43] : memref<512x1024xf32, #tpu.memory_space<vmem>>, vector<512x1024xf32>
    tpu.vector_store %arg9[%swap3A, %swap3A_43], %add3A_42 {strides = array<i32>} : memref<512x1024xf32, #tpu.memory_space<vmem>>, vector<512x1024xf32>,
    return
  }
  func.func @transform_0(%arg0: i32, %arg1: memref<24xi32, #tpu.memory_space<smem>>, %arg2: memref<24xi32, #tpu.memory_space<smem>>) -> (i32, i32) {
    %get3A = arith.index_cast %arg0 : i32 to index
    %get3A_0 = memref.load %arg2[%get3A] : memref<24xi32, #tpu.memory_space<smem>>
    %c0_i32 = arith.constant 0 : i32
    %c0_i32_1 = arith.constant 0 : i32
    return %get3A_0, %c0_i32 : i32, i32
  }
  func.func @transform_1(%arg0: i32, %arg1: memref<24xi32, #tpu.memory_space<smem>>, %arg2: memref<24xi32, #tpu.memory_space<smem>>) -> (i32, i32, i32) {
    %get3A = arith.index_cast %arg0 : i32 to index
    %get3A_0 = memref.load %arg1[%get3A] : memref<24xi32, #tpu.memory_space<smem>>
    %c0_i32 = arith.constant 0 : i32
    %c0_i32_1 = arith.constant 0 : i32
    %c0_i32_2 = arith.constant 0 : i32
    return %get3A_0, %c0_i32, %c0_i32_1 : i32, i32, i32
  }
  func.func @transform_2(%arg0: i32, %arg1: memref<24xi32, #tpu.memory_space<smem>>, %arg2: memref<24xi32, #tpu.memory_space<smem>>) -> (i32, i32) {
    %c0_i32 = arith.constant 0 : i32
    %c0_i32_0 = arith.constant 0 : i32
    %c0_i32_1 = arith.constant 0 : i32
    return %c0_i32, %c0_i32_0 : i32, i32
  }
  func.func @transform_3(%arg0: i32, %arg1: memref<24xi32, #tpu.memory_space<smem>>, %arg2: memref<24xi32, #tpu.memory_space<smem>>) -> (i32, i32, i32) {
    %get3A = arith.index_cast %arg0 : i32 to index
    %get3A_0 = memref.load %arg1[%get3A] : memref<24xi32, #tpu.memory_space<smem>>
    %c0_i32 = arith.constant 0 : i32
    %c0_i32_1 = arith.constant 0 : i32
    %c0_i32_2 = arith.constant 0 : i32
    return %get3A_0, %c0_i32, %c0_i32_1 : i32, i32, i32
  }
  func.func @transform_4(%arg0: i32, %arg1: memref<24xi32, #tpu.memory_space<smem>>, %arg2: memref<24xi32, #tpu.memory_space<smem>>) -> (i32, i32, i32) {
    %get3A = arith.index_cast %arg0 : i32 to index
    %get3A_0 = memref.load %arg1[%get3A] : memref<24xi32, #tpu.memory_space<smem>>
    %c0_i32 = arith.constant 0 : i32
    %c0_i32_1 = arith.constant 0 : i32
    %c0_i32_2 = arith.constant 0 : i32
    return %get3A_0, %c0_i32, %c0_i32_1 : i32, i32, i32
  }
  func.func @transform_5(%arg0: i32, %arg1: memref<24xi32, #tpu.memory_space<smem>>, %arg2: memref<24xi32, #tpu.memory_space<smem>>) -> (i32, i32, i32) {
    %get3A = arith.index_cast %arg0 : i32 to index
    %get3A_0 = memref.load %arg1[%get3A] : memref<24xi32, #tpu.memory_space<smem>>
    %c0_i32 = arith.constant 0 : i32
    %c0_i32_1 = arith.constant 0 : i32
    %c0_i32_2 = arith.constant 0 : i32
    return %get3A_0, %c0_i32, %c0_i32_1 : i32, i32, i32
  }
  func.func @transform_6(%arg0: i32, %arg1: memref<24xi32, #tpu.memory_space<smem>>, %arg2: memref<24xi32, #tpu.memory_space<smem>>) -> (i32, i32) {
    %get3A = arith.index_cast %arg0 : i32 to index
    %get3A_0 = memref.load %arg2[%get3A] : memref<24xi32, #tpu.memory_space<smem>>
    %c0_i32 = arith.constant 0 : i32
    %c0_i32_1 = arith.constant 0 : i32
    return %get3A_0, %c0_i32 : i32, i32
  }
}

module attributes {stable_mosaic.version = 14 : i64} {
  func.func @_combine_body(%arg0: i32, %arg1: memref<512x1024xf32, #tpu.memory_space<vmem>>, %arg2: memref<1x1024xf32, #tpu.memory_space<vmem>>, %arg3: memref<512x1024xf32, #tpu.memory_space<vmem>>, %arg4: memref<512x1024xf32, #tpu.memory_space<vmem>>, %arg5: memref<512x1xf32, #tpu.memory_space<vmem>>, %arg6: memref<512x1xf32, #tpu.memory_space<vmem>>, %arg7: memref<1024x512xbf16, #tpu.memory_space<vmem>>, %arg8: memref<512x512xbf16, #tpu.memory_space<vmem>>, %arg9: memref<512x1024xbf16, #tpu.memory_space<vmem>>, %arg10: memref<1x512xf32, #tpu.memory_space<vmem>>, %arg11: memref<1x1024xf32, #tpu.memory_space<vmem>>, %arg12: memref<512x1024xf32, #tpu.memory_space<vmem>>) attributes {dimension_semantics = [#tpu.dimension_semantics<parallel>], iteration_bounds = array<i64: 8>, scalar_prefetch = 0 : i64, scratch_operands = 0 : i64, tpu.core_type = #tpu.core_type<tc>, window_params = [{transform_indices = @transform_0, window_bounds = array<i64: 512, 1024>}, {pipeline_mode = #tpu.pipeline_mode<synchronous>, transform_indices = @transform_1, window_bounds = array<i64: 1, 1024>}, {transform_indices = @transform_2, window_bounds = array<i64: 512, 1024>}, {transform_indices = @transform_3, window_bounds = array<i64: 512, 1024>}, {transform_indices = @transform_4, window_bounds = array<i64: 512, 1>}, {transform_indices = @transform_5, window_bounds = array<i64: 512, 1>}, {pipeline_mode = #tpu.pipeline_mode<synchronous>, transform_indices = @transform_6, window_bounds = array<i64: 1024, 512>}, {pipeline_mode = #tpu.pipeline_mode<synchronous>, transform_indices = @transform_7, window_bounds = array<i64: 512, 512>}, {pipeline_mode = #tpu.pipeline_mode<synchronous>, transform_indices = @transform_8, window_bounds = array<i64: 512, 1024>}, {pipeline_mode = #tpu.pipeline_mode<synchronous>, transform_indices = @transform_9, window_bounds = array<i64: 1, 512>}, {pipeline_mode = #tpu.pipeline_mode<synchronous>, transform_indices = @transform_10, window_bounds = array<i64: 1, 1024>}, {transform_indices = @transform_11, window_bounds = array<i64: 512, 1024>}]} {
    %get3A = arith.constant 0 : index
    %get3A_0 = arith.constant 0 : index
    %get3A_1 = vector.load %arg1[%get3A, %get3A_0] : memref<512x1024xf32, #tpu.memory_space<vmem>>, vector<512x1024xf32>
    %convert_element_type3A = arith.truncf %get3A_1 : vector<512x1024xf32> to vector<512x1024xbf16>
    %broadcast_in_dim3A = arith.constant 9.765620e-04 : bf16
    %broadcast_in_dim3A_2 = vector.broadcast %broadcast_in_dim3A : bf16 to vector<1024x128xbf16>
    %mul3A = arith.mulf %convert_element_type3A, %convert_element_type3A : vector<512x1024xbf16>
    %dot_general3A = arith.constant dense<0.000000e+00> : vector<512x128xf32>
    %dot_general3A_3 = tpu.matmul %mul3A, %broadcast_in_dim3A_2, %dot_general3A {dimension_numbers = #tpu.dot_dimension_numbers<[1], [0], [0], [1], [0, 0, 1, 1], [], []>, transpose_lhs_hint = false} : vector<512x1024xbf16>, vector<1024x128xbf16>, vector<512x128xf32> -> vector<512x128xf32>
    %slice3A = vector.extract_strided_slice %dot_general3A_3 {offsets = [0, 0], sizes = [512, 1], strides = [1, 1]} : vector<512x128xf32> to vector<512x1xf32>
    %get3A_4 = arith.constant 0 : index
    %get3A_5 = arith.constant 0 : index
    %get3A_6 = vector.load %arg2[%get3A_4, %get3A_5] : memref<1x1024xf32, #tpu.memory_space<vmem>>, vector<1x1024xf32>
    %mul3A_7 = vector.broadcast %get3A_6 : vector<1x1024xf32> to vector<512x1024xf32>
    %mul3A_8 = arith.mulf %get3A_1, %mul3A_7 : vector<512x1024xf32>
    %add3A = arith.constant 9.99999997E-7 : f32
    %add3A_9 = vector.broadcast %add3A : f32 to vector<512x1xf32>
    %add3A_10 = arith.addf %slice3A, %add3A_9 : vector<512x1xf32>
    %rsqrt3A = math.rsqrt %add3A_10 : vector<512x1xf32>
    %mul3A_11 = vector.broadcast %rsqrt3A : vector<512x1xf32> to vector<512x1024xf32>
    %mul3A_12 = arith.mulf %mul3A_8, %mul3A_11 : vector<512x1024xf32>
    %convert_element_type3A_13 = arith.truncf %mul3A_12 : vector<512x1024xf32> to vector<512x1024xbf16>
    %get3A_14 = arith.constant 0 : index
    %get3A_15 = arith.constant 0 : index
    %get3A_16 = vector.load %arg7[%get3A_14, %get3A_15] : memref<1024x512xbf16, #tpu.memory_space<vmem>>, vector<1024x512xbf16>
    %dot_general3A_17 = arith.constant dense<0.000000e+00> : vector<512x512xf32>
    %dot_general3A_18 = tpu.matmul %convert_element_type3A_13, %get3A_16, %dot_general3A_17 {dimension_numbers = #tpu.dot_dimension_numbers<[1], [0], [0], [1], [0, 0, 1, 1], [], []>, transpose_lhs_hint = false} : vector<512x1024xbf16>, vector<1024x512xbf16>, vector<512x512xf32> -> vector<512x512xf32>
    %get3A_19 = arith.constant 0 : index
    %get3A_20 = arith.constant 0 : index
    %get3A_21 = vector.load %arg10[%get3A_19, %get3A_20] : memref<1x512xf32, #tpu.memory_space<vmem>>, vector<1x512xf32>
    %add3A_22 = vector.broadcast %get3A_21 : vector<1x512xf32> to vector<512x512xf32>
    %add3A_23 = arith.addf %dot_general3A_18, %add3A_22 : vector<512x512xf32>
    %convert_element_type3A_24 = arith.truncf %add3A_23 : vector<512x512xf32> to vector<512x512xbf16>
    %get3A_25 = arith.constant 0 : index
    %get3A_26 = arith.constant 0 : index
    %get3A_27 = vector.load %arg8[%get3A_25, %get3A_26] : memref<512x512xbf16, #tpu.memory_space<vmem>>, vector<512x512xbf16>
    %dot_general3A_28 = arith.constant dense<0.000000e+00> : vector<512x512xf32>
    %dot_general3A_29 = tpu.matmul %convert_element_type3A_24, %get3A_27, %dot_general3A_28 {dimension_numbers = #tpu.dot_dimension_numbers<[1], [0], [0], [1], [0, 0, 1, 1], [], []>, transpose_lhs_hint = false} : vector<512x512xbf16>, vector<512x512xbf16>, vector<512x512xf32> -> vector<512x512xf32>
    %neg3A = arith.constant 0.000000e+00 : f32
    %neg3A_30 = vector.broadcast %neg3A : f32 to vector<512x512xf32>
    %neg3A_31 = arith.subf %neg3A_30, %dot_general3A_29 : vector<512x512xf32>
    %exp3A = math.exp %neg3A_31 : vector<512x512xf32>
    %add3A_32 = arith.constant 1.000000e+00 : f32
    %add3A_33 = vector.broadcast %add3A_32 : f32 to vector<512x512xf32>
    %add3A_34 = arith.addf %add3A_33, %exp3A : vector<512x512xf32>
    %div3A = arith.constant 1.000000e+00 : f32
    %div3A_35 = vector.broadcast %div3A : f32 to vector<512x512xf32>
    %div3A_36 = arith.divf %div3A_35, %add3A_34 : vector<512x512xf32>
    %mul3A_37 = arith.mulf %dot_general3A_29, %div3A_36 : vector<512x512xf32>
    %mul3A_38 = arith.mulf %add3A_23, %mul3A_37 : vector<512x512xf32>
    %convert_element_type3A_39 = arith.truncf %mul3A_38 : vector<512x512xf32> to vector<512x512xbf16>
    %get3A_40 = arith.constant 0 : index
    %get3A_41 = arith.constant 0 : index
    %get3A_42 = vector.load %arg9[%get3A_40, %get3A_41] : memref<512x1024xbf16, #tpu.memory_space<vmem>>, vector<512x1024xbf16>
    %dot_general3A_43 = arith.constant dense<0.000000e+00> : vector<512x1024xf32>
    %dot_general3A_44 = tpu.matmul %convert_element_type3A_39, %get3A_42, %dot_general3A_43 {dimension_numbers = #tpu.dot_dimension_numbers<[1], [0], [0], [1], [0, 0, 1, 1], [], []>, transpose_lhs_hint = false} : vector<512x512xbf16>, vector<512x1024xbf16>, vector<512x1024xf32> -> vector<512x1024xf32>
    %get3A_45 = arith.constant 0 : index
    %get3A_46 = arith.constant 0 : index
    %get3A_47 = vector.load %arg11[%get3A_45, %get3A_46] : memref<1x1024xf32, #tpu.memory_space<vmem>>, vector<1x1024xf32>
    %add3A_48 = vector.broadcast %get3A_47 : vector<1x1024xf32> to vector<512x1024xf32>
    %add3A_49 = arith.addf %dot_general3A_44, %add3A_48 : vector<512x1024xf32>
    %add3A_50 = arith.addf %get3A_1, %add3A_49 : vector<512x1024xf32>
    %get3A_51 = arith.constant 0 : index
    %get3A_52 = arith.constant 0 : index
    %get3A_53 = vector.load %arg5[%get3A_51, %get3A_52] : memref<512x1xf32, #tpu.memory_space<vmem>>, vector<512x1xf32>
    %get3A_54 = arith.constant 0 : index
    %get3A_55 = arith.constant 0 : index
    %get3A_56 = vector.load %arg3[%get3A_54, %get3A_55] : memref<512x1024xf32, #tpu.memory_space<vmem>>, vector<512x1024xf32>
    %mul3A_57 = vector.broadcast %get3A_53 : vector<512x1xf32> to vector<512x1024xf32>
    %mul3A_58 = arith.mulf %mul3A_57, %get3A_56 : vector<512x1024xf32>
    %add3A_59 = arith.addf %add3A_50, %mul3A_58 : vector<512x1024xf32>
    %get3A_60 = arith.constant 0 : index
    %get3A_61 = arith.constant 0 : index
    %get3A_62 = vector.load %arg6[%get3A_60, %get3A_61] : memref<512x1xf32, #tpu.memory_space<vmem>>, vector<512x1xf32>
    %get3A_63 = arith.constant 0 : index
    %get3A_64 = arith.constant 0 : index
    %get3A_65 = vector.load %arg4[%get3A_63, %get3A_64] : memref<512x1024xf32, #tpu.memory_space<vmem>>, vector<512x1024xf32>
    %mul3A_66 = vector.broadcast %get3A_62 : vector<512x1xf32> to vector<512x1024xf32>
    %mul3A_67 = arith.mulf %mul3A_66, %get3A_65 : vector<512x1024xf32>
    %add3A_68 = arith.addf %add3A_59, %mul3A_67 : vector<512x1024xf32>
    %swap3A = arith.constant 0 : index
    %swap3A_69 = arith.constant 0 : index
    %swap3A_70 = vector.load %arg12[%swap3A, %swap3A_69] : memref<512x1024xf32, #tpu.memory_space<vmem>>, vector<512x1024xf32>
    tpu.vector_store %arg12[%swap3A, %swap3A_69], %add3A_68 {strides = array<i32>} : memref<512x1024xf32, #tpu.memory_space<vmem>>, vector<512x1024xf32>,
    return
  }
  func.func @transform_0(%arg0: i32) -> (i32, i32) {
    %c0_i32 = arith.constant 0 : i32
    %c0_i32_0 = arith.constant 0 : i32
    return %arg0, %c0_i32 : i32, i32
  }
  func.func @transform_1(%arg0: i32) -> (i32, i32) {
    %c0_i32 = arith.constant 0 : i32
    %c0_i32_0 = arith.constant 0 : i32
    %c0_i32_1 = arith.constant 0 : i32
    return %c0_i32, %c0_i32_0 : i32, i32
  }
  func.func @transform_2(%arg0: i32) -> (i32, i32) {
    %c0_i32 = arith.constant 0 : i32
    %c0_i32_0 = arith.constant 0 : i32
    return %arg0, %c0_i32 : i32, i32
  }
  func.func @transform_3(%arg0: i32) -> (i32, i32) {
    %c0_i32 = arith.constant 0 : i32
    %c0_i32_0 = arith.constant 0 : i32
    return %arg0, %c0_i32 : i32, i32
  }
  func.func @transform_4(%arg0: i32) -> (i32, i32) {
    %c0_i32 = arith.constant 0 : i32
    %c0_i32_0 = arith.constant 0 : i32
    return %arg0, %c0_i32 : i32, i32
  }
  func.func @transform_5(%arg0: i32) -> (i32, i32) {
    %c0_i32 = arith.constant 0 : i32
    %c0_i32_0 = arith.constant 0 : i32
    return %arg0, %c0_i32 : i32, i32
  }
  func.func @transform_6(%arg0: i32) -> (i32, i32) {
    %c0_i32 = arith.constant 0 : i32
    %c0_i32_0 = arith.constant 0 : i32
    %c0_i32_1 = arith.constant 0 : i32
    return %c0_i32, %c0_i32_0 : i32, i32
  }
  func.func @transform_7(%arg0: i32) -> (i32, i32) {
    %c0_i32 = arith.constant 0 : i32
    %c0_i32_0 = arith.constant 0 : i32
    %c0_i32_1 = arith.constant 0 : i32
    return %c0_i32, %c0_i32_0 : i32, i32
  }
  func.func @transform_8(%arg0: i32) -> (i32, i32) {
    %c0_i32 = arith.constant 0 : i32
    %c0_i32_0 = arith.constant 0 : i32
    %c0_i32_1 = arith.constant 0 : i32
    return %c0_i32, %c0_i32_0 : i32, i32
  }
  func.func @transform_9(%arg0: i32) -> (i32, i32) {
    %c0_i32 = arith.constant 0 : i32
    %c0_i32_0 = arith.constant 0 : i32
    %c0_i32_1 = arith.constant 0 : i32
    return %c0_i32, %c0_i32_0 : i32, i32
  }
  func.func @transform_10(%arg0: i32) -> (i32, i32) {
    %c0_i32 = arith.constant 0 : i32
    %c0_i32_0 = arith.constant 0 : i32
    %c0_i32_1 = arith.constant 0 : i32
    return %c0_i32, %c0_i32_0 : i32, i32
  }
  func.func @transform_11(%arg0: i32) -> (i32, i32) {
    %c0_i32 = arith.constant 0 : i32
    %c0_i32_0 = arith.constant 0 : i32
    return %arg0, %c0_i32 : i32, i32
  }
}

</mosaic_0001>

<sc_bundles>
// kernel: kernel.10.cloned.1.call-start
scs
__scs_entry_jumppad:
0x0: {  	(pc) =	sbr.rel $0x88, $3  }
0x1: {  	(tag) =	ssettag $0x0;
	lr =	simm.s32 $0x1  }
0x2: {  	[smem:$0x3F94] =	sst lr;
	_ =	strace $0xD0000000  }
0x3: {  	_ = 	snop  }
0x4: {  	_ = 	snop  }
0x5: {  	_ = 	snop  }
0x6: {  	_ = 	snop  }
0x7: {  	_ = 	snop  }
__scs_overlays_trampoline_lowered:
0x8: {  	[smem:$0x3FA3] =	sst s0  }
0x9: {  	[smem:$0x3FA4] =	sst s1  }
0xa: {  	[smem:$0x3FA5] =	sst s2  }
0xb: {  	[smem:$0x3FA6] =	sst s3  }
0xc: {  	[smem:$0x3FA7] =	sst s4  }
0xd: {  	[smem:$0x3FA8] =	sst s5  }
0xe: {  	[smem:$0x3FA9] =	sst s6  }
0xf: {  	[smem:$0x3FAA] =	sst s7  }
0x10: {  	[smem:$0x3FAB] =	sst s8  }
0x11: {  	[smem:$0x3FAC] =	sst s9;
	s0 =	simm.s32 @!p0 $0x0  }
0x12: {  	s1 =	sld [smem:$0x3F92];
	s0 =	simm.s32 @p0 $0x1  }
0x13: {  	[smem:$0x3FAD] =	sst s0;
	s0 =	simm.s32 @!p1 $0x0  }
0x14: {  	s2 =	sld [smem:$0x3F91];
	s0 =	simm.s32 @p1 $0x1  }
0x15: {  	[smem:$0x3FAE] =	sst s0;
	s0 =	simm.s32 @!p2 $0x0  }
0x16: {  	s3 =	sld [smem:$0x3FDB];
	s0 =	simm.s32 @p2 $0x1  }
0x17: {  	s4 =	simm.s32 $0x1BF5;
	[smem:$0x3FB0] =	sst s0  }
0x18: {  	s0 =	sld [smem:$0x3F93];
	_ =	swait.ge [sflag:s4], $0x0  }
0x19: {  	s7 =	sld [smem:$0x3F94]  }
0x1a: {  	s8 =	sadd.s32 $0xFFFFE003, lr  }
0x1b: {  	s9 =	sadd.s32 $0xFFFFFEF7, lr;
	s5 =	simm.s32 $0xFFFFFFFF;
	p2 =	slt.u32 s8, $0xFFFFF086  }
0x1c: {  	p1 =	slt.u32 s9, $0xF7A;
	s5 =	simm.s32 @!p2 $0x0  }
0x1d: {  	s5 =	simm.s32 @p1 $0x1;
	p0 =	seq.s32 s7, s2  }
0x1e: {  	s7 =	smul.u32 @!p0 $0xF7A, s2;
	p2 =	seq.s32 @!p0 s5, $0x0  }
0x1f: {  	s9 =	smul.u32 $0xF7A, s1;
	s8 =	simm.s32 @!p0 $0x1BF5;
	p2 =	por !p2, p0  }
0x20: {  	[sflag:s8] =	ssyncset.s32 @!p0 $0xFFFFF086;
	s6 =	sadd.s32 @!p0 s3, s7;
	s7 =	simm.s32 @!p0 $0x108  }
0x21: {  	s3 =	sadd.s32 s3, s9;
	s6 =	sadd.s32 @!p0 $0x88, s6;
	s7 =	simm.s32 @p2 $0x1082  }
0x22: {  	[simem:s7], [sflag:s8] =	dma.local @!p0 [hbm:s6], $0xF7A  }
0x23: {  	s9 =	sor.u32 $0xD0000000, s2;
	s6 =	simm.s32 $0x108;
	_ =	swait.ge @!p0 [sflag:s8], $0x0  }
0x24: {  	s3 =	sadd.s32 $0x88, s3;
	s6 =	simm.s32 @!p1 $0x1082;
	[sflag:s4] =	ssyncset.s32 $0xFFFFF086  }
0x25: {  	[simem:s6], [sflag:s4] =	dma.local [hbm:s3], $0xF7A  }
0x26: {  	[smem:$0x3F94] =	sst s1;
	(tag) =	ssettag s2;
	_ =	strace s9  }
0x27: {  	s1 =	sld [smem:$0x3FA4]  }
0x28: {  	s2 =	sld [smem:$0x3FA5]  }
0x29: {  	s4 =	sld [smem:$0x3FA7]  }
0x2a: {  	p0 =	seq.s32 s5, $0x0;
	s5 =	sld [smem:$0x3FA8]  }
0x2b: {  	s6 =	sld [smem:$0x3FA9]  }
0x2c: {  	s7 =	sld [smem:$0x3FAA]  }
0x2d: {  	s3 =	simm.s32 $0x108;
	s8 =	sld [smem:$0x3FAB]  }
0x2e: {  	s3 =	simm.s32 @!p0 $0x1082;
	s9 =	sld [smem:$0x3FAC]  }
0x2f: {  	lr =	sadd.s32 s0, s3;
	s0 =	sld [smem:$0x3FA3]  }
0x30: {  	s3 =	sld [smem:$0x3FA6]  }
0x31: {  	[smem:$0x3FAF] =	sst s10  }
0x32: {  	s10 =	sld [smem:$0x3FAD];
	_ =	sdelay $0x3  }
0x33: {  	p0 =	seq.s32 s10, $0x1;
	s10 =	sld [smem:$0x3FAF];
	_ =	sdelay $0x3  }
0x34: {  	[smem:$0x3FAF] =	sst s10  }
0x35: {  	s10 =	sld [smem:$0x3FAE];
	_ =	sdelay $0x3  }
0x36: {  	p1 =	seq.s32 s10, $0x1;
	s10 =	sld [smem:$0x3FAF];
	_ =	sdelay $0x3  }
0x37: {  	[smem:$0x3FAF] =	sst s10  }
0x38: {  	s10 =	sld [smem:$0x3FB0]  }
0x39: {  	_ = 	snop;
	(pc) =	sbr.ind lr, $3  }
0x3a: {  	_ = 	snop  }
0x3b: {  	_ = 	snop  }
0x3c: {  	p2 =	seq.s32 s10, $0x1;
	s10 =	sld [smem:$0x3FAF]  }
0x3d: {  	_ =	shalt  }
0x3e: {  	_ =	shalt  }
0x3f: {  	_ =	shalt  }
0x40: {  	_ =	shalt  }
0x41: {  	_ =	shalt  }
0x42: {  	_ =	shalt  }
0x43: {  	_ =	shalt  }
0x44: {  	_ =	shalt  }
0x45: {  	_ =	shalt  }
0x46: {  	_ =	shalt  }
0x47: {  	_ =	shalt  }
0x48: {  	_ =	shalt  }
0x49: {  	_ =	shalt  }
0x4a: {  	_ =	shalt  }
0x4b: {  	_ =	shalt  }
0x4c: {  	_ =	shalt  }
0x4d: {  	_ =	shalt  }
0x4e: {  	_ =	shalt  }
0x4f: {  	_ =	shalt  }
0x50: {  	_ =	shalt  }
0x51: {  	_ =	shalt  }
0x52: {  	_ =	shalt  }
0x53: {  	_ =	shalt  }
0x54: {  	_ =	shalt  }
0x55: {  	_ =	shalt  }
0x56: {  	_ =	shalt  }
0x57: {  	_ =	shalt  }
0x58: {  	_ =	shalt  }
0x59: {  	_ =	shalt  }
0x5a: {  	_ =	shalt  }
0x5b: {  	_ =	shalt  }
0x5c: {  	_ =	shalt  }
0x5d: {  	_ =	shalt  }
0x5e: {  	_ =	shalt  }
0x5f: {  	_ =	shalt  }
0x60: {  	_ =	shalt  }
0x61: {  	_ =	shalt  }
0x62: {  	_ =	shalt  }
0x63: {  	_ =	shalt  }
0x64: {  	_ =	shalt  }
0x65: {  	_ =	shalt  }
0x66: {  	_ =	shalt  }
0x67: {  	_ =	shalt  }
0x68: {  	_ =	shalt  }
0x69: {  	_ =	shalt  }
0x6a: {  	_ =	shalt  }
0x6b: {  	_ =	shalt  }
0x6c: {  	_ =	shalt  }
0x6d: {  	_ =	shalt  }
0x6e: {  	_ =	shalt  }
0x6f: {  	_ =	shalt  }
0x70: {  	_ =	shalt  }
0x71: {  	_ =	shalt  }
0x72: {  	_ =	shalt  }
0x73: {  	_ =	shalt  }
0x74: {  	_ =	shalt  }
0x75: {  	_ =	shalt  }
0x76: {  	_ =	shalt  }
0x77: {  	_ =	shalt  }
0x78: {  	_ =	shalt  }
0x79: {  	_ =	shalt  }
0x7a: {  	_ =	shalt  }
0x7b: {  	_ =	shalt  }
0x7c: {  	_ =	shalt  }
0x7d: {  	_ =	shalt  }
0x7e: {  	_ =	shalt  }
0x7f: {  	_ =	shalt  }
0x80: {  	_ =	shalt  }
0x81: {  	_ =	shalt  }
0x82: {  	_ =	shalt  }
0x83: {  	_ =	shalt  }
0x84: {  	_ =	shalt  }
0x85: {  	_ =	shalt  }
0x86: {  	_ =	shalt  }
0x87: {  	_ =	shalt  }
.Lfunc_end0:
.L_simem_size_0:
called_computation.1_lowered:
.L_overlay_start_0:
0x88: {  	s2 =	sld [smem:$0x3FD9]  }
0x89: {  	s3 =	sld [smem:$0x3FFE];
	_ =	sdelay $0x1  }
0x8a: {  	s1 =	srdreg.scid  }
0x8b: {  	s0 =	sand.u32 $0x1, s1  }
0x8c: {  	s16 =	sshll.u32 s0, $0xA;
	s2 =	sadd.s32 s3, s2  }
0x8d: {  	s2 =	sadd.s32 s2, s16  }
0x8e: {  	[smem:$0x3FBB] =	sst s2  }
0x8f: {  	_ = 	snop  }
0x90: {  	(tm) =	ssettm $0x1  }
0x91: {  	s17 =	sld [smem:$0x3FFB];
	_ =	sdelay $0x3  }
0x92: {  	_ =	strace s17  }
0x93: {  	s2 =	sld [smem:$0x3FFC];
	_ =	sdelay $0x3  }
0x94: {  	_ =	strace s2  }
0x95: {  	s2 =	sld [smem:$0x3FFD];
	_ =	sdelay $0x3  }
0x96: {  	_ =	strace s2  }
0x97: {  	_ =	strace $0x8FFFFFFF  }
0x98: {  	s18 =	sld [smem:$0x3FDB];
	_ =	sdelay $0x1  }
0x99: {  	s19 =	simm.s32 $_scs_section_size  }
0x9a: {  	s4 =	simm.s32 $_size__tile_overlayer_lowered;
	s5 =	simm.s32 $_tile_overlayer_lowered  }
0x9b: {  	s22 =	simm.s32 $0x1BFF;
	s21 =	sshll.u32 s5, $0x1;
	s2 =	sadd.s32 s19, s18  }
0x9c: {  	s6 =	simm.s32 $0x0;
	s20 =	sshll.u32 s4, $0x1;
	s4 =	sadd.s32 s21, s2  }
0x9d: {  	[timem:s6], [sflag:s22] =	dma.local [hbm:s4], s20  }
0x9e: {  	_ =	swait.ge [sflag:s22], s20  }
0x9f: {  	s3 =	ssub.s32 $0x0, s20;
	[sflag:s22] =	ssyncset.done $0x0  }
0xa0: {  	[sflag:s22] =	ssyncadd.s32 s3;
	_ =	sdelay $0x1  }
0xa1: {  	s23 =	simm.s32 $0x1B8B  }
0xa2: {  	_ =	swait.ge [sflag:s23], $0x1  }
0xa3: {  	[sflag:s23] =	ssyncset.done $0x0  }
0xa4: {  	s25 =	simm.s32 $0x1B8E;
	s24 =	sld [smem:$0x3FFE];
	[sflag:s23] =	ssyncadd.s32 $0xFFFFFFFF  }
0xa5: {  	s26 =	simm.s32 $execute0_lowered;
	[smem:$0x3FD2] =	sst s25  }
0xa6: {  	s4 =	sshll.u32 s26, $0x1;
	_ =	strace $0x80000049;
	[dreg:$0x1] =	wrdreg $0xFFFFFFFF  }
0xa7: {  	s28 =	simm.s32 $_size_execute0_lowered;
	s2 =	sadd.s32 s2, s4;
	[dreg:$0x0] =	wrdreg $0x0  }
0xa8: {  	s4 =	sshll.u32 s28, $0x1;
	[dreg:$0x2] =	wrdreg s2  }
0xa9: {  	[dreg:$0x3] =	wrdreg s4  }
0xaa: {  	[dreg:$0x4] =	wrdreg $0xC0  }
0xab: {  	_ =	task [dreg:s6], $0x5FFFF  }
0xac: {  	[dreg:$0x1] =	wrdreg $0xFFFFFFFF  }
0xad: {  	[dreg:$0x0] =	wrdreg $0x60  }
0xae: {  	[dreg:$0x2] =	wrdreg s24  }
0xaf: {  	[dreg:$0x3] =	wrdreg $0x9  }
0xb0: {  	_ =	task.clear_ibuf [dreg:s6], $0x4FFFF;
	_ =	strace $0x90000049  }
0xb1: {  	s29 =	simm.s32 $0x9;
	_ =	strace $0x8000004B  }
0xb2: {  	_ =	swait.ge [sflag:s29], $0x1  }
0xb3: {  	[sflag:s29] =	ssyncadd.s32 $0xFFFFFFFF  }
0xb4: {  	_ =	strace $0x9000004B  }
0xb5: {  	_ =	sfence  }
0xb6: {  	s30 =	sld [smem:$0x0];
	_ =	sdelay $0x2  }
0xb7: {  	s31 =	sshll.u32 s1, $0xD;
	s1 =	sshrl.u32 s1, $0x2  }
0xb8: {  	s3 =	sand.u32 $0x4000, s31;
	s1 =	sadd.s32 s1, s30  }
0xb9: {  	s0 =	sor.u32 s3, s0;
	s1 =	sshll.u32 s1, $0x11  }
0xba: {  	s0 =	sor.u32 s1, s0  }
0xbb: {  	s0 =	sadd.s32 $0x8F2B, s0  }
0xbc: {  	[sflag:s0] =	ssyncadd.remote.s32 $0x1  }
0xbd: {  	_ =	sfence.sel $0xFFFF  }
0xbe: {  	[dreg:$0x0] =	wrdreg $0xFFFFFFFF;
	(pc) =	sbr.abs _section_cstart, $3  }
0xbf: {  	[dreg:$0x1] =	wrdreg $0xFFFFFFFF  }
0xc0: {  	_ =	task.clear_ibuf [dreg:s6], $0x2FFFF;
	_ =	strace $0x9FFFFFFF  }
0xc1: {  	(tm) =	ssettm $0x7FFFFFFF  }
tec
execute0_lowered:
.L_overlay_start_1:
0x0: {  	(tag) =	ssettag $0x1  }
0x1: {  	s0 =	rddreg [dreg:$0x0]  }
0x2: {  	s1 =	srdreg.scid;
	s3 =	stileid.u32;
	s2 =	simm.s32 $0x0  }
0x3: {  	s30 =	simm.s32 $0x10000;
	s31 =	simm.s32 $0x10080;
	s16 =	simm.s32 $0x1  }
0x4: {  	s17 =	simm.s32 $0x2;
	s18 =	simm.s32 $0x3;
	s1 =	sand.u32 $0x1, s1  }
0x5: {  	s3 =	sshll.u32 s3, $0x8;
	[smem:$0x7FF] =	sst s2;
	s6 =	sadd.s32 $0x23E00, s0  }
0x6: {  	s7 =	sadd.s32 $0xA3E00, s0;
	s4 =	sshll.u32 s1, $0x7;
	_ =	strace $0x8000004A  }
0x7: {  	s1 =	ssub.s32 $0x2, s1;
	[dreg:$0xc] =	wrdreg s30;
	s4 =	sor.u32 s4, s3  }
0x8: {  	[dreg:$0xd] =	wrdreg s31;
	s3 =	sadd.s32 $0x434200, s0;
	s19 =	sshll.u32 s4, $0x7  }
0x9: {  	s20 =	sshrl.u32 s1, $0x1;
	s5 =	sshrl.u32 s4, $0x3;
	s21 =	sadd.s32 s6, s19  }
0xa: {  	s5 =	sadd.s32 s5, s0;
	s22 =	sadd.s32 s7, s19;
	[dreg:$0x4] =	wrdreg s21  }
0xb: {  	s1 =	ssub.s32 s1, s20;
	s8 =	sadd.s32 $0x3A00, s5;
	[dreg:$0x5] =	wrdreg s22  }
0xc: {  	s9 =	sor.u32 $0x1000, s19;
	s5 =	sadd.s32 $0x3C00, s5;
	[dreg:$0x2] =	wrdreg s8  }
0xd: {  	s4 =	sadd.s32 $0x434300, s0;
	s23 =	sadd.s32 s6, s9;
	[dreg:$0x3] =	wrdreg s5  }
0xe: {  	s25 =	sor.u32 $0x2000, s19;
	s24 =	sadd.s32 s7, s9;
	[dreg:$0x6] =	wrdreg s23  }
0xf: {  	s26 =	sadd.s32 s6, s25;
	s9 =	sadd.s32 s7, s25;
	[dreg:$0x7] =	wrdreg s24  }
0x10: {  	[dreg:$0x8] =	wrdreg s26;
	s8 =	sor.u32 $0x3000, s19;
	s5 =	sadd.s32 $0x434400, s0  }
0x11: {  	v2 =	vlaneseq.u32;
	[dreg:$0x9] =	wrdreg s9;
	s23 =	simm.s32 $0x8000;
	s28 =	sadd.s32 s6, s8  }
0x12: {  	vm0 =	vmmov $0xffff;
	v1 =	vshrl.u32 v2, $0x3;
	s19 =	simm.s32 $0x4;
	s29 =	sadd.s32 s7, s8;
	[dreg:$0xa] =	wrdreg s28  }
0x13: {  	v0 =	vand.u32 $0x7, v2;
	v2 =	vor.u32 $0x8, v2;
	v1 =	vmul.u32 $0x8, v1;
	s6 =	sadd.s32 $0x434500, s0;
	s7 =	smax.u32 s1, $0x1;
	[dreg:$0xb] =	wrdreg s29  }
.LBB2_1:
0x14: {  	s20 =	rddreg [dreg:$0x2]  }
0x15: {  	s21 =	rddreg [dreg:$0xc];
	s0 =	simm.s32 $0x5  }
0x16: {  	[tilespmem:s21], [sflag:$0x5] =	stream.linear.gather [hbm4b:s20+s2], $0x80, $0x38;
	[tilespmem:$0x10100] =	vst v63  }
0x17: {  	_ =	swait.ge [sflag:s0], $0x80  }
0x18: {  	s11 =	rddreg [dreg:$0x3];
	[sflag:s0] =	ssyncset.done $0x0  }
0x19: {  	s12 =	rddreg [dreg:$0xd];
	[sflag:s0] =	ssyncadd.s32 $0xFFFFFF80  }
0x1a: {  	[tilespmem:s12], [sflag:$0x5] =	stream.linear.gather [hbm4b:s11+s2], $0x80, $0x38;
	[tilespmem:$0x10100] =	vst v63  }
0x1b: {  	_ =	swait.ge [sflag:s0], $0x80  }
0x1c: {  	[sflag:s0] =	ssyncset.done $0x0  }
0x1d: {  	[sflag:s0] =	ssyncadd.s32 $0xFFFFFF80  }
0x1e: {  	v3 =	vld [tilespmem:$0x10000];
	_ =	sdelay $0x4  }
0x1f: {  	v4 =	vshll.u32 v3, $0x3  }
0x20: {  	v3 =	vand.u32 $0x7, v3;
	v4 =	vand.u32 $0xFFFFFFC0, v4  }
0x21: {  	v3 =	vor.u32 v3, v4  }
0x22: {  	v4 =	vperm.xlane v3, v0;
	_ =	sdelay $0x1  }
0x23: {  	v4 =	vadd.s32 v1, v4;
	_ =	sdelay $0x4  }
0x24: {  	[tilespmem:s2], [sflag:$0x1] =	stream.indirect_vreg.gather [hbm4b:s3+s2], $0x80, v4, vm0, $0xb8;
	[tilespmem:$0x10100] =	vst v63  }
0x25: {  	s13 =	simm.s32 $0x800;
	v3 =	vperm.xlane v3, v2  }
0x26: {  	[tilespmem:s13], [sflag:$0x1] =	stream.indirect_vreg.gather [hbm4b:s4+s2], $0x80, v4, vm0, $0xb8;
	[tilespmem:$0x10100] =	vst v63  }
0x27: {  	s14 =	simm.s32 $0x1000;
	v3 =	vadd.s32 v1, v3  }
0x28: {  	[tilespmem:s14], [sflag:$0x1] =	stream.indirect_vreg.gather [hbm4b:s5+s2], $0x80, v4, vm0, $0xb8;
	[tilespmem:$0x10100] =	vst v63  }
0x29: {  	s15 =	simm.s32 $0x1800  }
0x2a: {  	[tilespmem:s15], [sflag:$0x1] =	stream.indirect_vreg.gather [hbm4b:s6+s2], $0x80, v4, vm0, $0xb8;
	[tilespmem:$0x10100] =	vst v63  }
0x2b: {  	s20 =	simm.s32 $0x2000  }
0x2c: {  	[tilespmem:s20], [sflag:$0x1] =	stream.indirect_vreg.gather [hbm4b:s3+s2], $0x80, v3, vm0, $0xb8;
	[tilespmem:$0x10100] =	vst v63  }
0x2d: {  	s21 =	simm.s32 $0x2800  }
0x2e: {  	[tilespmem:s21], [sflag:$0x1] =	stream.indirect_vreg.gather [hbm4b:s4+s2], $0x80, v3, vm0, $0xb8;
	[tilespmem:$0x10100] =	vst v63  }
0x2f: {  	s22 =	simm.s32 $0x3000  }
0x30: {  	[tilespmem:s22], [sflag:$0x1] =	stream.indirect_vreg.gather [hbm4b:s5+s2], $0x80, v3, vm0, $0xb8;
	[tilespmem:$0x10100] =	vst v63  }
0x31: {  	s24 =	simm.s32 $0x3800  }
0x32: {  	[tilespmem:s24], [sflag:$0x1] =	stream.indirect_vreg.gather [hbm4b:s6+s2], $0x80, v3, vm0, $0xb8;
	[tilespmem:$0x10100] =	vst v63  }
0x33: {  	v3 =	vld [tilespmem:$0x10010];
	_ =	sdelay $0x4  }
0x34: {  	v49 =	vshll.u32 v3, $0x3  }
0x35: {  	v3 =	vand.u32 $0x7, v3;
	v4 =	vand.u32 $0xFFFFFFC0, v49  }
0x36: {  	v3 =	vor.u32 v3, v4  }
0x37: {  	v4 =	vperm.xlane v3, v0;
	_ =	sdelay $0x1  }
0x38: {  	v4 =	vadd.s32 v1, v4;
	_ =	sdelay $0x3  }
0x39: {  	s25 =	simm.s32 $0x4000  }
0x3a: {  	[tilespmem:s25], [sflag:$0x1] =	stream.indirect_vreg.gather [hbm4b:s3+s2], $0x80, v4, vm0, $0xb8;
	[tilespmem:$0x10100] =	vst v63  }
0x3b: {  	s26 =	simm.s32 $0x4800;
	v3 =	vperm.xlane v3, v2  }
0x3c: {  	[tilespmem:s26], [sflag:$0x1] =	stream.indirect_vreg.gather [hbm4b:s4+s2], $0x80, v4, vm0, $0xb8;
	[tilespmem:$0x10100] =	vst v63  }
0x3d: {  	s28 =	simm.s32 $0x5000;
	v3 =	vadd.s32 v1, v3  }
0x3e: {  	[tilespmem:s28], [sflag:$0x1] =	stream.indirect_vreg.gather [hbm4b:s5+s2], $0x80, v4, vm0, $0xb8;
	[tilespmem:$0x10100] =	vst v63  }
0x3f: {  	s29 =	simm.s32 $0x5800  }
0x40: {  	[tilespmem:s29], [sflag:$0x1] =	stream.indirect_vreg.gather [hbm4b:s6+s2], $0x80, v4, vm0, $0xb8;
	[tilespmem:$0x10100] =	vst v63  }
0x41: {  	s30 =	simm.s32 $0x6000  }
0x42: {  	[tilespmem:s30], [sflag:$0x1] =	stream.indirect_vreg.gather [hbm4b:s3+s2], $0x80, v3, vm0, $0xb8;
	[tilespmem:$0x10100] =	vst v63  }
0x43: {  	s31 =	simm.s32 $0x6800  }
0x44: {  	[tilespmem:s31], [sflag:$0x1] =	stream.indirect_vreg.gather [hbm4b:s4+s2], $0x80, v3, vm0, $0xb8;
	[tilespmem:$0x10100] =	vst v63  }
0x45: {  	s12 =	simm.s32 $0x7000  }
0x46: {  	[tilespmem:s12], [sflag:$0x1] =	stream.indirect_vreg.gather [hbm4b:s5+s2], $0x80, v3, vm0, $0xb8;
	[tilespmem:$0x10100] =	vst v63  }
0x47: {  	s14 =	simm.s32 $0x7800  }
0x48: {  	[tilespmem:s14], [sflag:$0x1] =	stream.indirect_vreg.gather [hbm4b:s6+s2], $0x80, v3, vm0, $0xb8;
	[tilespmem:$0x10100] =	vst v63  }
0x49: {  	v3 =	vld [tilespmem:$0x10080];
	_ =	sdelay $0x4  }
0x4a: {  	v50 =	vshll.u32 v3, $0x3  }
0x4b: {  	v3 =	vand.u32 $0x7, v3;
	v4 =	vand.u32 $0xFFFFFFC0, v50  }
0x4c: {  	v3 =	vor.u32 v3, v4  }
0x4d: {  	v4 =	vperm.xlane v3, v0;
	_ =	sdelay $0x1  }
0x4e: {  	v4 =	vadd.s32 v1, v4;
	_ =	sdelay $0x4  }
0x4f: {  	[tilespmem:s23], [sflag:$0x2] =	stream.indirect_vreg.gather [hbm4b:s3+s2], $0x80, v4, vm0, $0xb8;
	[tilespmem:$0x10100] =	vst v63  }
0x50: {  	s15 =	simm.s32 $0x8800;
	v3 =	vperm.xlane v3, v2  }
0x51: {  	[tilespmem:s15], [sflag:$0x2] =	stream.indirect_vreg.gather [hbm4b:s4+s2], $0x80, v4, vm0, $0xb8;
	[tilespmem:$0x10100] =	vst v63  }
0x52: {  	s20 =	simm.s32 $0x9000;
	v3 =	vadd.s32 v1, v3  }
0x53: {  	[tilespmem:s20], [sflag:$0x2] =	stream.indirect_vreg.gather [hbm4b:s5+s2], $0x80, v4, vm0, $0xb8;
	[tilespmem:$0x10100] =	vst v63  }
0x54: {  	s21 =	simm.s32 $0x9800  }
0x55: {  	[tilespmem:s21], [sflag:$0x2] =	stream.indirect_vreg.gather [hbm4b:s6+s2], $0x80, v4, vm0, $0xb8;
	[tilespmem:$0x10100] =	vst v63  }
0x56: {  	s22 =	simm.s32 $0xA000  }
0x57: {  	[tilespmem:s22], [sflag:$0x2] =	stream.indirect_vreg.gather [hbm4b:s3+s2], $0x80, v3, vm0, $0xb8;
	[tilespmem:$0x10100] =	vst v63  }
0x58: {  	s24 =	simm.s32 $0xA800  }
0x59: {  	[tilespmem:s24], [sflag:$0x2] =	stream.indirect_vreg.gather [hbm4b:s4+s2], $0x80, v3, vm0, $0xb8;
	[tilespmem:$0x10100] =	vst v63  }
0x5a: {  	s25 =	simm.s32 $0xB000  }
0x5b: {  	[tilespmem:s25], [sflag:$0x2] =	stream.indirect_vreg.gather [hbm4b:s5+s2], $0x80, v3, vm0, $0xb8;
	[tilespmem:$0x10100] =	vst v63  }
0x5c: {  	s26 =	simm.s32 $0xB800  }
0x5d: {  	[tilespmem:s26], [sflag:$0x2] =	stream.indirect_vreg.gather [hbm4b:s6+s2], $0x80, v3, vm0, $0xb8;
	[tilespmem:$0x10100] =	vst v63  }
0x5e: {  	v3 =	vld [tilespmem:$0x10090];
	_ =	sdelay $0x4  }
0x5f: {  	v51 =	vshll.u32 v3, $0x3  }
0x60: {  	v3 =	vand.u32 $0x7, v3;
	v4 =	vand.u32 $0xFFFFFFC0, v51  }
0x61: {  	v3 =	vor.u32 v3, v4  }
0x62: {  	v4 =	vperm.xlane v3, v0;
	_ =	sdelay $0x1  }
0x63: {  	v4 =	vadd.s32 v1, v4;
	_ =	sdelay $0x3  }
0x64: {  	s31 =	simm.s32 $0xC000  }
0x65: {  	[tilespmem:s31], [sflag:$0x2] =	stream.indirect_vreg.gather [hbm4b:s3+s2], $0x80, v4, vm0, $0xb8;
	[tilespmem:$0x10100] =	vst v63  }
0x66: {  	s0 =	simm.s32 $0xC800;
	v3 =	vperm.xlane v3, v2  }
0x67: {  	[tilespmem:s0], [sflag:$0x2] =	stream.indirect_vreg.gather [hbm4b:s4+s2], $0x80, v4, vm0, $0xb8;
	[tilespmem:$0x10100] =	vst v63  }
0x68: {  	s14 =	simm.s32 $0xD000;
	v3 =	vadd.s32 v1, v3  }
0x69: {  	[tilespmem:s14], [sflag:$0x2] =	stream.indirect_vreg.gather [hbm4b:s5+s2], $0x80, v4, vm0, $0xb8;
	[tilespmem:$0x10100] =	vst v63  }
0x6a: {  	s15 =	simm.s32 $0xD800  }
0x6b: {  	[tilespmem:s15], [sflag:$0x2] =	stream.indirect_vreg.gather [hbm4b:s6+s2], $0x80, v4, vm0, $0xb8;
	[tilespmem:$0x10100] =	vst v63  }
0x6c: {  	s21 =	simm.s32 $0xE000  }
0x6d: {  	[tilespmem:s21], [sflag:$0x2] =	stream.indirect_vreg.gather [hbm4b:s3+s2], $0x80, v3, vm0, $0xb8;
	[tilespmem:$0x10100] =	vst v63  }
0x6e: {  	s24 =	simm.s32 $0xE800  }
0x6f: {  	[tilespmem:s24], [sflag:$0x2] =	stream.indirect_vreg.gather [hbm4b:s4+s2], $0x80, v3, vm0, $0xb8;
	[tilespmem:$0x10100] =	vst v63  }
0x70: {  	s0 =	simm.s32 $0xF000  }
0x71: {  	[tilespmem:s0], [sflag:$0x2] =	stream.indirect_vreg.gather [hbm4b:s5+s2], $0x80, v3, vm0, $0xb8;
	[tilespmem:$0x10100] =	vst v63  }
0x72: {  	s14 =	simm.s32 $0xF800  }
0x73: {  	[tilespmem:s14], [sflag:$0x2] =	stream.indirect_vreg.gather [hbm4b:s6+s2], $0x80, v3, vm0, $0xb8;
	[tilespmem:$0x10100] =	vst v63  }
0x74: {  	_ =	swait.ge [sflag:s16], $0x8000  }
0x75: {  	[sflag:s16] =	ssyncset.done $0x0  }
0x76: {  	s15 =	rddreg [dreg:$0x4];
	[sflag:s16] =	ssyncadd.s32 $0xFFFF8000  }
0x77: {  	[hbm4b:s15+s2] =	stream.linear.scatter [tilespmem:s2], [sflag:$0x3], $0x8000, $0x38;
	[tilespmem:$0x10100] =	vst v63  }
0x78: {  	_ =	swait.ge [sflag:s17], $0x8000  }
0x79: {  	[sflag:s17] =	ssyncset.done $0x0  }
0x7a: {  	s24 =	rddreg [dreg:$0x5];
	[sflag:s17] =	ssyncadd.s32 $0xFFFF8000  }
0x7b: {  	[hbm4b:s24+s2] =	stream.linear.scatter [tilespmem:s23], [sflag:$0x4], $0x8000, $0x38;
	[tilespmem:$0x10100] =	vst v63  }
0x7c: {  	_ =	swait.ge [sflag:s18], $0x8000  }
0x7d: {  	[sflag:s18] =	ssyncset.done $0x0  }
0x7e: {  	[sflag:s18] =	ssyncadd.s32 $0xFFFF8000  }
0x7f: {  	_ =	swait.ge [sflag:s19], $0x8000  }
0x80: {  	[sflag:s19] =	ssyncset.done $0x0  }
0x81: {  	[sflag:s19] =	ssyncadd.s32 $0xFFFF8000  }
0x82: {  	v3 =	vld [tilespmem:$0x10020];
	_ =	sdelay $0x4  }
0x83: {  	v52 =	vshll.u32 v3, $0x3  }
0x84: {  	v3 =	vand.u32 $0x7, v3;
	v4 =	vand.u32 $0xFFFFFFC0, v52  }
0x85: {  	v3 =	vor.u32 v3, v4  }
0x86: {  	v4 =	vperm.xlane v3, v0;
	_ =	sdelay $0x1  }
0x87: {  	v4 =	vadd.s32 v1, v4;
	_ =	sdelay $0x4  }
0x88: {  	[tilespmem:s2], [sflag:$0x1] =	stream.indirect_vreg.gather [hbm4b:s3+s2], $0x80, v4, vm0, $0xb8;
	[tilespmem:$0x10100] =	vst v63  }
0x89: {  	s13 =	simm.s32 $0x800;
	v3 =	vperm.xlane v3, v2  }
0x8a: {  	[tilespmem:s13], [sflag:$0x1] =	stream.indirect_vreg.gather [hbm4b:s4+s2], $0x80, v4, vm0, $0xb8;
	[tilespmem:$0x10100] =	vst v63  }
0x8b: {  	s1 =	simm.s32 $0x1000;
	v3 =	vadd.s32 v1, v3  }
0x8c: {  	[tilespmem:s1], [sflag:$0x1] =	stream.indirect_vreg.gather [hbm4b:s5+s2], $0x80, v4, vm0, $0xb8;
	[tilespmem:$0x10100] =	vst v63  }
0x8d: {  	s8 =	simm.s32 $0x1800  }
0x8e: {  	[tilespmem:s8], [sflag:$0x1] =	stream.indirect_vreg.gather [hbm4b:s6+s2], $0x80, v4, vm0, $0xb8;
	[tilespmem:$0x10100] =	vst v63  }
0x8f: {  	s9 =	simm.s32 $0x2000  }
0x90: {  	[tilespmem:s9], [sflag:$0x1] =	stream.indirect_vreg.gather [hbm4b:s3+s2], $0x80, v3, vm0, $0xb8;
	[tilespmem:$0x10100] =	vst v63  }
0x91: {  	s10 =	simm.s32 $0x2800  }
0x92: {  	[tilespmem:s10], [sflag:$0x1] =	stream.indirect_vreg.gather [hbm4b:s4+s2], $0x80, v3, vm0, $0xb8;
	[tilespmem:$0x10100] =	vst v63  }
0x93: {  	s11 =	simm.s32 $0x3000  }
0x94: {  	[tilespmem:s11], [sflag:$0x1] =	stream.indirect_vreg.gather [hbm4b:s5+s2], $0x80, v3, vm0, $0xb8;
	[tilespmem:$0x10100] =	vst v63  }
0x95: {  	s24 =	simm.s32 $0x3800  }
0x96: {  	[tilespmem:s24], [sflag:$0x1] =	stream.indirect_vreg.gather [hbm4b:s6+s2], $0x80, v3, vm0, $0xb8;
	[tilespmem:$0x10100] =	vst v63  }
0x97: {  	v3 =	vld [tilespmem:$0x10030];
	_ =	sdelay $0x4  }
0x98: {  	v53 =	vshll.u32 v3, $0x3  }
0x99: {  	v3 =	vand.u32 $0x7, v3;
	v4 =	vand.u32 $0xFFFFFFC0, v53  }
0x9a: {  	v3 =	vor.u32 v3, v4  }
0x9b: {  	v4 =	vperm.xlane v3, v0;
	_ =	sdelay $0x1  }
0x9c: {  	v4 =	vadd.s32 v1, v4;
	_ =	sdelay $0x3  }
0x9d: {  	s14 =	simm.s32 $0x4000  }
0x9e: {  	[tilespmem:s14], [sflag:$0x1] =	stream.indirect_vreg.gather [hbm4b:s3+s2], $0x80, v4, vm0, $0xb8;
	[tilespmem:$0x10100] =	vst v63  }
0x9f: {  	s15 =	simm.s32 $0x4800;
	v3 =	vperm.xlane v3, v2  }
0xa0: {  	[tilespmem:s15], [sflag:$0x1] =	stream.indirect_vreg.gather [hbm4b:s4+s2], $0x80, v4, vm0, $0xb8;
	[tilespmem:$0x10100] =	vst v63  }
0xa1: {  	s0 =	simm.s32 $0x5000;
	v3 =	vadd.s32 v1, v3  }
0xa2: {  	[tilespmem:s0], [sflag:$0x1] =	stream.indirect_vreg.gather [hbm4b:s5+s2], $0x80, v4, vm0, $0xb8;
	[tilespmem:$0x10100] =	vst v63  }
0xa3: {  	s1 =	simm.s32 $0x5800  }
0xa4: {  	[tilespmem:s1], [sflag:$0x1] =	stream.indirect_vreg.gather [hbm4b:s6+s2], $0x80, v4, vm0, $0xb8;
	[tilespmem:$0x10100] =	vst v63  }
0xa5: {  	s8 =	simm.s32 $0x6000  }
0xa6: {  	[tilespmem:s8], [sflag:$0x1] =	stream.indirect_vreg.gather [hbm4b:s3+s2], $0x80, v3, vm0, $0xb8;
	[tilespmem:$0x10100] =	vst v63  }
0xa7: {  	s9 =	simm.s32 $0x6800  }
0xa8: {  	[tilespmem:s9], [sflag:$0x1] =	stream.indirect_vreg.gather [hbm4b:s4+s2], $0x80, v3, vm0, $0xb8;
	[tilespmem:$0x10100] =	vst v63  }
0xa9: {  	s10 =	simm.s32 $0x7000  }
0xaa: {  	[tilespmem:s10], [sflag:$0x1] =	stream.indirect_vreg.gather [hbm4b:s5+s2], $0x80, v3, vm0, $0xb8;
	[tilespmem:$0x10100] =	vst v63  }
0xab: {  	s12 =	simm.s32 $0x7800  }
0xac: {  	[tilespmem:s12], [sflag:$0x1] =	stream.indirect_vreg.gather [hbm4b:s6+s2], $0x80, v3, vm0, $0xb8;
	[tilespmem:$0x10100] =	vst v63  }
0xad: {  	v3 =	vld [tilespmem:$0x100A0];
	_ =	sdelay $0x4  }
0xae: {  	v54 =	vshll.u32 v3, $0x3  }
0xaf: {  	v3 =	vand.u32 $0x7, v3;
	v4 =	vand.u32 $0xFFFFFFC0, v54  }
0xb0: {  	v3 =	vor.u32 v3, v4  }
0xb1: {  	v4 =	vperm.xlane v3, v0;
	_ =	sdelay $0x1  }
0xb2: {  	v4 =	vadd.s32 v1, v4;
	_ =	sdelay $0x4  }
0xb3: {  	[tilespmem:s23], [sflag:$0x2] =	stream.indirect_vreg.gather [hbm4b:s3+s2], $0x80, v4, vm0, $0xb8;
	[tilespmem:$0x10100] =	vst v63  }
0xb4: {  	s13 =	simm.s32 $0x8800;
	v3 =	vperm.xlane v3, v2  }
0xb5: {  	[tilespmem:s13], [sflag:$0x2] =	stream.indirect_vreg.gather [hbm4b:s4+s2], $0x80, v4, vm0, $0xb8;
	[tilespmem:$0x10100] =	vst v63  }
0xb6: {  	s11 =	simm.s32 $0x9000;
	v3 =	vadd.s32 v1, v3  }
0xb7: {  	[tilespmem:s11], [sflag:$0x2] =	stream.indirect_vreg.gather [hbm4b:s5+s2], $0x80, v4, vm0, $0xb8;
	[tilespmem:$0x10100] =	vst v63  }
0xb8: {  	s12 =	simm.s32 $0x9800  }
0xb9: {  	[tilespmem:s12], [sflag:$0x2] =	stream.indirect_vreg.gather [hbm4b:s6+s2], $0x80, v4, vm0, $0xb8;
	[tilespmem:$0x10100] =	vst v63  }
0xba: {  	s30 =	simm.s32 $0xA000  }
0xbb: {  	[tilespmem:s30], [sflag:$0x2] =	stream.indirect_vreg.gather [hbm4b:s3+s2], $0x80, v3, vm0, $0xb8;
	[tilespmem:$0x10100] =	vst v63  }
0xbc: {  	s28 =	simm.s32 $0xA800  }
0xbd: {  	[tilespmem:s28], [sflag:$0x2] =	stream.indirect_vreg.gather [hbm4b:s4+s2], $0x80, v3, vm0, $0xb8;
	[tilespmem:$0x10100] =	vst v63  }
0xbe: {  	s29 =	simm.s32 $0xB000  }
0xbf: {  	[tilespmem:s29], [sflag:$0x2] =	stream.indirect_vreg.gather [hbm4b:s5+s2], $0x80, v3, vm0, $0xb8;
	[tilespmem:$0x10100] =	vst v63  }
0xc0: {  	s22 =	simm.s32 $0xB800  }
0xc1: {  	[tilespmem:s22], [sflag:$0x2] =	stream.indirect_vreg.gather [hbm4b:s6+s2], $0x80, v3, vm0, $0xb8;
	[tilespmem:$0x10100] =	vst v63  }
0xc2: {  	v3 =	vld [tilespmem:$0x100B0];
	_ =	sdelay $0x4  }
0xc3: {  	v55 =	vshll.u32 v3, $0x3  }
0xc4: {  	v3 =	vand.u32 $0x7, v3;
	v4 =	vand.u32 $0xFFFFFFC0, v55  }
0xc5: {  	v3 =	vor.u32 v3, v4  }
0xc6: {  	v4 =	vperm.xlane v3, v0;
	_ =	sdelay $0x1  }
0xc7: {  	v4 =	vadd.s32 v1, v4;
	_ =	sdelay $0x3  }
0xc8: {  	s25 =	simm.s32 $0xC000  }
0xc9: {  	[tilespmem:s25], [sflag:$0x2] =	stream.indirect_vreg.gather [hbm4b:s3+s2], $0x80, v4, vm0, $0xb8;
	[tilespmem:$0x10100] =	vst v63  }
0xca: {  	s26 =	simm.s32 $0xC800;
	v3 =	vperm.xlane v3, v2  }
0xcb: {  	[tilespmem:s26], [sflag:$0x2] =	stream.indirect_vreg.gather [hbm4b:s4+s2], $0x80, v4, vm0, $0xb8;
	[tilespmem:$0x10100] =	vst v63  }
0xcc: {  	s31 =	simm.s32 $0xD000;
	v3 =	vadd.s32 v1, v3  }
0xcd: {  	[tilespmem:s31], [sflag:$0x2] =	stream.indirect_vreg.gather [hbm4b:s5+s2], $0x80, v4, vm0, $0xb8;
	[tilespmem:$0x10100] =	vst v63  }
0xce: {  	s30 =	simm.s32 $0xD800  }
0xcf: {  	[tilespmem:s30], [sflag:$0x2] =	stream.indirect_vreg.gather [hbm4b:s6+s2], $0x80, v4, vm0, $0xb8;
	[tilespmem:$0x10100] =	vst v63  }
0xd0: {  	s22 =	simm.s32 $0xE000  }
0xd1: {  	[tilespmem:s22], [sflag:$0x2] =	stream.indirect_vreg.gather [hbm4b:s3+s2], $0x80, v3, vm0, $0xb8;
	[tilespmem:$0x10100] =	vst v63  }
0xd2: {  	s25 =	simm.s32 $0xE800  }
0xd3: {  	[tilespmem:s25], [sflag:$0x2] =	stream.indirect_vreg.gather [hbm4b:s4+s2], $0x80, v3, vm0, $0xb8;
	[tilespmem:$0x10100] =	vst v63  }
0xd4: {  	s26 =	simm.s32 $0xF000  }
0xd5: {  	[tilespmem:s26], [sflag:$0x2] =	stream.indirect_vreg.gather [hbm4b:s5+s2], $0x80, v3, vm0, $0xb8;
	[tilespmem:$0x10100] =	vst v63  }
0xd6: {  	s21 =	simm.s32 $0xF800  }
0xd7: {  	[tilespmem:s21], [sflag:$0x2] =	stream.indirect_vreg.gather [hbm4b:s6+s2], $0x80, v3, vm0, $0xb8;
	[tilespmem:$0x10100] =	vst v63  }
0xd8: {  	_ =	swait.ge [sflag:s16], $0x8000  }
0xd9: {  	[sflag:s16] =	ssyncset.done $0x0  }
0xda: {  	s21 =	rddreg [dreg:$0x6];
	[sflag:s16] =	ssyncadd.s32 $0xFFFF8000  }
0xdb: {  	[hbm4b:s21+s2] =	stream.linear.scatter [tilespmem:s2], [sflag:$0x3], $0x8000, $0x38;
	[tilespmem:$0x10100] =	vst v63  }
0xdc: {  	_ =	swait.ge [sflag:s17], $0x8000  }
0xdd: {  	[sflag:s17] =	ssyncset.done $0x0  }
0xde: {  	s26 =	rddreg [dreg:$0x7];
	[sflag:s17] =	ssyncadd.s32 $0xFFFF8000  }
0xdf: {  	[hbm4b:s26+s2] =	stream.linear.scatter [tilespmem:s23], [sflag:$0x4], $0x8000, $0x38;
	[tilespmem:$0x10100] =	vst v63  }
0xe0: {  	_ =	swait.ge [sflag:s18], $0x8000  }
0xe1: {  	[sflag:s18] =	ssyncset.done $0x0  }
0xe2: {  	[sflag:s18] =	ssyncadd.s32 $0xFFFF8000  }
0xe3: {  	_ =	swait.ge [sflag:s19], $0x8000  }
0xe4: {  	[sflag:s19] =	ssyncset.done $0x0  }
0xe5: {  	[sflag:s19] =	ssyncadd.s32 $0xFFFF8000  }
0xe6: {  	v3 =	vld [tilespmem:$0x10040];
	_ =	sdelay $0x4  }
0xe7: {  	v56 =	vshll.u32 v3, $0x3  }
0xe8: {  	v3 =	vand.u32 $0x7, v3;
	v4 =	vand.u32 $0xFFFFFFC0, v56  }
0xe9: {  	v3 =	vor.u32 v3, v4  }
0xea: {  	v4 =	vperm.xlane v3, v0;
	_ =	sdelay $0x1  }
0xeb: {  	v4 =	vadd.s32 v1, v4;
	_ =	sdelay $0x4  }
0xec: {  	[tilespmem:s2], [sflag:$0x1] =	stream.indirect_vreg.gather [hbm4b:s3+s2], $0x80, v4, vm0, $0xb8;
	[tilespmem:$0x10100] =	vst v63  }
0xed: {  	s21 =	simm.s32 $0x800;
	v3 =	vperm.xlane v3, v2  }
0xee: {  	[tilespmem:s21], [sflag:$0x1] =	stream.indirect_vreg.gather [hbm4b:s4+s2], $0x80, v4, vm0, $0xb8;
	[tilespmem:$0x10100] =	vst v63  }
0xef: {  	s26 =	simm.s32 $0x1000;
	v3 =	vadd.s32 v1, v3  }
0xf0: {  	[tilespmem:s26], [sflag:$0x1] =	stream.indirect_vreg.gather [hbm4b:s5+s2], $0x80, v4, vm0, $0xb8;
	[tilespmem:$0x10100] =	vst v63  }
0xf1: {  	s21 =	simm.s32 $0x1800  }
0xf2: {  	[tilespmem:s21], [sflag:$0x1] =	stream.indirect_vreg.gather [hbm4b:s6+s2], $0x80, v4, vm0, $0xb8;
	[tilespmem:$0x10100] =	vst v63  }
0xf3: {  	s26 =	simm.s32 $0x2000  }
0xf4: {  	[tilespmem:s26], [sflag:$0x1] =	stream.indirect_vreg.gather [hbm4b:s3+s2], $0x80, v3, vm0, $0xb8;
	[tilespmem:$0x10100] =	vst v63  }
0xf5: {  	s21 =	simm.s32 $0x2800  }
0xf6: {  	[tilespmem:s21], [sflag:$0x1] =	stream.indirect_vreg.gather [hbm4b:s4+s2], $0x80, v3, vm0, $0xb8;
	[tilespmem:$0x10100] =	vst v63  }
0xf7: {  	s26 =	simm.s32 $0x3000  }
0xf8: {  	[tilespmem:s26], [sflag:$0x1] =	stream.indirect_vreg.gather [hbm4b:s5+s2], $0x80, v3, vm0, $0xb8;
	[tilespmem:$0x10100] =	vst v63  }
0xf9: {  	_ = 	snop  }
0xfa: {  	[tilespmem:s24], [sflag:$0x1] =	stream.indirect_vreg.gather [hbm4b:s6+s2], $0x80, v3, vm0, $0xb8;
	[tilespmem:$0x10100] =	vst v63  }
0xfb: {  	v3 =	vld [tilespmem:$0x10050];
	_ =	sdelay $0x4  }
0xfc: {  	v57 =	vshll.u32 v3, $0x3  }
0xfd: {  	v3 =	vand.u32 $0x7, v3;
	v4 =	vand.u32 $0xFFFFFFC0, v57  }
0xfe: {  	v3 =	vor.u32 v3, v4  }
0xff: {  	v4 =	vperm.xlane v3, v0;
	_ =	sdelay $0x1  }
0x100: {  	v4 =	vadd.s32 v1, v4;
	_ =	sdelay $0x4  }
0x101: {  	[tilespmem:s14], [sflag:$0x1] =	stream.indirect_vreg.gather [hbm4b:s3+s2], $0x80, v4, vm0, $0xb8;
	[tilespmem:$0x10100] =	vst v63  }
0x102: {  	v3 =	vperm.xlane v3, v2  }
0x103: {  	[tilespmem:s15], [sflag:$0x1] =	stream.indirect_vreg.gather [hbm4b:s4+s2], $0x80, v4, vm0, $0xb8;
	[tilespmem:$0x10100] =	vst v63  }
0x104: {  	v3 =	vadd.s32 v1, v3  }
0x105: {  	[tilespmem:s0], [sflag:$0x1] =	stream.indirect_vreg.gather [hbm4b:s5+s2], $0x80, v4, vm0, $0xb8;
	[tilespmem:$0x10100] =	vst v63  }
0x106: {  	_ = 	snop  }
0x107: {  	[tilespmem:s1], [sflag:$0x1] =	stream.indirect_vreg.gather [hbm4b:s6+s2], $0x80, v4, vm0, $0xb8;
	[tilespmem:$0x10100] =	vst v63  }
0x108: {  	_ = 	snop  }
0x109: {  	[tilespmem:s8], [sflag:$0x1] =	stream.indirect_vreg.gather [hbm4b:s3+s2], $0x80, v3, vm0, $0xb8;
	[tilespmem:$0x10100] =	vst v63  }
0x10a: {  	_ = 	snop  }
0x10b: {  	[tilespmem:s9], [sflag:$0x1] =	stream.indirect_vreg.gather [hbm4b:s4+s2], $0x80, v3, vm0, $0xb8;
	[tilespmem:$0x10100] =	vst v63  }
0x10c: {  	_ = 	snop  }
0x10d: {  	[tilespmem:s10], [sflag:$0x1] =	stream.indirect_vreg.gather [hbm4b:s5+s2], $0x80, v3, vm0, $0xb8;
	[tilespmem:$0x10100] =	vst v63  }
0x10e: {  	s21 =	simm.s32 $0x7800  }
0x10f: {  	[tilespmem:s21], [sflag:$0x1] =	stream.indirect_vreg.gather [hbm4b:s6+s2], $0x80, v3, vm0, $0xb8;
	[tilespmem:$0x10100] =	vst v63  }
0x110: {  	v3 =	vld [tilespmem:$0x100C0];
	_ =	sdelay $0x4  }
0x111: {  	v58 =	vshll.u32 v3, $0x3  }
0x112: {  	v3 =	vand.u32 $0x7, v3;
	v4 =	vand.u32 $0xFFFFFFC0, v58  }
0x113: {  	v3 =	vor.u32 v3, v4  }
0x114: {  	v4 =	vperm.xlane v3, v0;
	_ =	sdelay $0x1  }
0x115: {  	v4 =	vadd.s32 v1, v4;
	_ =	sdelay $0x4  }
0x116: {  	[tilespmem:s23], [sflag:$0x2] =	stream.indirect_vreg.gather [hbm4b:s3+s2], $0x80, v4, vm0, $0xb8;
	[tilespmem:$0x10100] =	vst v63  }
0x117: {  	v3 =	vperm.xlane v3, v2  }
0x118: {  	[tilespmem:s13], [sflag:$0x2] =	stream.indirect_vreg.gather [hbm4b:s4+s2], $0x80, v4, vm0, $0xb8;
	[tilespmem:$0x10100] =	vst v63  }
0x119: {  	v3 =	vadd.s32 v1, v3  }
0x11a: {  	[tilespmem:s11], [sflag:$0x2] =	stream.indirect_vreg.gather [hbm4b:s5+s2], $0x80, v4, vm0, $0xb8;
	[tilespmem:$0x10100] =	vst v63  }
0x11b: {  	_ = 	snop  }
0x11c: {  	[tilespmem:s12], [sflag:$0x2] =	stream.indirect_vreg.gather [hbm4b:s6+s2], $0x80, v4, vm0, $0xb8;
	[tilespmem:$0x10100] =	vst v63  }
0x11d: {  	s26 =	simm.s32 $0xA000  }
0x11e: {  	[tilespmem:s26], [sflag:$0x2] =	stream.indirect_vreg.gather [hbm4b:s3+s2], $0x80, v3, vm0, $0xb8;
	[tilespmem:$0x10100] =	vst v63  }
0x11f: {  	s28 =	simm.s32 $0xA800  }
0x120: {  	[tilespmem:s28], [sflag:$0x2] =	stream.indirect_vreg.gather [hbm4b:s4+s2], $0x80, v3, vm0, $0xb8;
	[tilespmem:$0x10100] =	vst v63  }
0x121: {  	s29 =	simm.s32 $0xB000  }
0x122: {  	[tilespmem:s29], [sflag:$0x2] =	stream.indirect_vreg.gather [hbm4b:s5+s2], $0x80, v3, vm0, $0xb8;
	[tilespmem:$0x10100] =	vst v63  }
0x123: {  	s29 =	simm.s32 $0xB800  }
0x124: {  	[tilespmem:s29], [sflag:$0x2] =	stream.indirect_vreg.gather [hbm4b:s6+s2], $0x80, v3, vm0, $0xb8;
	[tilespmem:$0x10100] =	vst v63  }
0x125: {  	v3 =	vld [tilespmem:$0x100D0];
	_ =	sdelay $0x4  }
0x126: {  	v59 =	vshll.u32 v3, $0x3  }
0x127: {  	v3 =	vand.u32 $0x7, v3;
	v4 =	vand.u32 $0xFFFFFFC0, v59  }
0x128: {  	v3 =	vor.u32 v3, v4  }
0x129: {  	v4 =	vperm.xlane v3, v0;
	_ =	sdelay $0x1  }
0x12a: {  	v4 =	vadd.s32 v1, v4;
	_ =	sdelay $0x3  }
0x12b: {  	s21 =	simm.s32 $0xC000  }
0x12c: {  	[tilespmem:s21], [sflag:$0x2] =	stream.indirect_vreg.gather [hbm4b:s3+s2], $0x80, v4, vm0, $0xb8;
	[tilespmem:$0x10100] =	vst v63  }
0x12d: {  	s29 =	simm.s32 $0xC800;
	v3 =	vperm.xlane v3, v2  }
0x12e: {  	[tilespmem:s29], [sflag:$0x2] =	stream.indirect_vreg.gather [hbm4b:s4+s2], $0x80, v4, vm0, $0xb8;
	[tilespmem:$0x10100] =	vst v63  }
0x12f: {  	s31 =	simm.s32 $0xD000;
	v3 =	vadd.s32 v1, v3  }
0x130: {  	[tilespmem:s31], [sflag:$0x2] =	stream.indirect_vreg.gather [hbm4b:s5+s2], $0x80, v4, vm0, $0xb8;
	[tilespmem:$0x10100] =	vst v63  }
0x131: {  	s21 =	simm.s32 $0xD800  }
0x132: {  	[tilespmem:s21], [sflag:$0x2] =	stream.indirect_vreg.gather [hbm4b:s6+s2], $0x80, v4, vm0, $0xb8;
	[tilespmem:$0x10100] =	vst v63  }
0x133: {  	s22 =	simm.s32 $0xE000  }
0x134: {  	[tilespmem:s22], [sflag:$0x2] =	stream.indirect_vreg.gather [hbm4b:s3+s2], $0x80, v3, vm0, $0xb8;
	[tilespmem:$0x10100] =	vst v63  }
0x135: {  	s30 =	simm.s32 $0xE800  }
0x136: {  	[tilespmem:s30], [sflag:$0x2] =	stream.indirect_vreg.gather [hbm4b:s4+s2], $0x80, v3, vm0, $0xb8;
	[tilespmem:$0x10100] =	vst v63  }
0x137: {  	s25 =	simm.s32 $0xF000  }
0x138: {  	[tilespmem:s25], [sflag:$0x2] =	stream.indirect_vreg.gather [hbm4b:s5+s2], $0x80, v3, vm0, $0xb8;
	[tilespmem:$0x10100] =	vst v63  }
0x139: {  	s25 =	simm.s32 $0xF800  }
0x13a: {  	[tilespmem:s25], [sflag:$0x2] =	stream.indirect_vreg.gather [hbm4b:s6+s2], $0x80, v3, vm0, $0xb8;
	[tilespmem:$0x10100] =	vst v63  }
0x13b: {  	_ =	swait.ge [sflag:s16], $0x8000  }
0x13c: {  	[sflag:s16] =	ssyncset.done $0x0  }
0x13d: {  	s30 =	rddreg [dreg:$0x8];
	[sflag:s16] =	ssyncadd.s32 $0xFFFF8000  }
0x13e: {  	[hbm4b:s30+s2] =	stream.linear.scatter [tilespmem:s2], [sflag:$0x3], $0x8000, $0x38;
	[tilespmem:$0x10100] =	vst v63  }
0x13f: {  	_ =	swait.ge [sflag:s17], $0x8000  }
0x140: {  	[sflag:s17] =	ssyncset.done $0x0  }
0x141: {  	s30 =	rddreg [dreg:$0x9];
	[sflag:s17] =	ssyncadd.s32 $0xFFFF8000  }
0x142: {  	[hbm4b:s30+s2] =	stream.linear.scatter [tilespmem:s23], [sflag:$0x4], $0x8000, $0x38;
	[tilespmem:$0x10100] =	vst v63  }
0x143: {  	_ =	swait.ge [sflag:s18], $0x8000  }
0x144: {  	[sflag:s18] =	ssyncset.done $0x0  }
0x145: {  	[sflag:s18] =	ssyncadd.s32 $0xFFFF8000  }
0x146: {  	_ =	swait.ge [sflag:s19], $0x8000  }
0x147: {  	[sflag:s19] =	ssyncset.done $0x0  }
0x148: {  	[sflag:s19] =	ssyncadd.s32 $0xFFFF8000  }
0x149: {  	v3 =	vld [tilespmem:$0x10060];
	_ =	sdelay $0x4  }
0x14a: {  	v60 =	vshll.u32 v3, $0x3  }
0x14b: {  	v3 =	vand.u32 $0x7, v3;
	v4 =	vand.u32 $0xFFFFFFC0, v60  }
0x14c: {  	v3 =	vor.u32 v3, v4  }
0x14d: {  	v4 =	vperm.xlane v3, v0;
	_ =	sdelay $0x1  }
0x14e: {  	v4 =	vadd.s32 v1, v4;
	_ =	sdelay $0x4  }
0x14f: {  	[tilespmem:s2], [sflag:$0x1] =	stream.indirect_vreg.gather [hbm4b:s3+s2], $0x80, v4, vm0, $0xb8;
	[tilespmem:$0x10100] =	vst v63  }
0x150: {  	s30 =	simm.s32 $0x800;
	v3 =	vperm.xlane v3, v2  }
0x151: {  	[tilespmem:s30], [sflag:$0x1] =	stream.indirect_vreg.gather [hbm4b:s4+s2], $0x80, v4, vm0, $0xb8;
	[tilespmem:$0x10100] =	vst v63  }
0x152: {  	v3 =	vadd.s32 v1, v3;
	s30 =	simm.s32 $0x1000  }
0x153: {  	[tilespmem:s30], [sflag:$0x1] =	stream.indirect_vreg.gather [hbm4b:s5+s2], $0x80, v4, vm0, $0xb8;
	[tilespmem:$0x10100] =	vst v63  }
0x154: {  	s30 =	simm.s32 $0x1800  }
0x155: {  	[tilespmem:s30], [sflag:$0x1] =	stream.indirect_vreg.gather [hbm4b:s6+s2], $0x80, v4, vm0, $0xb8;
	[tilespmem:$0x10100] =	vst v63  }
0x156: {  	s30 =	simm.s32 $0x2000  }
0x157: {  	[tilespmem:s30], [sflag:$0x1] =	stream.indirect_vreg.gather [hbm4b:s3+s2], $0x80, v3, vm0, $0xb8;
	[tilespmem:$0x10100] =	vst v63  }
0x158: {  	s30 =	simm.s32 $0x2800  }
0x159: {  	[tilespmem:s30], [sflag:$0x1] =	stream.indirect_vreg.gather [hbm4b:s4+s2], $0x80, v3, vm0, $0xb8;
	[tilespmem:$0x10100] =	vst v63  }
0x15a: {  	s30 =	simm.s32 $0x3000  }
0x15b: {  	[tilespmem:s30], [sflag:$0x1] =	stream.indirect_vreg.gather [hbm4b:s5+s2], $0x80, v3, vm0, $0xb8;
	[tilespmem:$0x10100] =	vst v63  }
0x15c: {  	s24 =	simm.s32 $0x3800  }
0x15d: {  	[tilespmem:s24], [sflag:$0x1] =	stream.indirect_vreg.gather [hbm4b:s6+s2], $0x80, v3, vm0, $0xb8;
	[tilespmem:$0x10100] =	vst v63  }
0x15e: {  	v3 =	vld [tilespmem:$0x10070];
	_ =	sdelay $0x4  }
0x15f: {  	v61 =	vshll.u32 v3, $0x3  }
0x160: {  	v3 =	vand.u32 $0x7, v3;
	v4 =	vand.u32 $0xFFFFFFC0, v61  }
0x161: {  	v3 =	vor.u32 v3, v4  }
0x162: {  	v4 =	vperm.xlane v3, v0;
	_ =	sdelay $0x1  }
0x163: {  	v4 =	vadd.s32 v1, v4;
	_ =	sdelay $0x3  }
0x164: {  	s14 =	simm.s32 $0x4000  }
0x165: {  	[tilespmem:s14], [sflag:$0x1] =	stream.indirect_vreg.gather [hbm4b:s3+s2], $0x80, v4, vm0, $0xb8;
	[tilespmem:$0x10100] =	vst v63  }
0x166: {  	s15 =	simm.s32 $0x4800;
	v3 =	vperm.xlane v3, v2  }
0x167: {  	[tilespmem:s15], [sflag:$0x1] =	stream.indirect_vreg.gather [hbm4b:s4+s2], $0x80, v4, vm0, $0xb8;
	[tilespmem:$0x10100] =	vst v63  }
0x168: {  	s0 =	simm.s32 $0x5000;
	v3 =	vadd.s32 v1, v3  }
0x169: {  	[tilespmem:s0], [sflag:$0x1] =	stream.indirect_vreg.gather [hbm4b:s5+s2], $0x80, v4, vm0, $0xb8;
	[tilespmem:$0x10100] =	vst v63  }
0x16a: {  	s1 =	simm.s32 $0x5800  }
0x16b: {  	[tilespmem:s1], [sflag:$0x1] =	stream.indirect_vreg.gather [hbm4b:s6+s2], $0x80, v4, vm0, $0xb8;
	[tilespmem:$0x10100] =	vst v63  }
0x16c: {  	s8 =	simm.s32 $0x6000  }
0x16d: {  	[tilespmem:s8], [sflag:$0x1] =	stream.indirect_vreg.gather [hbm4b:s3+s2], $0x80, v3, vm0, $0xb8;
	[tilespmem:$0x10100] =	vst v63  }
0x16e: {  	s9 =	simm.s32 $0x6800  }
0x16f: {  	[tilespmem:s9], [sflag:$0x1] =	stream.indirect_vreg.gather [hbm4b:s4+s2], $0x80, v3, vm0, $0xb8;
	[tilespmem:$0x10100] =	vst v63  }
0x170: {  	s10 =	simm.s32 $0x7000  }
0x171: {  	[tilespmem:s10], [sflag:$0x1] =	stream.indirect_vreg.gather [hbm4b:s5+s2], $0x80, v3, vm0, $0xb8;
	[tilespmem:$0x10100] =	vst v63  }
0x172: {  	s14 =	simm.s32 $0x7800  }
0x173: {  	[tilespmem:s14], [sflag:$0x1] =	stream.indirect_vreg.gather [hbm4b:s6+s2], $0x80, v3, vm0, $0xb8;
	[tilespmem:$0x10100] =	vst v63  }
0x174: {  	v3 =	vld [tilespmem:$0x100E0];
	_ =	sdelay $0x4  }
0x175: {  	v62 =	vshll.u32 v3, $0x3  }
0x176: {  	v3 =	vand.u32 $0x7, v3;
	v4 =	vand.u32 $0xFFFFFFC0, v62  }
0x177: {  	v3 =	vor.u32 v3, v4  }
0x178: {  	v4 =	vperm.xlane v3, v0;
	_ =	sdelay $0x1  }
0x179: {  	v4 =	vadd.s32 v1, v4;
	_ =	sdelay $0x4  }
0x17a: {  	[tilespmem:s23], [sflag:$0x2] =	stream.indirect_vreg.gather [hbm4b:s3+s2], $0x80, v4, vm0, $0xb8;
	[tilespmem:$0x10100] =	vst v63  }
0x17b: {  	s13 =	simm.s32 $0x8800;
	v3 =	vperm.xlane v3, v2  }
0x17c: {  	[tilespmem:s13], [sflag:$0x2] =	stream.indirect_vreg.gather [hbm4b:s4+s2], $0x80, v4, vm0, $0xb8;
	[tilespmem:$0x10100] =	vst v63  }
0x17d: {  	s11 =	simm.s32 $0x9000;
	v3 =	vadd.s32 v1, v3  }
0x17e: {  	[tilespmem:s11], [sflag:$0x2] =	stream.indirect_vreg.gather [hbm4b:s5+s2], $0x80, v4, vm0, $0xb8;
	[tilespmem:$0x10100] =	vst v63  }
0x17f: {  	s12 =	simm.s32 $0x9800  }
0x180: {  	[tilespmem:s12], [sflag:$0x2] =	stream.indirect_vreg.gather [hbm4b:s6+s2], $0x80, v4, vm0, $0xb8;
	[tilespmem:$0x10100] =	vst v63  }
0x181: {  	s15 =	simm.s32 $0xA000  }
0x182: {  	[tilespmem:s15], [sflag:$0x2] =	stream.indirect_vreg.gather [hbm4b:s3+s2], $0x80, v3, vm0, $0xb8;
	[tilespmem:$0x10100] =	vst v63  }
0x183: {  	s26 =	simm.s32 $0xA800  }
0x184: {  	[tilespmem:s26], [sflag:$0x2] =	stream.indirect_vreg.gather [hbm4b:s4+s2], $0x80, v3, vm0, $0xb8;
	[tilespmem:$0x10100] =	vst v63  }
0x185: {  	s28 =	simm.s32 $0xB000  }
0x186: {  	[tilespmem:s28], [sflag:$0x2] =	stream.indirect_vreg.gather [hbm4b:s5+s2], $0x80, v3, vm0, $0xb8;
	[tilespmem:$0x10100] =	vst v63  }
0x187: {  	s20 =	simm.s32 $0xB800  }
0x188: {  	[tilespmem:s20], [sflag:$0x2] =	stream.indirect_vreg.gather [hbm4b:s6+s2], $0x80, v3, vm0, $0xb8;
	[tilespmem:$0x10100] =	vst v63  }
0x189: {  	v3 =	vld [tilespmem:$0x100F0];
	_ =	sdelay $0x4  }
0x18a: {  	v63 =	vshll.u32 v3, $0x3  }
0x18b: {  	v3 =	vand.u32 $0x7, v3;
	v4 =	vand.u32 $0xFFFFFFC0, v63  }
0x18c: {  	v3 =	vor.u32 v3, v4  }
0x18d: {  	v4 =	vperm.xlane v3, v0;
	_ =	sdelay $0x1  }
0x18e: {  	v4 =	vadd.s32 v1, v4;
	_ =	sdelay $0x3  }
0x18f: {  	s24 =	simm.s32 $0xC000  }
0x190: {  	[tilespmem:s24], [sflag:$0x2] =	stream.indirect_vreg.gather [hbm4b:s3+s2], $0x80, v4, vm0, $0xb8;
	[tilespmem:$0x10100] =	vst v63  }
0x191: {  	s26 =	simm.s32 $0xC800;
	v3 =	vperm.xlane v3, v2  }
0x192: {  	[tilespmem:s26], [sflag:$0x2] =	stream.indirect_vreg.gather [hbm4b:s4+s2], $0x80, v4, vm0, $0xb8;
	[tilespmem:$0x10100] =	vst v63  }
0x193: {  	s31 =	simm.s32 $0xD000;
	v3 =	vadd.s32 v1, v3  }
0x194: {  	[tilespmem:s31], [sflag:$0x2] =	stream.indirect_vreg.gather [hbm4b:s5+s2], $0x80, v4, vm0, $0xb8;
	[tilespmem:$0x10100] =	vst v63  }
0x195: {  	s28 =	simm.s32 $0xD800  }
0x196: {  	[tilespmem:s28], [sflag:$0x2] =	stream.indirect_vreg.gather [hbm4b:s6+s2], $0x80, v4, vm0, $0xb8;
	[tilespmem:$0x10100] =	vst v63  }
0x197: {  	s29 =	simm.s32 $0xE000  }
0x198: {  	[tilespmem:s29], [sflag:$0x2] =	stream.indirect_vreg.gather [hbm4b:s3+s2], $0x80, v3, vm0, $0xb8;
	[tilespmem:$0x10100] =	vst v63  }
0x199: {  	s21 =	simm.s32 $0xE800  }
0x19a: {  	[tilespmem:s21], [sflag:$0x2] =	stream.indirect_vreg.gather [hbm4b:s4+s2], $0x80, v3, vm0, $0xb8;
	[tilespmem:$0x10100] =	vst v63  }
0x19b: {  	s22 =	simm.s32 $0xF000  }
0x19c: {  	[tilespmem:s22], [sflag:$0x2] =	stream.indirect_vreg.gather [hbm4b:s5+s2], $0x80, v3, vm0, $0xb8;
	[tilespmem:$0x10100] =	vst v63  }
0x19d: {  	s25 =	simm.s32 $0xF800  }
0x19e: {  	[tilespmem:s25], [sflag:$0x2] =	stream.indirect_vreg.gather [hbm4b:s6+s2], $0x80, v3, vm0, $0xb8;
	[tilespmem:$0x10100] =	vst v63  }
0x19f: {  	_ =	swait.ge [sflag:s16], $0x8000  }
0x1a0: {  	[sflag:s16] =	ssyncset.done $0x0  }
0x1a1: {  	s30 =	rddreg [dreg:$0xa];
	[sflag:s16] =	ssyncadd.s32 $0xFFFF8000  }
0x1a2: {  	[hbm4b:s30+s2] =	stream.linear.scatter [tilespmem:s2], [sflag:$0x3], $0x8000, $0x38;
	[tilespmem:$0x10100] =	vst v63  }
0x1a3: {  	_ =	swait.ge [sflag:s17], $0x8000  }
0x1a4: {  	[sflag:s17] =	ssyncset.done $0x0  }
0x1a5: {  	s31 =	rddreg [dreg:$0xb];
	[sflag:s17] =	ssyncadd.s32 $0xFFFF8000  }
0x1a6: {  	[hbm4b:s31+s2] =	stream.linear.scatter [tilespmem:s23], [sflag:$0x4], $0x8000, $0x38;
	[tilespmem:$0x10100] =	vst v63  }
0x1a7: {  	p0 =	sne.s32 s7, $0x1;
	_ =	swait.ge [sflag:s18], $0x8000  }
.Ltmp0:
0x1a8: {  	[sflag:s18] =	ssyncset.done $0x0;
	(pc) =	sbr.rel @p0 .LBB2_1-.Ltmp0, $4  }
0x1a9: {  	[sflag:s18] =	ssyncadd.s32 $0xFFFF8000  }
0x1aa: {  	_ =	swait.ge [sflag:s19], $0x8000  }
0x1ab: {  	[sflag:s19] =	ssyncset.done $0x0  }
0x1ac: {  	s7 =	sadd.s32 $0xFFFFFFFF, s7;
	[sflag:s19] =	ssyncadd.s32 $0xFFFF8000  }
0x1ad: {  	_ =	sfence.sel $0x180000  }
0x1ae: {  	[bflag:$0x0] =	sbarrier.arrive $0xFFFF  }
0x1af: {  	_ =	strace $0x9000004A  }
0x1b0: {  	s0 =	stileid.u32;
	[bflag:$0x2] =	sbarrier.arrive $0xFFFF  }
0x1b1: {  	p0 =	sne.s32 s0, $0x0;
	s0 =	rddreg [dreg:$0x1]  }
0x1b2: {  	s0 =	sadd.s32 @!p0 $0x100000, s0  }
0x1b3: {  	[sflag:s0] =	ssyncadd.tile.s32 @!p0 $0x1;
	_ =	shalt  }
.Lfunc_end2:
_tile_overlayer_lowered:
.L_overlay_start_2:
0x1b4: {  	(tag) =	ssettag $0x2  }
0x1b5: {  	s0 =	rddreg [dreg:$0x0];
	s2 =	stileid.u32  }
0x1b6: {  	s1 =	rddreg [dreg:$0x1];
	p0 =	sne.s32 s2, $0x0  }
0x1b7: {  	s3 =	rddreg [dreg:$0x2];
	[bflag:$0x3] =	sbarrier.arrive $0xFFFF;
	s2 =	simm.s32 @!p0 $0x1C05  }
0x1b8: {  	[timem:s3], [sflag:s2] =	dma.local @!p0 [hbm:s0], s1  }
0x1b9: {  	s0 =	simm.s32 @!p0 $0x5  }
0x1ba: {  	_ =	swait.ge @!p0 [sflag:s0], s1  }
0x1bb: {  	s1 =	ssub.s32 @!p0 $0x0, s1;
	[sflag:s0] =	ssyncset.done @!p0 $0x0  }
0x1bc: {  	[sflag:s0] =	ssyncadd.s32 @!p0 s1  }
0x1bd: {  	[bflag:$0x3] =	sbarrier.arrive $0xFFFF  }
0x1be: {  	_ =	shalt  }

// kernel: kernel.7.cloned.1.call-start
scs
__scs_entry_jumppad:
0x0: {  	(pc) =	sbr.rel $0x88, $3  }
0x1: {  	(tag) =	ssettag $0x0;
	lr =	simm.s32 $0x1  }
0x2: {  	[smem:$0x3F94] =	sst lr;
	_ =	strace $0xD0000000  }
0x3: {  	_ = 	snop  }
0x4: {  	_ = 	snop  }
0x5: {  	_ = 	snop  }
0x6: {  	_ = 	snop  }
0x7: {  	_ = 	snop  }
__scs_overlays_trampoline_lowered:
0x8: {  	[smem:$0x3FA3] =	sst s0  }
0x9: {  	[smem:$0x3FA4] =	sst s1  }
0xa: {  	[smem:$0x3FA5] =	sst s2  }
0xb: {  	[smem:$0x3FA6] =	sst s3  }
0xc: {  	[smem:$0x3FA7] =	sst s4  }
0xd: {  	[smem:$0x3FA8] =	sst s5  }
0xe: {  	[smem:$0x3FA9] =	sst s6  }
0xf: {  	[smem:$0x3FAA] =	sst s7  }
0x10: {  	[smem:$0x3FAB] =	sst s8  }
0x11: {  	[smem:$0x3FAC] =	sst s9;
	s0 =	simm.s32 @!p0 $0x0  }
0x12: {  	s1 =	sld [smem:$0x3F92];
	s0 =	simm.s32 @p0 $0x1  }
0x13: {  	[smem:$0x3FAD] =	sst s0;
	s0 =	simm.s32 @!p1 $0x0  }
0x14: {  	s2 =	sld [smem:$0x3F91];
	s0 =	simm.s32 @p1 $0x1  }
0x15: {  	[smem:$0x3FAE] =	sst s0;
	s0 =	simm.s32 @!p2 $0x0  }
0x16: {  	s3 =	sld [smem:$0x3FDB];
	s0 =	simm.s32 @p2 $0x1  }
0x17: {  	s4 =	simm.s32 $0x1BF5;
	[smem:$0x3FB0] =	sst s0  }
0x18: {  	s0 =	sld [smem:$0x3F93];
	_ =	swait.ge [sflag:s4], $0x0  }
0x19: {  	s7 =	sld [smem:$0x3F94]  }
0x1a: {  	s8 =	sadd.s32 $0xFFFFE003, lr  }
0x1b: {  	s9 =	sadd.s32 $0xFFFFFEF7, lr;
	s5 =	simm.s32 $0xFFFFFFFF;
	p2 =	slt.u32 s8, $0xFFFFF086  }
0x1c: {  	p1 =	slt.u32 s9, $0xF7A;
	s5 =	simm.s32 @!p2 $0x0  }
0x1d: {  	s5 =	simm.s32 @p1 $0x1;
	p0 =	seq.s32 s7, s2  }
0x1e: {  	s7 =	smul.u32 @!p0 $0xF7A, s2;
	p2 =	seq.s32 @!p0 s5, $0x0  }
0x1f: {  	s9 =	smul.u32 $0xF7A, s1;
	s8 =	simm.s32 @!p0 $0x1BF5;
	p2 =	por !p2, p0  }
0x20: {  	[sflag:s8] =	ssyncset.s32 @!p0 $0xFFFFF086;
	s6 =	sadd.s32 @!p0 s3, s7;
	s7 =	simm.s32 @!p0 $0x108  }
0x21: {  	s3 =	sadd.s32 s3, s9;
	s6 =	sadd.s32 @!p0 $0x88, s6;
	s7 =	simm.s32 @p2 $0x1082  }
0x22: {  	[simem:s7], [sflag:s8] =	dma.local @!p0 [hbm:s6], $0xF7A  }
0x23: {  	s9 =	sor.u32 $0xD0000000, s2;
	s6 =	simm.s32 $0x108;
	_ =	swait.ge @!p0 [sflag:s8], $0x0  }
0x24: {  	s3 =	sadd.s32 $0x88, s3;
	s6 =	simm.s32 @!p1 $0x1082;
	[sflag:s4] =	ssyncset.s32 $0xFFFFF086  }
0x25: {  	[simem:s6], [sflag:s4] =	dma.local [hbm:s3], $0xF7A  }
0x26: {  	[smem:$0x3F94] =	sst s1;
	(tag) =	ssettag s2;
	_ =	strace s9  }
0x27: {  	s1 =	sld [smem:$0x3FA4]  }
0x28: {  	s2 =	sld [smem:$0x3FA5]  }
0x29: {  	s4 =	sld [smem:$0x3FA7]  }
0x2a: {  	p0 =	seq.s32 s5, $0x0;
	s5 =	sld [smem:$0x3FA8]  }
0x2b: {  	s6 =	sld [smem:$0x3FA9]  }
0x2c: {  	s7 =	sld [smem:$0x3FAA]  }
0x2d: {  	s3 =	simm.s32 $0x108;
	s8 =	sld [smem:$0x3FAB]  }
0x2e: {  	s3 =	simm.s32 @!p0 $0x1082;
	s9 =	sld [smem:$0x3FAC]  }
0x2f: {  	lr =	sadd.s32 s0, s3;
	s0 =	sld [smem:$0x3FA3]  }
0x30: {  	s3 =	sld [smem:$0x3FA6]  }
0x31: {  	[smem:$0x3FAF] =	sst s10  }
0x32: {  	s10 =	sld [smem:$0x3FAD];
	_ =	sdelay $0x3  }
0x33: {  	p0 =	seq.s32 s10, $0x1;
	s10 =	sld [smem:$0x3FAF];
	_ =	sdelay $0x3  }
0x34: {  	[smem:$0x3FAF] =	sst s10  }
0x35: {  	s10 =	sld [smem:$0x3FAE];
	_ =	sdelay $0x3  }
0x36: {  	p1 =	seq.s32 s10, $0x1;
	s10 =	sld [smem:$0x3FAF];
	_ =	sdelay $0x3  }
0x37: {  	[smem:$0x3FAF] =	sst s10  }
0x38: {  	s10 =	sld [smem:$0x3FB0]  }
0x39: {  	_ = 	snop;
	(pc) =	sbr.ind lr, $3  }
0x3a: {  	_ = 	snop  }
0x3b: {  	_ = 	snop  }
0x3c: {  	p2 =	seq.s32 s10, $0x1;
	s10 =	sld [smem:$0x3FAF]  }
0x3d: {  	_ =	shalt  }
0x3e: {  	_ =	shalt  }
0x3f: {  	_ =	shalt  }
0x40: {  	_ =	shalt  }
0x41: {  	_ =	shalt  }
0x42: {  	_ =	shalt  }
0x43: {  	_ =	shalt  }
0x44: {  	_ =	shalt  }
0x45: {  	_ =	shalt  }
0x46: {  	_ =	shalt  }
0x47: {  	_ =	shalt  }
0x48: {  	_ =	shalt  }
0x49: {  	_ =	shalt  }
0x4a: {  	_ =	shalt  }
0x4b: {  	_ =	shalt  }
0x4c: {  	_ =	shalt  }
0x4d: {  	_ =	shalt  }
0x4e: {  	_ =	shalt  }
0x4f: {  	_ =	shalt  }
0x50: {  	_ =	shalt  }
0x51: {  	_ =	shalt  }
0x52: {  	_ =	shalt  }
0x53: {  	_ =	shalt  }
0x54: {  	_ =	shalt  }
0x55: {  	_ =	shalt  }
0x56: {  	_ =	shalt  }
0x57: {  	_ =	shalt  }
0x58: {  	_ =	shalt  }
0x59: {  	_ =	shalt  }
0x5a: {  	_ =	shalt  }
0x5b: {  	_ =	shalt  }
0x5c: {  	_ =	shalt  }
0x5d: {  	_ =	shalt  }
0x5e: {  	_ =	shalt  }
0x5f: {  	_ =	shalt  }
0x60: {  	_ =	shalt  }
0x61: {  	_ =	shalt  }
0x62: {  	_ =	shalt  }
0x63: {  	_ =	shalt  }
0x64: {  	_ =	shalt  }
0x65: {  	_ =	shalt  }
0x66: {  	_ =	shalt  }
0x67: {  	_ =	shalt  }
0x68: {  	_ =	shalt  }
0x69: {  	_ =	shalt  }
0x6a: {  	_ =	shalt  }
0x6b: {  	_ =	shalt  }
0x6c: {  	_ =	shalt  }
0x6d: {  	_ =	shalt  }
0x6e: {  	_ =	shalt  }
0x6f: {  	_ =	shalt  }
0x70: {  	_ =	shalt  }
0x71: {  	_ =	shalt  }
0x72: {  	_ =	shalt  }
0x73: {  	_ =	shalt  }
0x74: {  	_ =	shalt  }
0x75: {  	_ =	shalt  }
0x76: {  	_ =	shalt  }
0x77: {  	_ =	shalt  }
0x78: {  	_ =	shalt  }
0x79: {  	_ =	shalt  }
0x7a: {  	_ =	shalt  }
0x7b: {  	_ =	shalt  }
0x7c: {  	_ =	shalt  }
0x7d: {  	_ =	shalt  }
0x7e: {  	_ =	shalt  }
0x7f: {  	_ =	shalt  }
0x80: {  	_ =	shalt  }
0x81: {  	_ =	shalt  }
0x82: {  	_ =	shalt  }
0x83: {  	_ =	shalt  }
0x84: {  	_ =	shalt  }
0x85: {  	_ =	shalt  }
0x86: {  	_ =	shalt  }
0x87: {  	_ =	shalt  }
.Lfunc_end0:
.L_simem_size_0:
called_computation_lowered:
.L_overlay_start_0:
0x88: {  	s2 =	sld [smem:$0x3FD9]  }
0x89: {  	s3 =	sld [smem:$0x3FFE];
	_ =	sdelay $0x1  }
0x8a: {  	s1 =	srdreg.scid  }
0x8b: {  	s0 =	sand.u32 $0x1, s1  }
0x8c: {  	s17 =	sshll.u32 s0, $0xA;
	s2 =	sadd.s32 s3, s2  }
0x8d: {  	s2 =	sadd.s32 s2, s17  }
0x8e: {  	[smem:$0x3FBB] =	sst s2  }
0x8f: {  	_ = 	snop  }
0x90: {  	s2 =	sld [smem:$0x3FD0];
	(tm) =	ssettm $0x1  }
0x91: {  	s18 =	sld [smem:$0x3FFB];
	_ =	sdelay $0x3  }
0x92: {  	_ =	strace s18  }
0x93: {  	s3 =	sld [smem:$0x3FFC];
	_ =	sdelay $0x3  }
0x94: {  	_ =	strace s3  }
0x95: {  	s3 =	sld [smem:$0x3FFD];
	_ =	sdelay $0x3  }
0x96: {  	_ =	strace s3  }
0x97: {  	_ =	strace $0x8FFFFFFF  }
0x98: {  	s19 =	sld [smem:$0x3FDB];
	_ =	sdelay $0x1  }
0x99: {  	s4 =	simm.s32 $_scs_section_size  }
0x9a: {  	s5 =	simm.s32 $_size__tile_overlayer_lowered;
	s6 =	simm.s32 $_tile_overlayer_lowered  }
0x9b: {  	s22 =	simm.s32 $0x1BFF;
	s21 =	sshll.u32 s6, $0x1;
	s3 =	sadd.s32 s4, s19  }
0x9c: {  	s7 =	simm.s32 $0x0;
	s20 =	sshll.u32 s5, $0x1;
	s5 =	sadd.s32 s21, s3  }
0x9d: {  	[timem:s7], [sflag:s22] =	dma.local [hbm:s5], s20  }
0x9e: {  	_ =	swait.ge [sflag:s22], s20  }
0x9f: {  	s4 =	ssub.s32 $0x0, s20;
	[sflag:s22] =	ssyncset.done $0x0  }
0xa0: {  	[sflag:s22] =	ssyncadd.s32 s4;
	_ =	sdelay $0x1  }
0xa1: {  	s23 =	simm.s32 $0x1B8B  }
0xa2: {  	_ =	swait.ge [sflag:s23], $0x1  }
0xa3: {  	[sflag:s23] =	ssyncset.done $0x0  }
0xa4: {  	s25 =	simm.s32 $0x1B8E;
	s24 =	sld [smem:$0x3FFE];
	[sflag:s23] =	ssyncadd.s32 $0xFFFFFFFF  }
0xa5: {  	s26 =	simm.s32 $execute0_lowered;
	[smem:$0x3FD2] =	sst s25  }
0xa6: {  	s5 =	sshll.u32 s26, $0x1;
	_ =	strace $0x80000046;
	[dreg:$0x1] =	wrdreg $0xFFFFFFFF  }
0xa7: {  	s28 =	simm.s32 $_size_execute0_lowered;
	s3 =	sadd.s32 s3, s5;
	[dreg:$0x0] =	wrdreg $0x0  }
0xa8: {  	s5 =	sshll.u32 s28, $0x1;
	[dreg:$0x2] =	wrdreg s3  }
0xa9: {  	[dreg:$0x3] =	wrdreg s5  }
0xaa: {  	[dreg:$0x4] =	wrdreg $0xC0  }
0xab: {  	_ =	task [dreg:s7], $0x5FFFF  }
0xac: {  	[dreg:$0x1] =	wrdreg $0xFFFFFFFF  }
0xad: {  	[dreg:$0x0] =	wrdreg $0x60  }
0xae: {  	[dreg:$0x2] =	wrdreg s2  }
0xaf: {  	[dreg:$0x3] =	wrdreg s24  }
0xb0: {  	[dreg:$0x4] =	wrdreg $0x9  }
0xb1: {  	_ =	task.clear_ibuf [dreg:s7], $0x5FFFF;
	_ =	strace $0x90000046  }
0xb2: {  	s29 =	simm.s32 $0x9;
	_ =	strace $0x80000048  }
0xb3: {  	_ =	swait.ge [sflag:s29], $0x1  }
0xb4: {  	[sflag:s29] =	ssyncadd.s32 $0xFFFFFFFF  }
0xb5: {  	_ =	strace $0x90000048  }
0xb6: {  	_ =	sfence  }
0xb7: {  	s30 =	sld [smem:$0x0];
	_ =	sdelay $0x2  }
0xb8: {  	s31 =	sshll.u32 s1, $0xD;
	s1 =	sshrl.u32 s1, $0x2  }
0xb9: {  	s3 =	sand.u32 $0x4000, s31;
	s1 =	sadd.s32 s1, s30  }
0xba: {  	s0 =	sor.u32 s3, s0;
	s1 =	sshll.u32 s1, $0x11  }
0xbb: {  	s0 =	sor.u32 s1, s0  }
0xbc: {  	s0 =	sadd.s32 $0x8F2B, s0  }
0xbd: {  	[sflag:s0] =	ssyncadd.remote.s32 $0x1  }
0xbe: {  	_ =	sfence.sel $0xFFFF  }
0xbf: {  	[dreg:$0x0] =	wrdreg $0xFFFFFFFF;
	(pc) =	sbr.abs _section_cstart, $3  }
0xc0: {  	[dreg:$0x1] =	wrdreg $0xFFFFFFFF  }
0xc1: {  	_ =	task.clear_ibuf [dreg:s7], $0x2FFFF;
	_ =	strace $0x9FFFFFFF  }
0xc2: {  	(tm) =	ssettm $0x7FFFFFFF  }
0xc3: {  	_ =	shalt  }
tec
execute0_lowered:
.L_overlay_start_1:
0x0: {  	(tag) =	ssettag $0x1  }
0x1: {  	s0 =	rddreg [dreg:$0x0]  }
0x2: {  	s1 =	rddreg [dreg:$0x1]  }
0x3: {  	s2 =	srdreg.scid;
	s3 =	stileid.u32;
	s25 =	simm.s32 $0x10000  }
0x4: {  	s26 =	simm.s32 $0x10080;
	s28 =	simm.s32 $0x1;
	s31 =	simm.s32 $0x2000  }
0x5: {  	s29 =	simm.s32 $0x8000;
	s4 =	sand.u32 $0x1, s2;
	s2 =	simm.s32 $0x0  }
0x6: {  	s3 =	sshll.u32 s3, $0x8;
	s5 =	sshll.u32 s4, $0x7;
	[smem:$0x7FF] =	sst s2  }
0x7: {  	s4 =	ssub.s32 $0x2, s4;
	s5 =	sor.u32 s5, s3;
	_ =	strace $0x80000047  }
0x8: {  	[dreg:$0x8] =	wrdreg s25;
	s3 =	sshrl.u32 s5, $0x3;
	s5 =	sshll.u32 s5, $0x7  }
0x9: {  	[dreg:$0x9] =	wrdreg s26;
	s6 =	sadd.s32 s3, s1;
	s20 =	sadd.s32 s0, s5  }
0xa: {  	s7 =	sshrl.u32 s4, $0x1;
	s8 =	sadd.s32 $0x3A00, s6;
	[dreg:$0xa] =	wrdreg s20  }
0xb: {  	s21 =	ssub.s32 s4, s7;
	s6 =	sadd.s32 $0x3C00, s6;
	[dreg:$0x3] =	wrdreg s8  }
0xc: {  	s7 =	sadd.s32 $0x24500, s1;
	s22 =	sadd.s32 $0x1000, s20;
	[dreg:$0x4] =	wrdreg s6  }
0xd: {  	v2 =	vlaneseq.u32;
	s3 =	sadd.s32 $0x24200, s1;
	s23 =	sadd.s32 $0x2000, s20;
	[dreg:$0x5] =	wrdreg s22  }
0xe: {  	vm0 =	vmmov $0xffff;
	v1 =	vshrl.u32 v2, $0x3;
	s5 =	sadd.s32 $0x24300, s1;
	s24 =	sadd.s32 $0x3000, s20;
	[dreg:$0x6] =	wrdreg s23  }
0xf: {  	v0 =	vand.u32 $0x7, v2;
	v2 =	vor.u32 $0x8, v2;
	v1 =	vmul.u32 $0x8, v1;
	s30 =	smax.u32 s21, $0x1;
	s6 =	sadd.s32 $0x24400, s1;
	[dreg:$0x7] =	wrdreg s24  }
.LBB2_1:
0x10: {  	s25 =	rddreg [dreg:$0x3]  }
0x11: {  	s26 =	rddreg [dreg:$0x8];
	s0 =	simm.s32 $0x7  }
0x12: {  	[tilespmem:s26], [sflag:$0x7] =	stream.linear.gather [hbm4b:s25+s2], $0x80, $0x38;
	[tilespmem:$0x10300] =	vst v63  }
0x13: {  	_ =	swait.ge [sflag:s0], $0x80  }
0x14: {  	s11 =	rddreg [dreg:$0x4];
	[sflag:s0] =	ssyncset.done $0x0  }
0x15: {  	s12 =	rddreg [dreg:$0x9];
	[sflag:s0] =	ssyncadd.s32 $0xFFFFFF80  }
0x16: {  	[tilespmem:s12], [sflag:$0x7] =	stream.linear.gather [hbm4b:s11+s2], $0x80, $0x38;
	[tilespmem:$0x10300] =	vst v63  }
0x17: {  	_ =	swait.ge [sflag:s0], $0x80  }
0x18: {  	[sflag:s0] =	ssyncset.done $0x0  }
0x19: {  	s14 =	rddreg [dreg:$0xa];
	[sflag:s0] =	ssyncadd.s32 $0xFFFFFF80  }
0x1a: {  	[tilespmem:s2], [sflag:$0x1] =	stream.linear.gather [hbm4b:s14+s2], $0x8000, $0x38;
	[tilespmem:$0x10300] =	vst v63  }
0x1b: {  	s15 =	simm.s32 $0x8000;
	s13 =	rddreg [dreg:$0x5]  }
0x1c: {  	[tilespmem:s15], [sflag:$0x2] =	stream.linear.gather [hbm4b:s13+s2], $0x8000, $0x38;
	[tilespmem:$0x10300] =	vst v63  }
0x1d: {  	v3 =	vld [tilespmem:$0x10000]  }
0x1e: {  	v4 =	vld [tilespmem:$0x10010]  }
0x1f: {  	v5 =	vld [tilespmem:$0x10080]  }
0x20: {  	v6 =	vld [tilespmem:$0x10090];
	_ =	sdelay $0x1  }
0x21: {  	[tilespmem:$0x10100] =	vst v3  }
0x22: {  	[tilespmem:$0x10110] =	vst v4  }
0x23: {  	[tilespmem:$0x10180] =	vst v5  }
0x24: {  	[tilespmem:$0x10190] =	vst v6  }
0x25: {  	_ =	swait.ge [sflag:s28], $0x8000  }
0x26: {  	[sflag:s28] =	ssyncset.done $0x0  }
0x27: {  	[sflag:s28] =	ssyncadd.s32 $0xFFFF8000  }
0x28: {  	v3 =	vld [tilespmem:$0x10100];
	_ =	sdelay $0x4  }
0x29: {  	v40 =	vshll.u32 v3, $0x3  }
0x2a: {  	v3 =	vand.u32 $0x7, v3;
	v4 =	vand.u32 $0xFFFFFFC0, v40  }
0x2b: {  	v3 =	vor.u32 v3, v4  }
0x2c: {  	v4 =	vperm.xlane v3, v0;
	_ =	sdelay $0x1  }
0x2d: {  	v4 =	vadd.s32 v1, v4;
	_ =	sdelay $0x4  }
0x2e: {  	[hbm4b:s3+s2] =	stream.indirect_vreg.scatter [tilespmem:s2], [sflag:$0x3], $0x80, v4, vm0, $0xb8;
	[tilespmem:$0x10300] =	vst v63  }
0x2f: {  	s26 =	simm.s32 $0x800;
	v3 =	vperm.xlane v3, v2  }
0x30: {  	[hbm4b:s5+s2] =	stream.indirect_vreg.scatter [tilespmem:s26], [sflag:$0x3], $0x80, v4, vm0, $0xb8;
	[tilespmem:$0x10300] =	vst v63  }
0x31: {  	s16 =	simm.s32 $0x1000;
	v3 =	vadd.s32 v1, v3  }
0x32: {  	[hbm4b:s6+s2] =	stream.indirect_vreg.scatter [tilespmem:s16], [sflag:$0x3], $0x80, v4, vm0, $0xb8;
	[tilespmem:$0x10300] =	vst v63  }
0x33: {  	s17 =	simm.s32 $0x1800  }
0x34: {  	[hbm4b:s7+s2] =	stream.indirect_vreg.scatter [tilespmem:s17], [sflag:$0x3], $0x80, v4, vm0, $0xb8;
	[tilespmem:$0x10300] =	vst v63  }
0x35: {  	_ = 	snop  }
0x36: {  	[hbm4b:s3+s2] =	stream.indirect_vreg.scatter [tilespmem:s31], [sflag:$0x3], $0x80, v3, vm0, $0xb8;
	[tilespmem:$0x10300] =	vst v63  }
0x37: {  	s18 =	simm.s32 $0x2800  }
0x38: {  	[hbm4b:s5+s2] =	stream.indirect_vreg.scatter [tilespmem:s18], [sflag:$0x3], $0x80, v3, vm0, $0xb8;
	[tilespmem:$0x10300] =	vst v63  }
0x39: {  	s19 =	simm.s32 $0x3000  }
0x3a: {  	[hbm4b:s6+s2] =	stream.indirect_vreg.scatter [tilespmem:s19], [sflag:$0x3], $0x80, v3, vm0, $0xb8;
	[tilespmem:$0x10300] =	vst v63  }
0x3b: {  	s20 =	simm.s32 $0x3800  }
0x3c: {  	[hbm4b:s7+s2] =	stream.indirect_vreg.scatter [tilespmem:s20], [sflag:$0x3], $0x80, v3, vm0, $0xb8;
	[tilespmem:$0x10300] =	vst v63  }
0x3d: {  	v3 =	vld [tilespmem:$0x10110];
	_ =	sdelay $0x4  }
0x3e: {  	v41 =	vshll.u32 v3, $0x3  }
0x3f: {  	v3 =	vand.u32 $0x7, v3;
	v4 =	vand.u32 $0xFFFFFFC0, v41  }
0x40: {  	v3 =	vor.u32 v3, v4  }
0x41: {  	v4 =	vperm.xlane v3, v0;
	_ =	sdelay $0x1  }
0x42: {  	v4 =	vadd.s32 v1, v4;
	_ =	sdelay $0x3  }
0x43: {  	s21 =	simm.s32 $0x4000  }
0x44: {  	[hbm4b:s3+s2] =	stream.indirect_vreg.scatter [tilespmem:s21], [sflag:$0x3], $0x80, v4, vm0, $0xb8;
	[tilespmem:$0x10300] =	vst v63  }
0x45: {  	s22 =	simm.s32 $0x4800;
	v3 =	vperm.xlane v3, v2  }
0x46: {  	[hbm4b:s5+s2] =	stream.indirect_vreg.scatter [tilespmem:s22], [sflag:$0x3], $0x80, v4, vm0, $0xb8;
	[tilespmem:$0x10300] =	vst v63  }
0x47: {  	s23 =	simm.s32 $0x5000;
	v3 =	vadd.s32 v1, v3  }
0x48: {  	[hbm4b:s6+s2] =	stream.indirect_vreg.scatter [tilespmem:s23], [sflag:$0x3], $0x80, v4, vm0, $0xb8;
	[tilespmem:$0x10300] =	vst v63  }
0x49: {  	s15 =	simm.s32 $0x5800  }
0x4a: {  	[hbm4b:s7+s2] =	stream.indirect_vreg.scatter [tilespmem:s15], [sflag:$0x3], $0x80, v4, vm0, $0xb8;
	[tilespmem:$0x10300] =	vst v63  }
0x4b: {  	s16 =	simm.s32 $0x6000  }
0x4c: {  	[hbm4b:s3+s2] =	stream.indirect_vreg.scatter [tilespmem:s16], [sflag:$0x3], $0x80, v3, vm0, $0xb8;
	[tilespmem:$0x10300] =	vst v63  }
0x4d: {  	s17 =	simm.s32 $0x6800  }
0x4e: {  	[hbm4b:s5+s2] =	stream.indirect_vreg.scatter [tilespmem:s17], [sflag:$0x3], $0x80, v3, vm0, $0xb8;
	[tilespmem:$0x10300] =	vst v63  }
0x4f: {  	s18 =	simm.s32 $0x7000  }
0x50: {  	[hbm4b:s6+s2] =	stream.indirect_vreg.scatter [tilespmem:s18], [sflag:$0x3], $0x80, v3, vm0, $0xb8;
	[tilespmem:$0x10300] =	vst v63  }
0x51: {  	s19 =	simm.s32 $0x7800  }
0x52: {  	[hbm4b:s7+s2] =	stream.indirect_vreg.scatter [tilespmem:s19], [sflag:$0x3], $0x80, v3, vm0, $0xb8;
	[tilespmem:$0x10300] =	vst v63  }
0x53: {  	v3 =	vld [tilespmem:$0x10180];
	_ =	sdelay $0x4  }
0x54: {  	v42 =	vshll.u32 v3, $0x3  }
0x55: {  	v3 =	vand.u32 $0x7, v3;
	v4 =	vand.u32 $0xFFFFFFC0, v42  }
0x56: {  	v3 =	vor.u32 v3, v4  }
0x57: {  	v4 =	vperm.xlane v3, v0;
	_ =	sdelay $0x1  }
0x58: {  	v4 =	vadd.s32 v1, v4;
	_ =	sdelay $0x4  }
0x59: {  	[hbm4b:s3+s2] =	stream.indirect_vreg.scatter [tilespmem:s2], [sflag:$0x4], $0x80, v4, vm0, $0xb8;
	[tilespmem:$0x10300] =	vst v63  }
0x5a: {  	v3 =	vperm.xlane v3, v2  }
0x5b: {  	[hbm4b:s5+s2] =	stream.indirect_vreg.scatter [tilespmem:s26], [sflag:$0x4], $0x80, v4, vm0, $0xb8;
	[tilespmem:$0x10300] =	vst v63  }
0x5c: {  	s1 =	simm.s32 $0x1000;
	v3 =	vadd.s32 v1, v3  }
0x5d: {  	[hbm4b:s6+s2] =	stream.indirect_vreg.scatter [tilespmem:s1], [sflag:$0x4], $0x80, v4, vm0, $0xb8;
	[tilespmem:$0x10300] =	vst v63  }
0x5e: {  	s13 =	simm.s32 $0x1800  }
0x5f: {  	[hbm4b:s7+s2] =	stream.indirect_vreg.scatter [tilespmem:s13], [sflag:$0x4], $0x80, v4, vm0, $0xb8;
	[tilespmem:$0x10300] =	vst v63  }
0x60: {  	_ = 	snop  }
0x61: {  	[hbm4b:s3+s2] =	stream.indirect_vreg.scatter [tilespmem:s31], [sflag:$0x4], $0x80, v3, vm0, $0xb8;
	[tilespmem:$0x10300] =	vst v63  }
0x62: {  	s4 =	simm.s32 $0x2800  }
0x63: {  	[hbm4b:s5+s2] =	stream.indirect_vreg.scatter [tilespmem:s4], [sflag:$0x4], $0x80, v3, vm0, $0xb8;
	[tilespmem:$0x10300] =	vst v63  }
0x64: {  	s8 =	simm.s32 $0x3000  }
0x65: {  	[hbm4b:s6+s2] =	stream.indirect_vreg.scatter [tilespmem:s8], [sflag:$0x4], $0x80, v3, vm0, $0xb8;
	[tilespmem:$0x10300] =	vst v63  }
0x66: {  	s9 =	simm.s32 $0x3800  }
0x67: {  	[hbm4b:s7+s2] =	stream.indirect_vreg.scatter [tilespmem:s9], [sflag:$0x4], $0x80, v3, vm0, $0xb8;
	[tilespmem:$0x10300] =	vst v63  }
0x68: {  	v3 =	vld [tilespmem:$0x10190];
	_ =	sdelay $0x4  }
0x69: {  	v43 =	vshll.u32 v3, $0x3  }
0x6a: {  	v3 =	vand.u32 $0x7, v3;
	v4 =	vand.u32 $0xFFFFFFC0, v43  }
0x6b: {  	v3 =	vor.u32 v3, v4  }
0x6c: {  	v4 =	vperm.xlane v3, v0;
	_ =	sdelay $0x1  }
0x6d: {  	v4 =	vadd.s32 v1, v4;
	_ =	sdelay $0x3  }
0x6e: {  	s10 =	simm.s32 $0x4000  }
0x6f: {  	[hbm4b:s3+s2] =	stream.indirect_vreg.scatter [tilespmem:s10], [sflag:$0x4], $0x80, v4, vm0, $0xb8;
	[tilespmem:$0x10300] =	vst v63  }
0x70: {  	s11 =	simm.s32 $0x4800;
	v3 =	vperm.xlane v3, v2  }
0x71: {  	[hbm4b:s5+s2] =	stream.indirect_vreg.scatter [tilespmem:s11], [sflag:$0x4], $0x80, v4, vm0, $0xb8;
	[tilespmem:$0x10300] =	vst v63  }
0x72: {  	s24 =	simm.s32 $0x5000;
	v3 =	vadd.s32 v1, v3  }
0x73: {  	[hbm4b:s6+s2] =	stream.indirect_vreg.scatter [tilespmem:s24], [sflag:$0x4], $0x80, v4, vm0, $0xb8;
	[tilespmem:$0x10300] =	vst v63  }
0x74: {  	_ = 	snop  }
0x75: {  	[hbm4b:s7+s2] =	stream.indirect_vreg.scatter [tilespmem:s15], [sflag:$0x4], $0x80, v4, vm0, $0xb8;
	[tilespmem:$0x10300] =	vst v63  }
0x76: {  	_ = 	snop  }
0x77: {  	[hbm4b:s3+s2] =	stream.indirect_vreg.scatter [tilespmem:s16], [sflag:$0x4], $0x80, v3, vm0, $0xb8;
	[tilespmem:$0x10300] =	vst v63  }
0x78: {  	_ = 	snop  }
0x79: {  	[hbm4b:s5+s2] =	stream.indirect_vreg.scatter [tilespmem:s17], [sflag:$0x4], $0x80, v3, vm0, $0xb8;
	[tilespmem:$0x10300] =	vst v63  }
0x7a: {  	_ = 	snop  }
0x7b: {  	[hbm4b:s6+s2] =	stream.indirect_vreg.scatter [tilespmem:s18], [sflag:$0x4], $0x80, v3, vm0, $0xb8;
	[tilespmem:$0x10300] =	vst v63  }
0x7c: {  	_ = 	snop  }
0x7d: {  	[hbm4b:s7+s2] =	stream.indirect_vreg.scatter [tilespmem:s19], [sflag:$0x4], $0x80, v3, vm0, $0xb8;
	[tilespmem:$0x10300] =	vst v63  }
0x7e: {  	v3 =	vld [tilespmem:$0x10020]  }
0x7f: {  	v4 =	vld [tilespmem:$0x10030]  }
0x80: {  	v44 =	vld [tilespmem:$0x100A0]  }
0x81: {  	v45 =	vld [tilespmem:$0x100B0];
	_ =	sdelay $0x1  }
0x82: {  	[tilespmem:$0x10200] =	vst v3  }
0x83: {  	[tilespmem:$0x10210] =	vst v4  }
0x84: {  	[tilespmem:$0x10280] =	vst v44  }
0x85: {  	s21 =	simm.s32 $0x2;
	[tilespmem:$0x10290] =	vst v45  }
0x86: {  	_ =	swait.ge [sflag:s21], $0x8000  }
0x87: {  	[sflag:s21] =	ssyncset.done $0x0  }
0x88: {  	[sflag:s21] =	ssyncadd.s32 $0xFFFF8000  }
0x89: {  	v3 =	vld [tilespmem:$0x10200];
	_ =	sdelay $0x4  }
0x8a: {  	v46 =	vshll.u32 v3, $0x3  }
0x8b: {  	v3 =	vand.u32 $0x7, v3;
	v4 =	vand.u32 $0xFFFFFFC0, v46  }
0x8c: {  	v3 =	vor.u32 v3, v4  }
0x8d: {  	v4 =	vperm.xlane v3, v0;
	_ =	sdelay $0x1  }
0x8e: {  	v4 =	vadd.s32 v1, v4;
	_ =	sdelay $0x3  }
0x8f: {  	s12 =	simm.s32 $0x8000  }
0x90: {  	[hbm4b:s3+s2] =	stream.indirect_vreg.scatter [tilespmem:s12], [sflag:$0x5], $0x80, v4, vm0, $0xb8;
	[tilespmem:$0x10300] =	vst v63  }
0x91: {  	s25 =	simm.s32 $0x8800;
	v3 =	vperm.xlane v3, v2  }
0x92: {  	[hbm4b:s5+s2] =	stream.indirect_vreg.scatter [tilespmem:s25], [sflag:$0x5], $0x80, v4, vm0, $0xb8;
	[tilespmem:$0x10300] =	vst v63  }
0x93: {  	s0 =	simm.s32 $0x9000;
	v3 =	vadd.s32 v1, v3  }
0x94: {  	[hbm4b:s6+s2] =	stream.indirect_vreg.scatter [tilespmem:s0], [sflag:$0x5], $0x80, v4, vm0, $0xb8;
	[tilespmem:$0x10300] =	vst v63  }
0x95: {  	s4 =	simm.s32 $0x9800  }
0x96: {  	[hbm4b:s7+s2] =	stream.indirect_vreg.scatter [tilespmem:s4], [sflag:$0x5], $0x80, v4, vm0, $0xb8;
	[tilespmem:$0x10300] =	vst v63  }
0x97: {  	s8 =	simm.s32 $0xA000  }
0x98: {  	[hbm4b:s3+s2] =	stream.indirect_vreg.scatter [tilespmem:s8], [sflag:$0x5], $0x80, v3, vm0, $0xb8;
	[tilespmem:$0x10300] =	vst v63  }
0x99: {  	s9 =	simm.s32 $0xA800  }
0x9a: {  	[hbm4b:s5+s2] =	stream.indirect_vreg.scatter [tilespmem:s9], [sflag:$0x5], $0x80, v3, vm0, $0xb8;
	[tilespmem:$0x10300] =	vst v63  }
0x9b: {  	s10 =	simm.s32 $0xB000  }
0x9c: {  	[hbm4b:s6+s2] =	stream.indirect_vreg.scatter [tilespmem:s10], [sflag:$0x5], $0x80, v3, vm0, $0xb8;
	[tilespmem:$0x10300] =	vst v63  }
0x9d: {  	s11 =	simm.s32 $0xB800  }
0x9e: {  	[hbm4b:s7+s2] =	stream.indirect_vreg.scatter [tilespmem:s11], [sflag:$0x5], $0x80, v3, vm0, $0xb8;
	[tilespmem:$0x10300] =	vst v63  }
0x9f: {  	v3 =	vld [tilespmem:$0x10210];
	_ =	sdelay $0x4  }
0xa0: {  	v47 =	vshll.u32 v3, $0x3  }
0xa1: {  	v3 =	vand.u32 $0x7, v3;
	v4 =	vand.u32 $0xFFFFFFC0, v47  }
0xa2: {  	v3 =	vor.u32 v3, v4  }
0xa3: {  	v4 =	vperm.xlane v3, v0;
	_ =	sdelay $0x1  }
0xa4: {  	v4 =	vadd.s32 v1, v4;
	_ =	sdelay $0x3  }
0xa5: {  	s20 =	simm.s32 $0xC000  }
0xa6: {  	[hbm4b:s3+s2] =	stream.indirect_vreg.scatter [tilespmem:s20], [sflag:$0x5], $0x80, v4, vm0, $0xb8;
	[tilespmem:$0x10300] =	vst v63  }
0xa7: {  	s22 =	simm.s32 $0xC800;
	v3 =	vperm.xlane v3, v2  }
0xa8: {  	[hbm4b:s5+s2] =	stream.indirect_vreg.scatter [tilespmem:s22], [sflag:$0x5], $0x80, v4, vm0, $0xb8;
	[tilespmem:$0x10300] =	vst v63  }
0xa9: {  	s4 =	simm.s32 $0xD000;
	v3 =	vadd.s32 v1, v3  }
0xaa: {  	[hbm4b:s6+s2] =	stream.indirect_vreg.scatter [tilespmem:s4], [sflag:$0x5], $0x80, v4, vm0, $0xb8;
	[tilespmem:$0x10300] =	vst v63  }
0xab: {  	s8 =	simm.s32 $0xD800  }
0xac: {  	[hbm4b:s7+s2] =	stream.indirect_vreg.scatter [tilespmem:s8], [sflag:$0x5], $0x80, v4, vm0, $0xb8;
	[tilespmem:$0x10300] =	vst v63  }
0xad: {  	s9 =	simm.s32 $0xE000  }
0xae: {  	[hbm4b:s3+s2] =	stream.indirect_vreg.scatter [tilespmem:s9], [sflag:$0x5], $0x80, v3, vm0, $0xb8;
	[tilespmem:$0x10300] =	vst v63  }
0xaf: {  	s10 =	simm.s32 $0xE800  }
0xb0: {  	[hbm4b:s5+s2] =	stream.indirect_vreg.scatter [tilespmem:s10], [sflag:$0x5], $0x80, v3, vm0, $0xb8;
	[tilespmem:$0x10300] =	vst v63  }
0xb1: {  	s11 =	simm.s32 $0xF000  }
0xb2: {  	[hbm4b:s6+s2] =	stream.indirect_vreg.scatter [tilespmem:s11], [sflag:$0x5], $0x80, v3, vm0, $0xb8;
	[tilespmem:$0x10300] =	vst v63  }
0xb3: {  	s1 =	simm.s32 $0xF800  }
0xb4: {  	[hbm4b:s7+s2] =	stream.indirect_vreg.scatter [tilespmem:s1], [sflag:$0x5], $0x80, v3, vm0, $0xb8;
	[tilespmem:$0x10300] =	vst v63  }
0xb5: {  	v3 =	vld [tilespmem:$0x10280];
	_ =	sdelay $0x4  }
0xb6: {  	v48 =	vshll.u32 v3, $0x3  }
0xb7: {  	v3 =	vand.u32 $0x7, v3;
	v4 =	vand.u32 $0xFFFFFFC0, v48  }
0xb8: {  	v3 =	vor.u32 v3, v4  }
0xb9: {  	v4 =	vperm.xlane v3, v0;
	_ =	sdelay $0x1  }
0xba: {  	v4 =	vadd.s32 v1, v4;
	_ =	sdelay $0x4  }
0xbb: {  	[hbm4b:s3+s2] =	stream.indirect_vreg.scatter [tilespmem:s29], [sflag:$0x6], $0x80, v4, vm0, $0xb8;
	[tilespmem:$0x10300] =	vst v63  }
0xbc: {  	s24 =	simm.s32 $0x8800;
	v3 =	vperm.xlane v3, v2  }
0xbd: {  	[hbm4b:s5+s2] =	stream.indirect_vreg.scatter [tilespmem:s24], [sflag:$0x6], $0x80, v4, vm0, $0xb8;
	[tilespmem:$0x10300] =	vst v63  }
0xbe: {  	s25 =	simm.s32 $0x9000;
	v3 =	vadd.s32 v1, v3  }
0xbf: {  	[hbm4b:s6+s2] =	stream.indirect_vreg.scatter [tilespmem:s25], [sflag:$0x6], $0x80, v4, vm0, $0xb8;
	[tilespmem:$0x10300] =	vst v63  }
0xc0: {  	s0 =	simm.s32 $0x9800  }
0xc1: {  	[hbm4b:s7+s2] =	stream.indirect_vreg.scatter [tilespmem:s0], [sflag:$0x6], $0x80, v4, vm0, $0xb8;
	[tilespmem:$0x10300] =	vst v63  }
0xc2: {  	s12 =	simm.s32 $0xA000  }
0xc3: {  	[hbm4b:s3+s2] =	stream.indirect_vreg.scatter [tilespmem:s12], [sflag:$0x6], $0x80, v3, vm0, $0xb8;
	[tilespmem:$0x10300] =	vst v63  }
0xc4: {  	s13 =	simm.s32 $0xA800  }
0xc5: {  	[hbm4b:s5+s2] =	stream.indirect_vreg.scatter [tilespmem:s13], [sflag:$0x6], $0x80, v3, vm0, $0xb8;
	[tilespmem:$0x10300] =	vst v63  }
0xc6: {  	s14 =	simm.s32 $0xB000  }
0xc7: {  	[hbm4b:s6+s2] =	stream.indirect_vreg.scatter [tilespmem:s14], [sflag:$0x6], $0x80, v3, vm0, $0xb8;
	[tilespmem:$0x10300] =	vst v63  }
0xc8: {  	s23 =	simm.s32 $0xB800  }
0xc9: {  	[hbm4b:s7+s2] =	stream.indirect_vreg.scatter [tilespmem:s23], [sflag:$0x6], $0x80, v3, vm0, $0xb8;
	[tilespmem:$0x10300] =	vst v63  }
0xca: {  	v3 =	vld [tilespmem:$0x10290];
	_ =	sdelay $0x4  }
0xcb: {  	v49 =	vshll.u32 v3, $0x3  }
0xcc: {  	v3 =	vand.u32 $0x7, v3;
	v4 =	vand.u32 $0xFFFFFFC0, v49  }
0xcd: {  	v3 =	vor.u32 v3, v4  }
0xce: {  	v4 =	vperm.xlane v3, v0;
	_ =	sdelay $0x1  }
0xcf: {  	v4 =	vadd.s32 v1, v4;
	_ =	sdelay $0x3  }
0xd0: {  	s20 =	simm.s32 $0xC000  }
0xd1: {  	[hbm4b:s3+s2] =	stream.indirect_vreg.scatter [tilespmem:s20], [sflag:$0x6], $0x80, v4, vm0, $0xb8;
	[tilespmem:$0x10300] =	vst v63  }
0xd2: {  	s22 =	simm.s32 $0xC800;
	v3 =	vperm.xlane v3, v2  }
0xd3: {  	[hbm4b:s5+s2] =	stream.indirect_vreg.scatter [tilespmem:s22], [sflag:$0x6], $0x80, v4, vm0, $0xb8;
	[tilespmem:$0x10300] =	vst v63  }
0xd4: {  	s4 =	simm.s32 $0xD000;
	v3 =	vadd.s32 v1, v3  }
0xd5: {  	[hbm4b:s6+s2] =	stream.indirect_vreg.scatter [tilespmem:s4], [sflag:$0x6], $0x80, v4, vm0, $0xb8;
	[tilespmem:$0x10300] =	vst v63  }
0xd6: {  	s8 =	simm.s32 $0xD800  }
0xd7: {  	[hbm4b:s7+s2] =	stream.indirect_vreg.scatter [tilespmem:s8], [sflag:$0x6], $0x80, v4, vm0, $0xb8;
	[tilespmem:$0x10300] =	vst v63  }
0xd8: {  	s9 =	simm.s32 $0xE000  }
0xd9: {  	[hbm4b:s3+s2] =	stream.indirect_vreg.scatter [tilespmem:s9], [sflag:$0x6], $0x80, v3, vm0, $0xb8;
	[tilespmem:$0x10300] =	vst v63  }
0xda: {  	s10 =	simm.s32 $0xE800  }
0xdb: {  	[hbm4b:s5+s2] =	stream.indirect_vreg.scatter [tilespmem:s10], [sflag:$0x6], $0x80, v3, vm0, $0xb8;
	[tilespmem:$0x10300] =	vst v63  }
0xdc: {  	s11 =	simm.s32 $0xF000  }
0xdd: {  	[hbm4b:s6+s2] =	stream.indirect_vreg.scatter [tilespmem:s11], [sflag:$0x6], $0x80, v3, vm0, $0xb8;
	[tilespmem:$0x10300] =	vst v63  }
0xde: {  	s1 =	simm.s32 $0xF800;
	s0 =	simm.s32 $0x3  }
0xdf: {  	[hbm4b:s7+s2] =	stream.indirect_vreg.scatter [tilespmem:s1], [sflag:$0x6], $0x80, v3, vm0, $0xb8;
	[tilespmem:$0x10300] =	vst v63  }
0xe0: {  	_ =	swait.ge [sflag:s0], $0x8000  }
0xe1: {  	[sflag:s0] =	ssyncset.done $0x0  }
0xe2: {  	s1 =	simm.s32 $0x4;
	[sflag:s0] =	ssyncadd.s32 $0xFFFF8000  }
0xe3: {  	_ =	swait.ge [sflag:s1], $0x8000  }
0xe4: {  	[sflag:s1] =	ssyncset.done $0x0  }
0xe5: {  	s11 =	rddreg [dreg:$0x6];
	[sflag:s1] =	ssyncadd.s32 $0xFFFF8000  }
0xe6: {  	[tilespmem:s2], [sflag:$0x1] =	stream.linear.gather [hbm4b:s11+s2], $0x8000, $0x38;
	[tilespmem:$0x10300] =	vst v63  }
0xe7: {  	v3 =	vld [tilespmem:$0x10040]  }
0xe8: {  	v50 =	vld [tilespmem:$0x10050]  }
0xe9: {  	v51 =	vld [tilespmem:$0x100C0]  }
0xea: {  	v52 =	vld [tilespmem:$0x100D0];
	_ =	sdelay $0x1  }
0xeb: {  	[tilespmem:$0x10100] =	vst v3  }
0xec: {  	[tilespmem:$0x10110] =	vst v50  }
0xed: {  	[tilespmem:$0x10180] =	vst v51  }
0xee: {  	[tilespmem:$0x10190] =	vst v52  }
0xef: {  	_ =	swait.ge [sflag:s28], $0x8000  }
0xf0: {  	[sflag:s28] =	ssyncset.done $0x0  }
0xf1: {  	[sflag:s28] =	ssyncadd.s32 $0xFFFF8000  }
0xf2: {  	v3 =	vld [tilespmem:$0x10100];
	_ =	sdelay $0x4  }
0xf3: {  	v53 =	vshll.u32 v3, $0x3  }
0xf4: {  	v3 =	vand.u32 $0x7, v3;
	v4 =	vand.u32 $0xFFFFFFC0, v53  }
0xf5: {  	v3 =	vor.u32 v3, v4  }
0xf6: {  	v4 =	vperm.xlane v3, v0;
	_ =	sdelay $0x1  }
0xf7: {  	v4 =	vadd.s32 v1, v4;
	_ =	sdelay $0x4  }
0xf8: {  	[hbm4b:s3+s2] =	stream.indirect_vreg.scatter [tilespmem:s2], [sflag:$0x3], $0x80, v4, vm0, $0xb8;
	[tilespmem:$0x10300] =	vst v63  }
0xf9: {  	v3 =	vperm.xlane v3, v2  }
0xfa: {  	[hbm4b:s5+s2] =	stream.indirect_vreg.scatter [tilespmem:s26], [sflag:$0x3], $0x80, v4, vm0, $0xb8;
	[tilespmem:$0x10300] =	vst v63  }
0xfb: {  	s12 =	simm.s32 $0x1000;
	v3 =	vadd.s32 v1, v3  }
0xfc: {  	[hbm4b:s6+s2] =	stream.indirect_vreg.scatter [tilespmem:s12], [sflag:$0x3], $0x80, v4, vm0, $0xb8;
	[tilespmem:$0x10300] =	vst v63  }
0xfd: {  	s13 =	simm.s32 $0x1800  }
0xfe: {  	[hbm4b:s7+s2] =	stream.indirect_vreg.scatter [tilespmem:s13], [sflag:$0x3], $0x80, v4, vm0, $0xb8;
	[tilespmem:$0x10300] =	vst v63  }
0xff: {  	_ = 	snop  }
0x100: {  	[hbm4b:s3+s2] =	stream.indirect_vreg.scatter [tilespmem:s31], [sflag:$0x3], $0x80, v3, vm0, $0xb8;
	[tilespmem:$0x10300] =	vst v63  }
0x101: {  	s22 =	simm.s32 $0x2800  }
0x102: {  	[hbm4b:s5+s2] =	stream.indirect_vreg.scatter [tilespmem:s22], [sflag:$0x3], $0x80, v3, vm0, $0xb8;
	[tilespmem:$0x10300] =	vst v63  }
0x103: {  	s23 =	simm.s32 $0x3000  }
0x104: {  	[hbm4b:s6+s2] =	stream.indirect_vreg.scatter [tilespmem:s23], [sflag:$0x3], $0x80, v3, vm0, $0xb8;
	[tilespmem:$0x10300] =	vst v63  }
0x105: {  	s24 =	simm.s32 $0x3800  }
0x106: {  	[hbm4b:s7+s2] =	stream.indirect_vreg.scatter [tilespmem:s24], [sflag:$0x3], $0x80, v3, vm0, $0xb8;
	[tilespmem:$0x10300] =	vst v63  }
0x107: {  	v3 =	vld [tilespmem:$0x10110];
	_ =	sdelay $0x4  }
0x108: {  	v54 =	vshll.u32 v3, $0x3  }
0x109: {  	v3 =	vand.u32 $0x7, v3;
	v4 =	vand.u32 $0xFFFFFFC0, v54  }
0x10a: {  	v3 =	vor.u32 v3, v4  }
0x10b: {  	v4 =	vperm.xlane v3, v0;
	_ =	sdelay $0x1  }
0x10c: {  	v4 =	vadd.s32 v1, v4;
	_ =	sdelay $0x3  }
0x10d: {  	s25 =	simm.s32 $0x4000  }
0x10e: {  	[hbm4b:s3+s2] =	stream.indirect_vreg.scatter [tilespmem:s25], [sflag:$0x3], $0x80, v4, vm0, $0xb8;
	[tilespmem:$0x10300] =	vst v63  }
0x10f: {  	s10 =	simm.s32 $0x4800;
	v3 =	vperm.xlane v3, v2  }
0x110: {  	[hbm4b:s5+s2] =	stream.indirect_vreg.scatter [tilespmem:s10], [sflag:$0x3], $0x80, v4, vm0, $0xb8;
	[tilespmem:$0x10300] =	vst v63  }
0x111: {  	s20 =	simm.s32 $0x5000;
	v3 =	vadd.s32 v1, v3  }
0x112: {  	[hbm4b:s6+s2] =	stream.indirect_vreg.scatter [tilespmem:s20], [sflag:$0x3], $0x80, v4, vm0, $0xb8;
	[tilespmem:$0x10300] =	vst v63  }
0x113: {  	_ = 	snop  }
0x114: {  	[hbm4b:s7+s2] =	stream.indirect_vreg.scatter [tilespmem:s15], [sflag:$0x3], $0x80, v4, vm0, $0xb8;
	[tilespmem:$0x10300] =	vst v63  }
0x115: {  	_ = 	snop  }
0x116: {  	[hbm4b:s3+s2] =	stream.indirect_vreg.scatter [tilespmem:s16], [sflag:$0x3], $0x80, v3, vm0, $0xb8;
	[tilespmem:$0x10300] =	vst v63  }
0x117: {  	_ = 	snop  }
0x118: {  	[hbm4b:s5+s2] =	stream.indirect_vreg.scatter [tilespmem:s17], [sflag:$0x3], $0x80, v3, vm0, $0xb8;
	[tilespmem:$0x10300] =	vst v63  }
0x119: {  	_ = 	snop  }
0x11a: {  	[hbm4b:s6+s2] =	stream.indirect_vreg.scatter [tilespmem:s18], [sflag:$0x3], $0x80, v3, vm0, $0xb8;
	[tilespmem:$0x10300] =	vst v63  }
0x11b: {  	_ = 	snop  }
0x11c: {  	[hbm4b:s7+s2] =	stream.indirect_vreg.scatter [tilespmem:s19], [sflag:$0x3], $0x80, v3, vm0, $0xb8;
	[tilespmem:$0x10300] =	vst v63  }
0x11d: {  	v3 =	vld [tilespmem:$0x10180];
	_ =	sdelay $0x4  }
0x11e: {  	v55 =	vshll.u32 v3, $0x3  }
0x11f: {  	v3 =	vand.u32 $0x7, v3;
	v4 =	vand.u32 $0xFFFFFFC0, v55  }
0x120: {  	v3 =	vor.u32 v3, v4  }
0x121: {  	v4 =	vperm.xlane v3, v0;
	_ =	sdelay $0x1  }
0x122: {  	v4 =	vadd.s32 v1, v4;
	_ =	sdelay $0x4  }
0x123: {  	[hbm4b:s3+s2] =	stream.indirect_vreg.scatter [tilespmem:s2], [sflag:$0x4], $0x80, v4, vm0, $0xb8;
	[tilespmem:$0x10300] =	vst v63  }
0x124: {  	v3 =	vperm.xlane v3, v2  }
0x125: {  	[hbm4b:s5+s2] =	stream.indirect_vreg.scatter [tilespmem:s26], [sflag:$0x4], $0x80, v4, vm0, $0xb8;
	[tilespmem:$0x10300] =	vst v63  }
0x126: {  	v3 =	vadd.s32 v1, v3  }
0x127: {  	[hbm4b:s6+s2] =	stream.indirect_vreg.scatter [tilespmem:s12], [sflag:$0x4], $0x80, v4, vm0, $0xb8;
	[tilespmem:$0x10300] =	vst v63  }
0x128: {  	_ = 	snop  }
0x129: {  	[hbm4b:s7+s2] =	stream.indirect_vreg.scatter [tilespmem:s13], [sflag:$0x4], $0x80, v4, vm0, $0xb8;
	[tilespmem:$0x10300] =	vst v63  }
0x12a: {  	_ = 	snop  }
0x12b: {  	[hbm4b:s3+s2] =	stream.indirect_vreg.scatter [tilespmem:s31], [sflag:$0x4], $0x80, v3, vm0, $0xb8;
	[tilespmem:$0x10300] =	vst v63  }
0x12c: {  	_ = 	snop  }
0x12d: {  	[hbm4b:s5+s2] =	stream.indirect_vreg.scatter [tilespmem:s22], [sflag:$0x4], $0x80, v3, vm0, $0xb8;
	[tilespmem:$0x10300] =	vst v63  }
0x12e: {  	_ = 	snop  }
0x12f: {  	[hbm4b:s6+s2] =	stream.indirect_vreg.scatter [tilespmem:s23], [sflag:$0x4], $0x80, v3, vm0, $0xb8;
	[tilespmem:$0x10300] =	vst v63  }
0x130: {  	_ = 	snop  }
0x131: {  	[hbm4b:s7+s2] =	stream.indirect_vreg.scatter [tilespmem:s24], [sflag:$0x4], $0x80, v3, vm0, $0xb8;
	[tilespmem:$0x10300] =	vst v63  }
0x132: {  	v3 =	vld [tilespmem:$0x10190];
	_ =	sdelay $0x4  }
0x133: {  	v56 =	vshll.u32 v3, $0x3  }
0x134: {  	v3 =	vand.u32 $0x7, v3;
	v4 =	vand.u32 $0xFFFFFFC0, v56  }
0x135: {  	v3 =	vor.u32 v3, v4  }
0x136: {  	v4 =	vperm.xlane v3, v0;
	_ =	sdelay $0x1  }
0x137: {  	v4 =	vadd.s32 v1, v4;
	_ =	sdelay $0x4  }
0x138: {  	[hbm4b:s3+s2] =	stream.indirect_vreg.scatter [tilespmem:s25], [sflag:$0x4], $0x80, v4, vm0, $0xb8;
	[tilespmem:$0x10300] =	vst v63  }
0x139: {  	v3 =	vperm.xlane v3, v2  }
0x13a: {  	[hbm4b:s5+s2] =	stream.indirect_vreg.scatter [tilespmem:s10], [sflag:$0x4], $0x80, v4, vm0, $0xb8;
	[tilespmem:$0x10300] =	vst v63  }
0x13b: {  	v3 =	vadd.s32 v1, v3  }
0x13c: {  	[hbm4b:s6+s2] =	stream.indirect_vreg.scatter [tilespmem:s20], [sflag:$0x4], $0x80, v4, vm0, $0xb8;
	[tilespmem:$0x10300] =	vst v63  }
0x13d: {  	_ = 	snop  }
0x13e: {  	[hbm4b:s7+s2] =	stream.indirect_vreg.scatter [tilespmem:s15], [sflag:$0x4], $0x80, v4, vm0, $0xb8;
	[tilespmem:$0x10300] =	vst v63  }
0x13f: {  	_ = 	snop  }
0x140: {  	[hbm4b:s3+s2] =	stream.indirect_vreg.scatter [tilespmem:s16], [sflag:$0x4], $0x80, v3, vm0, $0xb8;
	[tilespmem:$0x10300] =	vst v63  }
0x141: {  	_ = 	snop  }
0x142: {  	[hbm4b:s5+s2] =	stream.indirect_vreg.scatter [tilespmem:s17], [sflag:$0x4], $0x80, v3, vm0, $0xb8;
	[tilespmem:$0x10300] =	vst v63  }
0x143: {  	_ = 	snop  }
0x144: {  	[hbm4b:s6+s2] =	stream.indirect_vreg.scatter [tilespmem:s18], [sflag:$0x4], $0x80, v3, vm0, $0xb8;
	[tilespmem:$0x10300] =	vst v63  }
0x145: {  	s4 =	simm.s32 $0x5  }
0x146: {  	[hbm4b:s7+s2] =	stream.indirect_vreg.scatter [tilespmem:s19], [sflag:$0x4], $0x80, v3, vm0, $0xb8;
	[tilespmem:$0x10300] =	vst v63  }
0x147: {  	_ =	swait.ge [sflag:s4], $0x8000  }
0x148: {  	[sflag:s4] =	ssyncset.done $0x0  }
0x149: {  	s9 =	simm.s32 $0x6;
	[sflag:s4] =	ssyncadd.s32 $0xFFFF8000  }
0x14a: {  	_ =	swait.ge [sflag:s9], $0x8000  }
0x14b: {  	[sflag:s9] =	ssyncset.done $0x0  }
0x14c: {  	s23 =	simm.s32 $0x8000;
	s22 =	rddreg [dreg:$0x7];
	[sflag:s9] =	ssyncadd.s32 $0xFFFF8000  }
0x14d: {  	[tilespmem:s23], [sflag:$0x2] =	stream.linear.gather [hbm4b:s22+s2], $0x8000, $0x38;
	[tilespmem:$0x10300] =	vst v63  }
0x14e: {  	v3 =	vld [tilespmem:$0x10060]  }
0x14f: {  	v57 =	vld [tilespmem:$0x10070]  }
0x150: {  	v58 =	vld [tilespmem:$0x100E0]  }
0x151: {  	v59 =	vld [tilespmem:$0x100F0];
	_ =	sdelay $0x1  }
0x152: {  	[tilespmem:$0x10200] =	vst v3  }
0x153: {  	[tilespmem:$0x10210] =	vst v57  }
0x154: {  	[tilespmem:$0x10280] =	vst v58  }
0x155: {  	[tilespmem:$0x10290] =	vst v59  }
0x156: {  	_ =	swait.ge [sflag:s21], $0x8000  }
0x157: {  	[sflag:s21] =	ssyncset.done $0x0  }
0x158: {  	[sflag:s21] =	ssyncadd.s32 $0xFFFF8000  }
0x159: {  	v3 =	vld [tilespmem:$0x10200];
	_ =	sdelay $0x4  }
0x15a: {  	v60 =	vshll.u32 v3, $0x3  }
0x15b: {  	v3 =	vand.u32 $0x7, v3;
	v4 =	vand.u32 $0xFFFFFFC0, v60  }
0x15c: {  	v3 =	vor.u32 v3, v4  }
0x15d: {  	v4 =	vperm.xlane v3, v0;
	_ =	sdelay $0x1  }
0x15e: {  	v4 =	vadd.s32 v1, v4;
	_ =	sdelay $0x4  }
0x15f: {  	[hbm4b:s3+s2] =	stream.indirect_vreg.scatter [tilespmem:s23], [sflag:$0x5], $0x80, v4, vm0, $0xb8;
	[tilespmem:$0x10300] =	vst v63  }
0x160: {  	s12 =	simm.s32 $0x8800;
	v3 =	vperm.xlane v3, v2  }
0x161: {  	[hbm4b:s5+s2] =	stream.indirect_vreg.scatter [tilespmem:s12], [sflag:$0x5], $0x80, v4, vm0, $0xb8;
	[tilespmem:$0x10300] =	vst v63  }
0x162: {  	s13 =	simm.s32 $0x9000;
	v3 =	vadd.s32 v1, v3  }
0x163: {  	[hbm4b:s6+s2] =	stream.indirect_vreg.scatter [tilespmem:s13], [sflag:$0x5], $0x80, v4, vm0, $0xb8;
	[tilespmem:$0x10300] =	vst v63  }
0x164: {  	s17 =	simm.s32 $0x9800  }
0x165: {  	[hbm4b:s7+s2] =	stream.indirect_vreg.scatter [tilespmem:s17], [sflag:$0x5], $0x80, v4, vm0, $0xb8;
	[tilespmem:$0x10300] =	vst v63  }
0x166: {  	s18 =	simm.s32 $0xA000  }
0x167: {  	[hbm4b:s3+s2] =	stream.indirect_vreg.scatter [tilespmem:s18], [sflag:$0x5], $0x80, v3, vm0, $0xb8;
	[tilespmem:$0x10300] =	vst v63  }
0x168: {  	s19 =	simm.s32 $0xA800  }
0x169: {  	[hbm4b:s5+s2] =	stream.indirect_vreg.scatter [tilespmem:s19], [sflag:$0x5], $0x80, v3, vm0, $0xb8;
	[tilespmem:$0x10300] =	vst v63  }
0x16a: {  	s20 =	simm.s32 $0xB000  }
0x16b: {  	[hbm4b:s6+s2] =	stream.indirect_vreg.scatter [tilespmem:s20], [sflag:$0x5], $0x80, v3, vm0, $0xb8;
	[tilespmem:$0x10300] =	vst v63  }
0x16c: {  	s21 =	simm.s32 $0xB800  }
0x16d: {  	[hbm4b:s7+s2] =	stream.indirect_vreg.scatter [tilespmem:s21], [sflag:$0x5], $0x80, v3, vm0, $0xb8;
	[tilespmem:$0x10300] =	vst v63  }
0x16e: {  	v3 =	vld [tilespmem:$0x10210];
	_ =	sdelay $0x4  }
0x16f: {  	v61 =	vshll.u32 v3, $0x3  }
0x170: {  	v3 =	vand.u32 $0x7, v3;
	v4 =	vand.u32 $0xFFFFFFC0, v61  }
0x171: {  	v3 =	vor.u32 v3, v4  }
0x172: {  	v4 =	vperm.xlane v3, v0;
	_ =	sdelay $0x1  }
0x173: {  	v4 =	vadd.s32 v1, v4;
	_ =	sdelay $0x3  }
0x174: {  	s8 =	simm.s32 $0xC000  }
0x175: {  	[hbm4b:s3+s2] =	stream.indirect_vreg.scatter [tilespmem:s8], [sflag:$0x5], $0x80, v4, vm0, $0xb8;
	[tilespmem:$0x10300] =	vst v63  }
0x176: {  	s11 =	simm.s32 $0xC800;
	v3 =	vperm.xlane v3, v2  }
0x177: {  	[hbm4b:s5+s2] =	stream.indirect_vreg.scatter [tilespmem:s11], [sflag:$0x5], $0x80, v4, vm0, $0xb8;
	[tilespmem:$0x10300] =	vst v63  }
0x178: {  	s14 =	simm.s32 $0xD000;
	v3 =	vadd.s32 v1, v3  }
0x179: {  	[hbm4b:s6+s2] =	stream.indirect_vreg.scatter [tilespmem:s14], [sflag:$0x5], $0x80, v4, vm0, $0xb8;
	[tilespmem:$0x10300] =	vst v63  }
0x17a: {  	s15 =	simm.s32 $0xD800  }
0x17b: {  	[hbm4b:s7+s2] =	stream.indirect_vreg.scatter [tilespmem:s15], [sflag:$0x5], $0x80, v4, vm0, $0xb8;
	[tilespmem:$0x10300] =	vst v63  }
0x17c: {  	s16 =	simm.s32 $0xE000  }
0x17d: {  	[hbm4b:s3+s2] =	stream.indirect_vreg.scatter [tilespmem:s16], [sflag:$0x5], $0x80, v3, vm0, $0xb8;
	[tilespmem:$0x10300] =	vst v63  }
0x17e: {  	s22 =	simm.s32 $0xE800  }
0x17f: {  	[hbm4b:s5+s2] =	stream.indirect_vreg.scatter [tilespmem:s22], [sflag:$0x5], $0x80, v3, vm0, $0xb8;
	[tilespmem:$0x10300] =	vst v63  }
0x180: {  	s25 =	simm.s32 $0xF000  }
0x181: {  	[hbm4b:s6+s2] =	stream.indirect_vreg.scatter [tilespmem:s25], [sflag:$0x5], $0x80, v3, vm0, $0xb8;
	[tilespmem:$0x10300] =	vst v63  }
0x182: {  	s26 =	simm.s32 $0xF800  }
0x183: {  	[hbm4b:s7+s2] =	stream.indirect_vreg.scatter [tilespmem:s26], [sflag:$0x5], $0x80, v3, vm0, $0xb8;
	[tilespmem:$0x10300] =	vst v63  }
0x184: {  	v3 =	vld [tilespmem:$0x10280];
	_ =	sdelay $0x4  }
0x185: {  	v62 =	vshll.u32 v3, $0x3  }
0x186: {  	v3 =	vand.u32 $0x7, v3;
	v4 =	vand.u32 $0xFFFFFFC0, v62  }
0x187: {  	v3 =	vor.u32 v3, v4  }
0x188: {  	v4 =	vperm.xlane v3, v0;
	_ =	sdelay $0x1  }
0x189: {  	v4 =	vadd.s32 v1, v4;
	_ =	sdelay $0x3  }
0x18a: {  	s24 =	simm.s32 $0x8000  }
0x18b: {  	[hbm4b:s3+s2] =	stream.indirect_vreg.scatter [tilespmem:s24], [sflag:$0x6], $0x80, v4, vm0, $0xb8;
	[tilespmem:$0x10300] =	vst v63  }
0x18c: {  	v3 =	vperm.xlane v3, v2  }
0x18d: {  	[hbm4b:s5+s2] =	stream.indirect_vreg.scatter [tilespmem:s12], [sflag:$0x6], $0x80, v4, vm0, $0xb8;
	[tilespmem:$0x10300] =	vst v63  }
0x18e: {  	v3 =	vadd.s32 v1, v3  }
0x18f: {  	[hbm4b:s6+s2] =	stream.indirect_vreg.scatter [tilespmem:s13], [sflag:$0x6], $0x80, v4, vm0, $0xb8;
	[tilespmem:$0x10300] =	vst v63  }
0x190: {  	_ = 	snop  }
0x191: {  	[hbm4b:s7+s2] =	stream.indirect_vreg.scatter [tilespmem:s17], [sflag:$0x6], $0x80, v4, vm0, $0xb8;
	[tilespmem:$0x10300] =	vst v63  }
0x192: {  	_ = 	snop  }
0x193: {  	[hbm4b:s3+s2] =	stream.indirect_vreg.scatter [tilespmem:s18], [sflag:$0x6], $0x80, v3, vm0, $0xb8;
	[tilespmem:$0x10300] =	vst v63  }
0x194: {  	_ = 	snop  }
0x195: {  	[hbm4b:s5+s2] =	stream.indirect_vreg.scatter [tilespmem:s19], [sflag:$0x6], $0x80, v3, vm0, $0xb8;
	[tilespmem:$0x10300] =	vst v63  }
0x196: {  	_ = 	snop  }
0x197: {  	[hbm4b:s6+s2] =	stream.indirect_vreg.scatter [tilespmem:s20], [sflag:$0x6], $0x80, v3, vm0, $0xb8;
	[tilespmem:$0x10300] =	vst v63  }
0x198: {  	_ = 	snop  }
0x199: {  	[hbm4b:s7+s2] =	stream.indirect_vreg.scatter [tilespmem:s21], [sflag:$0x6], $0x80, v3, vm0, $0xb8;
	[tilespmem:$0x10300] =	vst v63  }
0x19a: {  	v3 =	vld [tilespmem:$0x10290];
	_ =	sdelay $0x4  }
0x19b: {  	v63 =	vshll.u32 v3, $0x3  }
0x19c: {  	v3 =	vand.u32 $0x7, v3;
	v4 =	vand.u32 $0xFFFFFFC0, v63  }
0x19d: {  	v3 =	vor.u32 v3, v4  }
0x19e: {  	v4 =	vperm.xlane v3, v0;
	_ =	sdelay $0x1  }
0x19f: {  	v4 =	vadd.s32 v1, v4;
	_ =	sdelay $0x4  }
0x1a0: {  	[hbm4b:s3+s2] =	stream.indirect_vreg.scatter [tilespmem:s8], [sflag:$0x6], $0x80, v4, vm0, $0xb8;
	[tilespmem:$0x10300] =	vst v63  }
0x1a1: {  	v3 =	vperm.xlane v3, v2  }
0x1a2: {  	[hbm4b:s5+s2] =	stream.indirect_vreg.scatter [tilespmem:s11], [sflag:$0x6], $0x80, v4, vm0, $0xb8;
	[tilespmem:$0x10300] =	vst v63  }
0x1a3: {  	v3 =	vadd.s32 v1, v3  }
0x1a4: {  	[hbm4b:s6+s2] =	stream.indirect_vreg.scatter [tilespmem:s14], [sflag:$0x6], $0x80, v4, vm0, $0xb8;
	[tilespmem:$0x10300] =	vst v63  }
0x1a5: {  	_ = 	snop  }
0x1a6: {  	[hbm4b:s7+s2] =	stream.indirect_vreg.scatter [tilespmem:s15], [sflag:$0x6], $0x80, v4, vm0, $0xb8;
	[tilespmem:$0x10300] =	vst v63  }
0x1a7: {  	_ = 	snop  }
0x1a8: {  	[hbm4b:s3+s2] =	stream.indirect_vreg.scatter [tilespmem:s16], [sflag:$0x6], $0x80, v3, vm0, $0xb8;
	[tilespmem:$0x10300] =	vst v63  }
0x1a9: {  	_ = 	snop  }
0x1aa: {  	[hbm4b:s5+s2] =	stream.indirect_vreg.scatter [tilespmem:s22], [sflag:$0x6], $0x80, v3, vm0, $0xb8;
	[tilespmem:$0x10300] =	vst v63  }
0x1ab: {  	_ = 	snop  }
0x1ac: {  	[hbm4b:s6+s2] =	stream.indirect_vreg.scatter [tilespmem:s25], [sflag:$0x6], $0x80, v3, vm0, $0xb8;
	[tilespmem:$0x10300] =	vst v63  }
0x1ad: {  	_ = 	snop  }
0x1ae: {  	[hbm4b:s7+s2] =	stream.indirect_vreg.scatter [tilespmem:s26], [sflag:$0x6], $0x80, v3, vm0, $0xb8;
	[tilespmem:$0x10300] =	vst v63  }
0x1af: {  	_ =	swait.ge [sflag:s0], $0x8000  }
0x1b0: {  	[sflag:s0] =	ssyncset.done $0x0  }
0x1b1: {  	[sflag:s0] =	ssyncadd.s32 $0xFFFF8000  }
0x1b2: {  	_ =	swait.ge [sflag:s1], $0x8000  }
0x1b3: {  	[sflag:s1] =	ssyncset.done $0x0  }
0x1b4: {  	[sflag:s1] =	ssyncadd.s32 $0xFFFF8000  }
0x1b5: {  	p0 =	sne.s32 s30, $0x1;
	_ =	swait.ge [sflag:s4], $0x8000  }
.Ltmp0:
0x1b6: {  	[sflag:s4] =	ssyncset.done $0x0;
	(pc) =	sbr.rel @p0 .LBB2_1-.Ltmp0, $4  }
0x1b7: {  	[sflag:s4] =	ssyncadd.s32 $0xFFFF8000  }
0x1b8: {  	_ =	swait.ge [sflag:s9], $0x8000  }
0x1b9: {  	[sflag:s9] =	ssyncset.done $0x0  }
0x1ba: {  	s30 =	sadd.s32 $0xFFFFFFFF, s30;
	[sflag:s9] =	ssyncadd.s32 $0xFFFF8000  }
0x1bb: {  	_ =	sfence.sel $0x180000  }
0x1bc: {  	[bflag:$0x0] =	sbarrier.arrive $0xFFFF  }
0x1bd: {  	_ =	strace $0x90000047  }
0x1be: {  	s0 =	stileid.u32;
	[bflag:$0x2] =	sbarrier.arrive $0xFFFF  }
0x1bf: {  	p0 =	sne.s32 s0, $0x0;
	s0 =	rddreg [dreg:$0x2]  }
0x1c0: {  	s0 =	sadd.s32 @!p0 $0x100000, s0  }
0x1c1: {  	[sflag:s0] =	ssyncadd.tile.s32 @!p0 $0x1;
	_ =	shalt  }
.Lfunc_end2:
_tile_overlayer_lowered:
.L_overlay_start_2:
0x1c2: {  	(tag) =	ssettag $0x2  }
0x1c3: {  	s0 =	rddreg [dreg:$0x0];
	s2 =	stileid.u32  }
0x1c4: {  	s1 =	rddreg [dreg:$0x1];
	p0 =	sne.s32 s2, $0x0  }
0x1c5: {  	s3 =	rddreg [dreg:$0x2];
	[bflag:$0x3] =	sbarrier.arrive $0xFFFF;
	s2 =	simm.s32 @!p0 $0x1C07  }
0x1c6: {  	[timem:s3], [sflag:s2] =	dma.local @!p0 [hbm:s0], s1  }
0x1c7: {  	s0 =	simm.s32 @!p0 $0x7  }
0x1c8: {  	_ =	swait.ge @!p0 [sflag:s0], s1  }
0x1c9: {  	s1 =	ssub.s32 @!p0 $0x0, s1;
	[sflag:s0] =	ssyncset.done @!p0 $0x0  }
0x1ca: {  	[sflag:s0] =	ssyncadd.s32 @!p0 s1  }
0x1cb: {  	[bflag:$0x3] =	sbarrier.arrive $0xFFFF  }
0x1cc: {  	_ =	shalt  }

</sc_bundles>
